<compile_context>
chip_gen: v7x
topology: tpu7x:2x2x1
jax: 0.10.2.dev20260603
libtpu: 0.0.44.dev20260713+nightly
codegen_flags: <defaults>
</compile_context>

<pallas_src>
import functools

import jax
import jax.numpy as jnp
from jax import lax
from jax.experimental import pallas as pl
from jax.experimental.pallas import tpu as pltpu
from jax.experimental.pallas import tpu_sc as plsc

VOCAB = 100000
D = 128
B, T = 1024, 200
N = B * T

NC, NS, L = 2, 16, 16
NW = NC * NS
ROWS_PER_W = N // NW
CH = 128
NCH = ROWS_PER_W // CH
GROUPS = CH // L


NB = 5
CU = 8


def _sc_body(table, idx2, tgt, out, s_out, t_out,
             idx_b, tgt_b, rows, s_b, t_b, *sems):
    wid = lax.axis_index("s") * NC + lax.axis_index("c")
    base_row = wid * ROWS_PER_W

    iota16 = lax.broadcasted_iota(jnp.int32, (L,), 0)
    sems_g = sems[:NB]
    sems_o = sems[NB:2 * NB]
    sem_t = sems[2 * NB]
    pltpu.sync_copy(idx2.at[wid], idx_b)
    tgt_cp = pltpu.async_copy(tgt.at[pl.ds(base_row, ROWS_PER_W)], tgt_b,
                              sem_t)

    def out_slice(c):
        return out.at[pl.ds(base_row + c * CH, CH)]

    def compute(c, rows_b):
        def group_body(g, carry):
            rid = iota16 + g * L
            def col_body(c2, acc):
                for u in range(CU):
                    col = (iota16 + (c2 * CU + u)) & (D - 1)
                    acc = acc + jnp.exp(plsc.load_gather(rows_b, [rid, col]))
                return acc
            acc = lax.fori_loop(0, D // CU, col_body,
                                jnp.zeros((L,), jnp.float32))
            toff = c * CH + g * L
            tval = plsc.load_gather(rows_b, [rid, tgt_b[pl.ds(toff, L)]])
            s_b[pl.ds(toff, L)] = acc
            t_b[pl.ds(toff, L)] = tval
            return carry
        lax.fori_loop(0, GROUPS, group_body, 0)

    for b0 in range(NB - 1):
        pltpu.async_copy(table.at[idx_b.at[b0]], rows.at[b0], sems_g[b0])
    tgt_cp.wait()

    def ring(p, carry):
        for b in range(NB):
            c = p * NB + b
            bprev = (b + NB - 1) % NB
            rows_b = rows.at[b]
            pltpu.make_async_copy(table.at[idx_b.at[c]], rows_b,
                                  sems_g[b]).wait()

            @pl.when(c >= 1)
            def _():
                pltpu.make_async_copy(rows.at[bprev], out_slice(c - 1),
                                      sems_o[bprev]).wait()

            @pl.when(c + NB - 1 < NCH)
            def _():
                pltpu.async_copy(table.at[idx_b.at[c + NB - 1]],
                                 rows.at[bprev], sems_g[bprev])

            pltpu.async_copy(rows_b, out_slice(c), sems_o[b])
            compute(c, rows_b)
        return carry

    lax.fori_loop(0, NCH // NB, ring, 0)
    pltpu.make_async_copy(rows.at[(NCH - 1) % NB], out_slice(NCH - 1),
                          sems_o[(NCH - 1) % NB]).wait()
    pltpu.sync_copy(s_b, s_out.at[pl.ds(base_row, ROWS_PER_W)])
    pltpu.sync_copy(t_b, t_out.at[pl.ds(base_row, ROWS_PER_W)])


_sc_call = functools.partial(
    pl.kernel,
    out_type=(
        jax.ShapeDtypeStruct((N, D), jnp.float32),
        jax.ShapeDtypeStruct((N,), jnp.float32),
        jax.ShapeDtypeStruct((N,), jnp.float32),
    ),
    mesh=plsc.VectorSubcoreMesh(core_axis_name="c", subcore_axis_name="s"),
    scratch_types=(
        pltpu.VMEM((NCH, CH), jnp.int32),
        pltpu.VMEM((ROWS_PER_W,), jnp.int32),
        pltpu.VMEM((NB, CH, D), jnp.float32),
        pltpu.VMEM((ROWS_PER_W,), jnp.float32),
        pltpu.VMEM((ROWS_PER_W,), jnp.float32),
        *([pltpu.SemaphoreType.DMA] * (2 * NB + 1)),
    ),
    compiler_params=pltpu.CompilerParams(needs_layout_passes=False),
)(_sc_body)


def _loss_body(s_ref, t_ref, o_ref):
    o_ref[0, 0] = (jnp.sum(jnp.log(s_ref[...])) - jnp.sum(t_ref[...])) * (
        1.0 / N)


_loss_call = pl.pallas_call(
    _loss_body,
    out_shape=jax.ShapeDtypeStruct((1, 1), jnp.float32),
    out_specs=pl.BlockSpec(memory_space=pltpu.SMEM),
)


def kernel(input, target, table):
    idx2 = input.reshape(NW, NCH, CH)
    tgt = target.reshape(N)
    logits_flat, s, tv = _sc_call(table, idx2, tgt)
    loss = _loss_call(s.reshape(N // D, D), tv.reshape(N // D, D))[0, 0]
    return logits_flat.reshape(B, T, D), loss

# --- scband reference (transcript-rebuilt; emitter-appended) ---
"""Pipeline reference for scband-bigram-model-20083267076621 (READ-ONLY COPY).

The authoritative reference and input builder live on the scoring server;
editing this copy changes nothing except your own understanding.
"""

import jax, jax.numpy as jnp
import numpy as np

VOCAB = 100000
DIM = 128
B, T = 1024, 200

def setup_inputs(seed: int = 0) -> dict:
    key = jax.random.key(seed)
    k1, k2, k3 = jax.random.split(key, 3)
    inp = jax.random.randint(k1, (B, T), 0, VOCAB, dtype=jnp.int32)
    target = jax.random.randint(k2, (B, T), 0, DIM, dtype=jnp.int32)
    table = jax.random.normal(k3, (VOCAB, DIM), dtype=jnp.float32)
    return {"input": inp, "target": target, "table": table}

def reference(input, target, table):
    # nn.Embedding lookup -> gather rows from table
    logits = jnp.take(table, input, axis=0)  # [B, T, C]
    Bn, Tn, C = logits.shape
    logits_flat = logits.reshape(Bn * Tn, C)
    target_flat = target.reshape(Bn * Tn)
    # F.cross_entropy = mean over batch of -log_softmax(logits)[target]
    logp = jax.nn.log_softmax(logits_flat, axis=-1)
    nll = -jnp.take_along_axis(logp, target_flat[:, None], axis=1)[:, 0]
    loss = jnp.mean(nll)
    return (logits, loss)

if __name__ == "__main__":
    import jax
    _d = setup_inputs()
    print(jax.jit(kernel)(*tuple(_d.values())))

</pallas_src>

<mosaic_0001>
#map = affine_map<(d0, d1) -> (0, 0)>
#map1 = affine_map<(d0, d1) -> (0, 0, 0)>
#map2 = affine_map<(d0, d1) -> (0)>
module attributes {stable_mosaic.version = 14 : i64} {
  func.func @_sc_body(%arg0: i32, %arg1: i32, %arg2: memref<100000x128xf32, #tpu.memory_space<hbm>>, %arg3: memref<32x50x128xi32, #tpu.memory_space<hbm>>, %arg4: memref<204800xi32, #tpu.memory_space<hbm>>, %arg5: memref<204800x128xf32, #tpu.memory_space<hbm>>, %arg6: memref<204800xf32, #tpu.memory_space<hbm>>, %arg7: memref<204800xf32, #tpu.memory_space<hbm>>, %arg8: memref<50x128xi32, #tpu.memory_space<vmem>>, %arg9: memref<6400xi32, #tpu.memory_space<vmem>>, %arg10: memref<5x128x128xf32, #tpu.memory_space<vmem>>, %arg11: memref<6400xf32, #tpu.memory_space<vmem>>, %arg12: memref<6400xf32, #tpu.memory_space<vmem>>, %arg13: memref<!tpu.dma_semaphore, #tpu.memory_space<semaphore_mem>>, %arg14: memref<!tpu.dma_semaphore, #tpu.memory_space<semaphore_mem>>, %arg15: memref<!tpu.dma_semaphore, #tpu.memory_space<semaphore_mem>>, %arg16: memref<!tpu.dma_semaphore, #tpu.memory_space<semaphore_mem>>, %arg17: memref<!tpu.dma_semaphore, #tpu.memory_space<semaphore_mem>>, %arg18: memref<!tpu.dma_semaphore, #tpu.memory_space<semaphore_mem>>, %arg19: memref<!tpu.dma_semaphore, #tpu.memory_space<semaphore_mem>>, %arg20: memref<!tpu.dma_semaphore, #tpu.memory_space<semaphore_mem>>, %arg21: memref<!tpu.dma_semaphore, #tpu.memory_space<semaphore_mem>>, %arg22: memref<!tpu.dma_semaphore, #tpu.memory_space<semaphore_mem>>, %arg23: memref<!tpu.dma_semaphore, #tpu.memory_space<semaphore_mem>>) attributes {dimension_semantics = [#tpu.dimension_semantics<core_parallel>, #tpu.dimension_semantics<subcore_parallel>], iteration_bounds = array<i64: 2, 16>, scalar_prefetch = 0 : i64, scratch_operands = 16 : i64, tpu.core_type = #tpu.core_type<sc_vector_subcore>, window_params = [{transform_indices = #map}, {transform_indices = #map1}, {transform_indices = #map2}, {transform_indices = #map}, {transform_indices = #map2}, {transform_indices = #map2}]} {
    %mul3A = arith.constant 2 : i32
    %mul3A_0 = arith.muli %arg1, %mul3A : i32
    %add3A = arith.addi %mul3A_0, %arg0 : i32
    %mul3A_1 = arith.constant 6400 : i32
    %mul3A_2 = arith.muli %add3A, %mul3A_1 : i32
    %iota3A = tpu.iota {dimensions = array<i32: 0>} : vector<16xi32>
    "tpu.region"() ({
      %run_scoped3A = tpu.sem_alloc : memref<!tpu.dma_semaphore, #tpu.memory_space<semaphore_mem>>
      %dma_start3A_73 = arith.constant 0 : i32
      %dma_start3A_74 = arith.constant 0 : i32
      %dma_start3A_75 = tpu.memref_slice %arg3[%add3A, %dma_start3A_73, %dma_start3A_74] : memref<32x50x128xi32, #tpu.memory_space<hbm>> -> memref<1x50x128xi32, #tpu.memory_space<hbm>>
      %dma_start3A_76 = tpu.memref_squeeze %dma_start3A_75 : memref<1x50x128xi32, #tpu.memory_space<hbm>> -> memref<50x128xi32, #tpu.memory_space<hbm>>
      %dma_start3A_77 = arith.constant 0 : i32
      %dma_start3A_78 = arith.constant 0 : i32
      %dma_start3A_79 = tpu.memref_slice %arg3[%add3A, %dma_start3A_77, %dma_start3A_78] : memref<32x50x128xi32, #tpu.memory_space<hbm>> -> memref<1x50x128xi32, #tpu.memory_space<hbm>>
      %dma_start3A_80 = tpu.memref_squeeze %dma_start3A_79 : memref<1x50x128xi32, #tpu.memory_space<hbm>> -> memref<50x128xi32, #tpu.memory_space<hbm>>
      tpu.enqueue_dma source(%dma_start3A_80 : memref<50x128xi32, #tpu.memory_space<hbm>>) target(%arg8 : memref<50x128xi32, #tpu.memory_space<vmem>>) target_semaphore(%run_scoped3A : memref<!tpu.dma_semaphore, #tpu.memory_space<semaphore_mem>>)
      %dma_wait3A_81 = arith.constant 0 : i32
      %dma_wait3A_82 = arith.constant 0 : i32
      %dma_wait3A_83 = tpu.memref_slice %arg3[%add3A, %dma_wait3A_81, %dma_wait3A_82] : memref<32x50x128xi32, #tpu.memory_space<hbm>> -> memref<1x50x128xi32, #tpu.memory_space<hbm>>
      %dma_wait3A_84 = tpu.memref_squeeze %dma_wait3A_83 : memref<1x50x128xi32, #tpu.memory_space<hbm>> -> memref<50x128xi32, #tpu.memory_space<hbm>>
      %dma_wait3A_85 = arith.constant 0 : i32
      %dma_wait3A_86 = arith.constant 0 : i32
      %dma_wait3A_87 = tpu.memref_slice %arg3[%add3A, %dma_wait3A_85, %dma_wait3A_86] : memref<32x50x128xi32, #tpu.memory_space<hbm>> -> memref<1x50x128xi32, #tpu.memory_space<hbm>>
      %dma_wait3A_88 = tpu.memref_squeeze %dma_wait3A_87 : memref<1x50x128xi32, #tpu.memory_space<hbm>> -> memref<50x128xi32, #tpu.memory_space<hbm>>
      tpu.wait_dma2 semaphore(%run_scoped3A : memref<!tpu.dma_semaphore, #tpu.memory_space<semaphore_mem>>) src(%dma_wait3A_88 : memref<50x128xi32, #tpu.memory_space<hbm>>) dst(%arg8 : memref<50x128xi32, #tpu.memory_space<vmem>>)
      tpu.yield
    }) : () -> ()
    %dma_start3A = tpu.memref_slice %arg4[%mul3A_2] : memref<204800xi32, #tpu.memory_space<hbm>> -> memref<6400xi32, #tpu.memory_space<hbm>>
    %dma_start3A_3 = tpu.memref_slice %arg4[%mul3A_2] : memref<204800xi32, #tpu.memory_space<hbm>> -> memref<6400xi32, #tpu.memory_space<hbm>>
    tpu.enqueue_dma source(%dma_start3A_3 : memref<6400xi32, #tpu.memory_space<hbm>>) target(%arg9 : memref<6400xi32, #tpu.memory_space<vmem>>) target_semaphore(%arg23 : memref<!tpu.dma_semaphore, #tpu.memory_space<semaphore_mem>>)
    %dma_start3A_4 = arith.constant 0 : i32
    %dma_start3A_5 = arith.constant 0 : i32
    %dma_start3A_6 = arith.constant 0 : i32
    %dma_start3A_7 = arith.constant 0 : i32
    %dma_start3A_8 = tpu.memref_slice %arg10[%dma_start3A_5, %dma_start3A_6, %dma_start3A_7] : memref<5x128x128xf32, #tpu.memory_space<vmem>> -> memref<1x128x128xf32, #tpu.memory_space<vmem>>
    %dma_start3A_9 = tpu.memref_squeeze %dma_start3A_8 : memref<1x128x128xf32, #tpu.memory_space<vmem>> -> memref<128x128xf32, #tpu.memory_space<vmem>>
    %dma_start3A_10 = arith.constant 0 : i32
    %dma_start3A_11 = tpu.memref_slice %arg8[%dma_start3A_4, %dma_start3A_10] : memref<50x128xi32, #tpu.memory_space<vmem>> -> memref<1x128xi32, #tpu.memory_space<vmem>>
    %dma_start3A_12 = tpu.memref_squeeze %dma_start3A_11 : memref<1x128xi32, #tpu.memory_space<vmem>> -> memref<128xi32, #tpu.memory_space<vmem>>
    %dma_start3A_13 = arith.constant 0 : i32
    %dma_start3A_14 = arith.constant 0 : i32
    %dma_start3A_15 = tpu.memref_slice %arg2[%dma_start3A_13, %dma_start3A_14] : memref<100000x128xf32, #tpu.memory_space<hbm>> -> memref<100000x128xf32, #tpu.memory_space<hbm>>
    tpu.enqueue_indirect_dma source(%dma_start3A_15 : memref<100000x128xf32, #tpu.memory_space<hbm>>) target(%dma_start3A_9 : memref<128x128xf32, #tpu.memory_space<vmem>>) offsets(%dma_start3A_12 : memref<128xi32, #tpu.memory_space<vmem>>) semaphore(%arg13 : memref<!tpu.dma_semaphore, #tpu.memory_space<semaphore_mem>>)
    %dma_start3A_16 = arith.constant 1 : i32
    %dma_start3A_17 = arith.constant 1 : i32
    %dma_start3A_18 = arith.constant 0 : i32
    %dma_start3A_19 = arith.constant 0 : i32
    %dma_start3A_20 = tpu.memref_slice %arg10[%dma_start3A_17, %dma_start3A_18, %dma_start3A_19] : memref<5x128x128xf32, #tpu.memory_space<vmem>> -> memref<1x128x128xf32, #tpu.memory_space<vmem>>
    %dma_start3A_21 = tpu.memref_squeeze %dma_start3A_20 : memref<1x128x128xf32, #tpu.memory_space<vmem>> -> memref<128x128xf32, #tpu.memory_space<vmem>>
    %dma_start3A_22 = arith.constant 0 : i32
    %dma_start3A_23 = tpu.memref_slice %arg8[%dma_start3A_16, %dma_start3A_22] : memref<50x128xi32, #tpu.memory_space<vmem>> -> memref<1x128xi32, #tpu.memory_space<vmem>>
    %dma_start3A_24 = tpu.memref_squeeze %dma_start3A_23 : memref<1x128xi32, #tpu.memory_space<vmem>> -> memref<128xi32, #tpu.memory_space<vmem>>
    %dma_start3A_25 = arith.constant 0 : i32
    %dma_start3A_26 = arith.constant 0 : i32
    %dma_start3A_27 = tpu.memref_slice %arg2[%dma_start3A_25, %dma_start3A_26] : memref<100000x128xf32, #tpu.memory_space<hbm>> -> memref<100000x128xf32, #tpu.memory_space<hbm>>
    tpu.enqueue_indirect_dma source(%dma_start3A_27 : memref<100000x128xf32, #tpu.memory_space<hbm>>) target(%dma_start3A_21 : memref<128x128xf32, #tpu.memory_space<vmem>>) offsets(%dma_start3A_24 : memref<128xi32, #tpu.memory_space<vmem>>) semaphore(%arg14 : memref<!tpu.dma_semaphore, #tpu.memory_space<semaphore_mem>>)
    %dma_start3A_28 = arith.constant 2 : i32
    %dma_start3A_29 = arith.constant 2 : i32
    %dma_start3A_30 = arith.constant 0 : i32
    %dma_start3A_31 = arith.constant 0 : i32
    %dma_start3A_32 = tpu.memref_slice %arg10[%dma_start3A_29, %dma_start3A_30, %dma_start3A_31] : memref<5x128x128xf32, #tpu.memory_space<vmem>> -> memref<1x128x128xf32, #tpu.memory_space<vmem>>
    %dma_start3A_33 = tpu.memref_squeeze %dma_start3A_32 : memref<1x128x128xf32, #tpu.memory_space<vmem>> -> memref<128x128xf32, #tpu.memory_space<vmem>>
    %dma_start3A_34 = arith.constant 0 : i32
    %dma_start3A_35 = tpu.memref_slice %arg8[%dma_start3A_28, %dma_start3A_34] : memref<50x128xi32, #tpu.memory_space<vmem>> -> memref<1x128xi32, #tpu.memory_space<vmem>>
    %dma_start3A_36 = tpu.memref_squeeze %dma_start3A_35 : memref<1x128xi32, #tpu.memory_space<vmem>> -> memref<128xi32, #tpu.memory_space<vmem>>
    %dma_start3A_37 = arith.constant 0 : i32
    %dma_start3A_38 = arith.constant 0 : i32
    %dma_start3A_39 = tpu.memref_slice %arg2[%dma_start3A_37, %dma_start3A_38] : memref<100000x128xf32, #tpu.memory_space<hbm>> -> memref<100000x128xf32, #tpu.memory_space<hbm>>
    tpu.enqueue_indirect_dma source(%dma_start3A_39 : memref<100000x128xf32, #tpu.memory_space<hbm>>) target(%dma_start3A_33 : memref<128x128xf32, #tpu.memory_space<vmem>>) offsets(%dma_start3A_36 : memref<128xi32, #tpu.memory_space<vmem>>) semaphore(%arg15 : memref<!tpu.dma_semaphore, #tpu.memory_space<semaphore_mem>>)
    %dma_start3A_40 = arith.constant 3 : i32
    %dma_start3A_41 = arith.constant 3 : i32
    %dma_start3A_42 = arith.constant 0 : i32
    %dma_start3A_43 = arith.constant 0 : i32
    %dma_start3A_44 = tpu.memref_slice %arg10[%dma_start3A_41, %dma_start3A_42, %dma_start3A_43] : memref<5x128x128xf32, #tpu.memory_space<vmem>> -> memref<1x128x128xf32, #tpu.memory_space<vmem>>
    %dma_start3A_45 = tpu.memref_squeeze %dma_start3A_44 : memref<1x128x128xf32, #tpu.memory_space<vmem>> -> memref<128x128xf32, #tpu.memory_space<vmem>>
    %dma_start3A_46 = arith.constant 0 : i32
    %dma_start3A_47 = tpu.memref_slice %arg8[%dma_start3A_40, %dma_start3A_46] : memref<50x128xi32, #tpu.memory_space<vmem>> -> memref<1x128xi32, #tpu.memory_space<vmem>>
    %dma_start3A_48 = tpu.memref_squeeze %dma_start3A_47 : memref<1x128xi32, #tpu.memory_space<vmem>> -> memref<128xi32, #tpu.memory_space<vmem>>
    %dma_start3A_49 = arith.constant 0 : i32
    %dma_start3A_50 = arith.constant 0 : i32
    %dma_start3A_51 = tpu.memref_slice %arg2[%dma_start3A_49, %dma_start3A_50] : memref<100000x128xf32, #tpu.memory_space<hbm>> -> memref<100000x128xf32, #tpu.memory_space<hbm>>
    tpu.enqueue_indirect_dma source(%dma_start3A_51 : memref<100000x128xf32, #tpu.memory_space<hbm>>) target(%dma_start3A_45 : memref<128x128xf32, #tpu.memory_space<vmem>>) offsets(%dma_start3A_48 : memref<128xi32, #tpu.memory_space<vmem>>) semaphore(%arg16 : memref<!tpu.dma_semaphore, #tpu.memory_space<semaphore_mem>>)
    %dma_wait3A = tpu.memref_slice %arg4[%mul3A_2] : memref<204800xi32, #tpu.memory_space<hbm>> -> memref<6400xi32, #tpu.memory_space<hbm>>
    %dma_wait3A_52 = tpu.memref_slice %arg4[%mul3A_2] : memref<204800xi32, #tpu.memory_space<hbm>> -> memref<6400xi32, #tpu.memory_space<hbm>>
    tpu.wait_dma2 semaphore(%arg23 : memref<!tpu.dma_semaphore, #tpu.memory_space<semaphore_mem>>) src(%dma_wait3A_52 : memref<6400xi32, #tpu.memory_space<hbm>>) dst(%arg9 : memref<6400xi32, #tpu.memory_space<vmem>>)
    %scan3A = arith.constant 0 : i32
    %scan3A_53 = arith.constant 0 : i32
    %scan3A_54 = arith.constant 10 : i32
    %scan3A_55 = arith.addi %scan3A_53, %scan3A_54 : i32
    %scan3A_56 = arith.constant 1 : i32
    scf.for %scan3A_73 = %scan3A_53 to %scan3A_55 step %scan3A_56  : i32 {
      %mul3A_74 = arith.constant 5 : i32
      %mul3A_75 = arith.muli %scan3A_73, %mul3A_74 : i32
      %add3A_76 = arith.constant 0 : i32
      %add3A_77 = arith.addi %mul3A_75, %add3A_76 : i32
      %dma_wait3A_78 = arith.constant 0 : i32
      %dma_wait3A_79 = arith.constant 0 : i32
      %dma_wait3A_80 = arith.constant 0 : i32
      %dma_wait3A_81 = tpu.memref_slice %arg10[%dma_wait3A_78, %dma_wait3A_79, %dma_wait3A_80] : memref<5x128x128xf32, #tpu.memory_space<vmem>> -> memref<1x128x128xf32, #tpu.memory_space<vmem>>
      %dma_wait3A_82 = tpu.memref_squeeze %dma_wait3A_81 : memref<1x128x128xf32, #tpu.memory_space<vmem>> -> memref<128x128xf32, #tpu.memory_space<vmem>>
      %dma_wait3A_83 = arith.constant 0 : i32
      %dma_wait3A_84 = tpu.memref_slice %arg8[%add3A_77, %dma_wait3A_83] : memref<50x128xi32, #tpu.memory_space<vmem>> -> memref<1x128xi32, #tpu.memory_space<vmem>>
      %dma_wait3A_85 = tpu.memref_squeeze %dma_wait3A_84 : memref<1x128xi32, #tpu.memory_space<vmem>> -> memref<128xi32, #tpu.memory_space<vmem>>
      %dma_wait3A_86 = arith.constant 0 : i32
      %dma_wait3A_87 = arith.constant 0 : i32
      %dma_wait3A_88 = tpu.memref_slice %arg2[%dma_wait3A_86, %dma_wait3A_87] : memref<100000x128xf32, #tpu.memory_space<hbm>> -> memref<100000x128xf32, #tpu.memory_space<hbm>>
      tpu.wait_indirect_dma semaphore(%arg13 : memref<!tpu.dma_semaphore, #tpu.memory_space<semaphore_mem>>) src(%dma_wait3A_88 : memref<100000x128xf32, #tpu.memory_space<hbm>>) dst(%dma_wait3A_82 : memref<128x128xf32, #tpu.memory_space<vmem>>)
      %ge3A = arith.constant 1 : i32
      %ge3A_89 = arith.cmpi sge, %add3A_77, %ge3A : i32
      %convert_element_type3A = arith.extui %ge3A_89 : i1 to i32
      %cond3A = arith.constant 0 : i32
      %cond3A_90 = arith.cmpi ne, %convert_element_type3A, %cond3A : i32
      scf.if %cond3A_90 {
        %sub3A_329 = arith.constant 1 : i32
        %sub3A_330 = arith.subi %add3A_77, %sub3A_329 : i32
        %mul3A_331 = arith.constant 128 : i32
        %mul3A_332 = arith.muli %sub3A_330, %mul3A_331 : i32
        %add3A_333 = arith.addi %mul3A_2, %mul3A_332 : i32
        %dma_wait3A_334 = arith.constant 4 : i32
        %dma_wait3A_335 = arith.constant 0 : i32
        %dma_wait3A_336 = arith.constant 0 : i32
        %dma_wait3A_337 = tpu.memref_slice %arg10[%dma_wait3A_334, %dma_wait3A_335, %dma_wait3A_336] : memref<5x128x128xf32, #tpu.memory_space<vmem>> -> memref<1x128x128xf32, #tpu.memory_space<vmem>>
        %dma_wait3A_338 = tpu.memref_squeeze %dma_wait3A_337 : memref<1x128x128xf32, #tpu.memory_space<vmem>> -> memref<128x128xf32, #tpu.memory_space<vmem>>
        %dma_wait3A_339 = arith.constant 0 : i32
        %dma_wait3A_340 = tpu.memref_slice %arg5[%add3A_333, %dma_wait3A_339] : memref<204800x128xf32, #tpu.memory_space<hbm>> -> memref<128x128xf32, #tpu.memory_space<hbm>>
        %dma_wait3A_341 = arith.constant 0 : i32
        %dma_wait3A_342 = tpu.memref_slice %arg5[%add3A_333, %dma_wait3A_341] : memref<204800x128xf32, #tpu.memory_space<hbm>> -> memref<128x128xf32, #tpu.memory_space<hbm>>
        %dma_wait3A_343 = arith.constant 0 : i32
        %dma_wait3A_344 = arith.constant 0 : i32
        %dma_wait3A_345 = tpu.memref_slice %arg10[%dma_wait3A_334, %dma_wait3A_343, %dma_wait3A_344] : memref<5x128x128xf32, #tpu.memory_space<vmem>> -> memref<1x128x128xf32, #tpu.memory_space<vmem>>
        %dma_wait3A_346 = tpu.memref_squeeze %dma_wait3A_345 : memref<1x128x128xf32, #tpu.memory_space<vmem>> -> memref<128x128xf32, #tpu.memory_space<vmem>>
        tpu.wait_dma2 semaphore(%arg22 : memref<!tpu.dma_semaphore, #tpu.memory_space<semaphore_mem>>) src(%dma_wait3A_346 : memref<128x128xf32, #tpu.memory_space<vmem>>) dst(%dma_wait3A_342 : memref<128x128xf32, #tpu.memory_space<hbm>>)
      } else {
      }
      %add3A_91 = arith.constant 5 : i32
      %add3A_92 = arith.addi %add3A_77, %add3A_91 : i32
      %sub3A = arith.constant 1 : i32
      %sub3A_93 = arith.subi %add3A_92, %sub3A : i32
      %lt3A = arith.constant 50 : i32
      %lt3A_94 = arith.cmpi slt, %sub3A_93, %lt3A : i32
      %convert_element_type3A_95 = arith.extui %lt3A_94 : i1 to i32
      %cond3A_96 = arith.constant 0 : i32
      %cond3A_97 = arith.cmpi ne, %convert_element_type3A_95, %cond3A_96 : i32
      scf.if %cond3A_97 {
        %add3A_329 = arith.constant 5 : i32
        %add3A_330 = arith.addi %add3A_77, %add3A_329 : i32
        %sub3A_331 = arith.constant 1 : i32
        %sub3A_332 = arith.subi %add3A_330, %sub3A_331 : i32
        %dma_start3A_333 = arith.constant 4 : i32
        %dma_start3A_334 = arith.constant 0 : i32
        %dma_start3A_335 = arith.constant 0 : i32
        %dma_start3A_336 = tpu.memref_slice %arg10[%dma_start3A_333, %dma_start3A_334, %dma_start3A_335] : memref<5x128x128xf32, #tpu.memory_space<vmem>> -> memref<1x128x128xf32, #tpu.memory_space<vmem>>
        %dma_start3A_337 = tpu.memref_squeeze %dma_start3A_336 : memref<1x128x128xf32, #tpu.memory_space<vmem>> -> memref<128x128xf32, #tpu.memory_space<vmem>>
        %dma_start3A_338 = arith.constant 0 : i32
        %dma_start3A_339 = tpu.memref_slice %arg8[%sub3A_332, %dma_start3A_338] : memref<50x128xi32, #tpu.memory_space<vmem>> -> memref<1x128xi32, #tpu.memory_space<vmem>>
        %dma_start3A_340 = tpu.memref_squeeze %dma_start3A_339 : memref<1x128xi32, #tpu.memory_space<vmem>> -> memref<128xi32, #tpu.memory_space<vmem>>
        %dma_start3A_341 = arith.constant 0 : i32
        %dma_start3A_342 = arith.constant 0 : i32
        %dma_start3A_343 = tpu.memref_slice %arg2[%dma_start3A_341, %dma_start3A_342] : memref<100000x128xf32, #tpu.memory_space<hbm>> -> memref<100000x128xf32, #tpu.memory_space<hbm>>
        tpu.enqueue_indirect_dma source(%dma_start3A_343 : memref<100000x128xf32, #tpu.memory_space<hbm>>) target(%dma_start3A_337 : memref<128x128xf32, #tpu.memory_space<vmem>>) offsets(%dma_start3A_340 : memref<128xi32, #tpu.memory_space<vmem>>) semaphore(%arg17 : memref<!tpu.dma_semaphore, #tpu.memory_space<semaphore_mem>>)
      } else {
      }
      %mul3A_98 = arith.constant 128 : i32
      %mul3A_99 = arith.muli %add3A_77, %mul3A_98 : i32
      %add3A_100 = arith.addi %mul3A_2, %mul3A_99 : i32
      %dma_start3A_101 = arith.constant 0 : i32
      %dma_start3A_102 = arith.constant 0 : i32
      %dma_start3A_103 = arith.constant 0 : i32
      %dma_start3A_104 = tpu.memref_slice %arg10[%dma_start3A_101, %dma_start3A_102, %dma_start3A_103] : memref<5x128x128xf32, #tpu.memory_space<vmem>> -> memref<1x128x128xf32, #tpu.memory_space<vmem>>
      %dma_start3A_105 = tpu.memref_squeeze %dma_start3A_104 : memref<1x128x128xf32, #tpu.memory_space<vmem>> -> memref<128x128xf32, #tpu.memory_space<vmem>>
      %dma_start3A_106 = arith.constant 0 : i32
      %dma_start3A_107 = tpu.memref_slice %arg5[%add3A_100, %dma_start3A_106] : memref<204800x128xf32, #tpu.memory_space<hbm>> -> memref<128x128xf32, #tpu.memory_space<hbm>>
      %dma_start3A_108 = arith.constant 0 : i32
      %dma_start3A_109 = tpu.memref_slice %arg5[%add3A_100, %dma_start3A_108] : memref<204800x128xf32, #tpu.memory_space<hbm>> -> memref<128x128xf32, #tpu.memory_space<hbm>>
      %dma_start3A_110 = arith.constant 0 : i32
      %dma_start3A_111 = arith.constant 0 : i32
      %dma_start3A_112 = tpu.memref_slice %arg10[%dma_start3A_101, %dma_start3A_110, %dma_start3A_111] : memref<5x128x128xf32, #tpu.memory_space<vmem>> -> memref<1x128x128xf32, #tpu.memory_space<vmem>>
      %dma_start3A_113 = tpu.memref_squeeze %dma_start3A_112 : memref<1x128x128xf32, #tpu.memory_space<vmem>> -> memref<128x128xf32, #tpu.memory_space<vmem>>
      tpu.enqueue_dma source(%dma_start3A_113 : memref<128x128xf32, #tpu.memory_space<vmem>>) target(%dma_start3A_109 : memref<128x128xf32, #tpu.memory_space<hbm>>) target_semaphore(%arg18 : memref<!tpu.dma_semaphore, #tpu.memory_space<semaphore_mem>>)
      %scan3A_114 = arith.constant 0 : i32
      %scan3A_115 = arith.constant 0 : i32
      %scan3A_116 = arith.constant 0 : i32
      %scan3A_117 = arith.constant 8 : i32
      %scan3A_118 = arith.addi %scan3A_116, %scan3A_117 : i32
      %scan3A_119 = arith.constant 1 : i32
      scf.for %scan3A_329 = %scan3A_116 to %scan3A_118 step %scan3A_119  : i32 {
        %mul3A_330 = arith.constant 16 : i32
        %mul3A_331 = arith.muli %scan3A_329, %mul3A_330 : i32
        %add3A_332 = vector.broadcast %mul3A_331 : i32 to vector<16xi32>
        %add3A_333 = arith.addi %iota3A, %add3A_332 : vector<16xi32>
        %broadcast_in_dim3A = arith.constant 0.000000e+00 : f32
        %broadcast_in_dim3A_334 = vector.broadcast %broadcast_in_dim3A : f32 to vector<16xf32>
        %scan3A_335 = arith.constant 0 : i32
        %scan3A_336 = arith.constant 16 : i32
        %scan3A_337 = arith.addi %scan3A_335, %scan3A_336 : i32
        %scan3A_338 = arith.constant 1 : i32
        %scan3A_339 = scf.for %scan3A_354 = %scan3A_335 to %scan3A_337 step %scan3A_338 iter_args(%scan3A_355 = %broadcast_in_dim3A_334) -> (vector<16xf32>)  : i32 {
          %mul3A_356 = arith.constant 8 : i32
          %mul3A_357 = arith.muli %scan3A_354, %mul3A_356 : i32
          %add3A_358 = arith.constant 0 : i32
          %add3A_359 = arith.addi %mul3A_357, %add3A_358 : i32
          %add3A_360 = vector.broadcast %add3A_359 : i32 to vector<16xi32>
          %add3A_361 = arith.addi %iota3A, %add3A_360 : vector<16xi32>
          %and3A = arith.constant 127 : i32
          %and3A_362 = vector.broadcast %and3A : i32 to vector<16xi32>
          %and3A_363 = arith.andi %add3A_361, %and3A_362 : vector<16xi32>
          %gather3A_364 = arith.constant 0 : i32
          %gather3A_365 = arith.constant 0 : i32
          %gather3A_366 = tpu.memref_slice %arg10[%scan3A_115, %gather3A_364, %gather3A_365] : memref<5x128x128xf32, #tpu.memory_space<vmem>> -> memref<1x128x128xf32, #tpu.memory_space<vmem>>
          %gather3A_367 = tpu.memref_squeeze %gather3A_366 : memref<1x128x128xf32, #tpu.memory_space<vmem>> -> memref<128x128xf32, #tpu.memory_space<vmem>>
          %gather3A_368 = tpu.vector_load_idx %gather3A_367[%add3A_333, %and3A_363] : memref<128x128xf32, #tpu.memory_space<vmem>>[vector<16xi32>, vector<16xi32>], vector<16xf32>,
          %exp3A = math.exp %gather3A_368 : vector<16xf32>
          %add3A_369 = arith.addf %scan3A_355, %exp3A : vector<16xf32>
          %mul3A_370 = arith.constant 8 : i32
          %mul3A_371 = arith.muli %scan3A_354, %mul3A_370 : i32
          %add3A_372 = arith.constant 1 : i32
          %add3A_373 = arith.addi %mul3A_371, %add3A_372 : i32
          %add3A_374 = vector.broadcast %add3A_373 : i32 to vector<16xi32>
          %add3A_375 = arith.addi %iota3A, %add3A_374 : vector<16xi32>
          %and3A_376 = arith.constant 127 : i32
          %and3A_377 = vector.broadcast %and3A_376 : i32 to vector<16xi32>
          %and3A_378 = arith.andi %add3A_375, %and3A_377 : vector<16xi32>
          %gather3A_379 = arith.constant 0 : i32
          %gather3A_380 = arith.constant 0 : i32
          %gather3A_381 = tpu.memref_slice %arg10[%scan3A_115, %gather3A_379, %gather3A_380] : memref<5x128x128xf32, #tpu.memory_space<vmem>> -> memref<1x128x128xf32, #tpu.memory_space<vmem>>
          %gather3A_382 = tpu.memref_squeeze %gather3A_381 : memref<1x128x128xf32, #tpu.memory_space<vmem>> -> memref<128x128xf32, #tpu.memory_space<vmem>>
          %gather3A_383 = tpu.vector_load_idx %gather3A_382[%add3A_333, %and3A_378] : memref<128x128xf32, #tpu.memory_space<vmem>>[vector<16xi32>, vector<16xi32>], vector<16xf32>,
          %exp3A_384 = math.exp %gather3A_383 : vector<16xf32>
          %add3A_385 = arith.addf %add3A_369, %exp3A_384 : vector<16xf32>
          %mul3A_386 = arith.constant 8 : i32
          %mul3A_387 = arith.muli %scan3A_354, %mul3A_386 : i32
          %add3A_388 = arith.constant 2 : i32
          %add3A_389 = arith.addi %mul3A_387, %add3A_388 : i32
          %add3A_390 = vector.broadcast %add3A_389 : i32 to vector<16xi32>
          %add3A_391 = arith.addi %iota3A, %add3A_390 : vector<16xi32>
          %and3A_392 = arith.constant 127 : i32
          %and3A_393 = vector.broadcast %and3A_392 : i32 to vector<16xi32>
          %and3A_394 = arith.andi %add3A_391, %and3A_393 : vector<16xi32>
          %gather3A_395 = arith.constant 0 : i32
          %gather3A_396 = arith.constant 0 : i32
          %gather3A_397 = tpu.memref_slice %arg10[%scan3A_115, %gather3A_395, %gather3A_396] : memref<5x128x128xf32, #tpu.memory_space<vmem>> -> memref<1x128x128xf32, #tpu.memory_space<vmem>>
          %gather3A_398 = tpu.memref_squeeze %gather3A_397 : memref<1x128x128xf32, #tpu.memory_space<vmem>> -> memref<128x128xf32, #tpu.memory_space<vmem>>
          %gather3A_399 = tpu.vector_load_idx %gather3A_398[%add3A_333, %and3A_394] : memref<128x128xf32, #tpu.memory_space<vmem>>[vector<16xi32>, vector<16xi32>], vector<16xf32>,
          %exp3A_400 = math.exp %gather3A_399 : vector<16xf32>
          %add3A_401 = arith.addf %add3A_385, %exp3A_400 : vector<16xf32>
          %mul3A_402 = arith.constant 8 : i32
          %mul3A_403 = arith.muli %scan3A_354, %mul3A_402 : i32
          %add3A_404 = arith.constant 3 : i32
          %add3A_405 = arith.addi %mul3A_403, %add3A_404 : i32
          %add3A_406 = vector.broadcast %add3A_405 : i32 to vector<16xi32>
          %add3A_407 = arith.addi %iota3A, %add3A_406 : vector<16xi32>
          %and3A_408 = arith.constant 127 : i32
          %and3A_409 = vector.broadcast %and3A_408 : i32 to vector<16xi32>
          %and3A_410 = arith.andi %add3A_407, %and3A_409 : vector<16xi32>
          %gather3A_411 = arith.constant 0 : i32
          %gather3A_412 = arith.constant 0 : i32
          %gather3A_413 = tpu.memref_slice %arg10[%scan3A_115, %gather3A_411, %gather3A_412] : memref<5x128x128xf32, #tpu.memory_space<vmem>> -> memref<1x128x128xf32, #tpu.memory_space<vmem>>
          %gather3A_414 = tpu.memref_squeeze %gather3A_413 : memref<1x128x128xf32, #tpu.memory_space<vmem>> -> memref<128x128xf32, #tpu.memory_space<vmem>>
          %gather3A_415 = tpu.vector_load_idx %gather3A_414[%add3A_333, %and3A_410] : memref<128x128xf32, #tpu.memory_space<vmem>>[vector<16xi32>, vector<16xi32>], vector<16xf32>,
          %exp3A_416 = math.exp %gather3A_415 : vector<16xf32>
          %add3A_417 = arith.addf %add3A_401, %exp3A_416 : vector<16xf32>
          %mul3A_418 = arith.constant 8 : i32
          %mul3A_419 = arith.muli %scan3A_354, %mul3A_418 : i32
          %add3A_420 = arith.constant 4 : i32
          %add3A_421 = arith.addi %mul3A_419, %add3A_420 : i32
          %add3A_422 = vector.broadcast %add3A_421 : i32 to vector<16xi32>
          %add3A_423 = arith.addi %iota3A, %add3A_422 : vector<16xi32>
          %and3A_424 = arith.constant 127 : i32
          %and3A_425 = vector.broadcast %and3A_424 : i32 to vector<16xi32>
          %and3A_426 = arith.andi %add3A_423, %and3A_425 : vector<16xi32>
          %gather3A_427 = arith.constant 0 : i32
          %gather3A_428 = arith.constant 0 : i32
          %gather3A_429 = tpu.memref_slice %arg10[%scan3A_115, %gather3A_427, %gather3A_428] : memref<5x128x128xf32, #tpu.memory_space<vmem>> -> memref<1x128x128xf32, #tpu.memory_space<vmem>>
          %gather3A_430 = tpu.memref_squeeze %gather3A_429 : memref<1x128x128xf32, #tpu.memory_space<vmem>> -> memref<128x128xf32, #tpu.memory_space<vmem>>
          %gather3A_431 = tpu.vector_load_idx %gather3A_430[%add3A_333, %and3A_426] : memref<128x128xf32, #tpu.memory_space<vmem>>[vector<16xi32>, vector<16xi32>], vector<16xf32>,
          %exp3A_432 = math.exp %gather3A_431 : vector<16xf32>
          %add3A_433 = arith.addf %add3A_417, %exp3A_432 : vector<16xf32>
          %mul3A_434 = arith.constant 8 : i32
          %mul3A_435 = arith.muli %scan3A_354, %mul3A_434 : i32
          %add3A_436 = arith.constant 5 : i32
          %add3A_437 = arith.addi %mul3A_435, %add3A_436 : i32
          %add3A_438 = vector.broadcast %add3A_437 : i32 to vector<16xi32>
          %add3A_439 = arith.addi %iota3A, %add3A_438 : vector<16xi32>
          %and3A_440 = arith.constant 127 : i32
          %and3A_441 = vector.broadcast %and3A_440 : i32 to vector<16xi32>
          %and3A_442 = arith.andi %add3A_439, %and3A_441 : vector<16xi32>
          %gather3A_443 = arith.constant 0 : i32
          %gather3A_444 = arith.constant 0 : i32
          %gather3A_445 = tpu.memref_slice %arg10[%scan3A_115, %gather3A_443, %gather3A_444] : memref<5x128x128xf32, #tpu.memory_space<vmem>> -> memref<1x128x128xf32, #tpu.memory_space<vmem>>
          %gather3A_446 = tpu.memref_squeeze %gather3A_445 : memref<1x128x128xf32, #tpu.memory_space<vmem>> -> memref<128x128xf32, #tpu.memory_space<vmem>>
          %gather3A_447 = tpu.vector_load_idx %gather3A_446[%add3A_333, %and3A_442] : memref<128x128xf32, #tpu.memory_space<vmem>>[vector<16xi32>, vector<16xi32>], vector<16xf32>,
          %exp3A_448 = math.exp %gather3A_447 : vector<16xf32>
          %add3A_449 = arith.addf %add3A_433, %exp3A_448 : vector<16xf32>
          %mul3A_450 = arith.constant 8 : i32
          %mul3A_451 = arith.muli %scan3A_354, %mul3A_450 : i32
          %add3A_452 = arith.constant 6 : i32
          %add3A_453 = arith.addi %mul3A_451, %add3A_452 : i32
          %add3A_454 = vector.broadcast %add3A_453 : i32 to vector<16xi32>
          %add3A_455 = arith.addi %iota3A, %add3A_454 : vector<16xi32>
          %and3A_456 = arith.constant 127 : i32
          %and3A_457 = vector.broadcast %and3A_456 : i32 to vector<16xi32>
          %and3A_458 = arith.andi %add3A_455, %and3A_457 : vector<16xi32>
          %gather3A_459 = arith.constant 0 : i32
          %gather3A_460 = arith.constant 0 : i32
          %gather3A_461 = tpu.memref_slice %arg10[%scan3A_115, %gather3A_459, %gather3A_460] : memref<5x128x128xf32, #tpu.memory_space<vmem>> -> memref<1x128x128xf32, #tpu.memory_space<vmem>>
          %gather3A_462 = tpu.memref_squeeze %gather3A_461 : memref<1x128x128xf32, #tpu.memory_space<vmem>> -> memref<128x128xf32, #tpu.memory_space<vmem>>
          %gather3A_463 = tpu.vector_load_idx %gather3A_462[%add3A_333, %and3A_458] : memref<128x128xf32, #tpu.memory_space<vmem>>[vector<16xi32>, vector<16xi32>], vector<16xf32>,
          %exp3A_464 = math.exp %gather3A_463 : vector<16xf32>
          %add3A_465 = arith.addf %add3A_449, %exp3A_464 : vector<16xf32>
          %mul3A_466 = arith.constant 8 : i32
          %mul3A_467 = arith.muli %scan3A_354, %mul3A_466 : i32
          %add3A_468 = arith.constant 7 : i32
          %add3A_469 = arith.addi %mul3A_467, %add3A_468 : i32
          %add3A_470 = vector.broadcast %add3A_469 : i32 to vector<16xi32>
          %add3A_471 = arith.addi %iota3A, %add3A_470 : vector<16xi32>
          %and3A_472 = arith.constant 127 : i32
          %and3A_473 = vector.broadcast %and3A_472 : i32 to vector<16xi32>
          %and3A_474 = arith.andi %add3A_471, %and3A_473 : vector<16xi32>
          %gather3A_475 = arith.constant 0 : i32
          %gather3A_476 = arith.constant 0 : i32
          %gather3A_477 = tpu.memref_slice %arg10[%scan3A_115, %gather3A_475, %gather3A_476] : memref<5x128x128xf32, #tpu.memory_space<vmem>> -> memref<1x128x128xf32, #tpu.memory_space<vmem>>
          %gather3A_478 = tpu.memref_squeeze %gather3A_477 : memref<1x128x128xf32, #tpu.memory_space<vmem>> -> memref<128x128xf32, #tpu.memory_space<vmem>>
          %gather3A_479 = tpu.vector_load_idx %gather3A_478[%add3A_333, %and3A_474] : memref<128x128xf32, #tpu.memory_space<vmem>>[vector<16xi32>, vector<16xi32>], vector<16xf32>,
          %exp3A_480 = math.exp %gather3A_479 : vector<16xf32>
          %add3A_481 = arith.addf %add3A_465, %exp3A_480 : vector<16xf32>
          scf.yield %add3A_481 : vector<16xf32>
        }
        %scan3A_340 = arith.constant 16 : i32
        %mul3A_341 = arith.constant 128 : i32
        %mul3A_342 = arith.muli %add3A_77, %mul3A_341 : i32
        %mul3A_343 = arith.constant 16 : i32
        %mul3A_344 = arith.muli %scan3A_329, %mul3A_343 : i32
        %add3A_345 = arith.addi %mul3A_342, %mul3A_344 : i32
        %get3A = arith.index_cast %add3A_345 : i32 to index
        %get3A_346 = tpu.vector_load %arg9[%get3A] {strides = array<i32>} : memref<6400xi32, #tpu.memory_space<vmem>>, vector<16xi32>,
        %gather3A = arith.constant 0 : i32
        %gather3A_347 = arith.constant 0 : i32
        %gather3A_348 = tpu.memref_slice %arg10[%scan3A_115, %gather3A, %gather3A_347] : memref<5x128x128xf32, #tpu.memory_space<vmem>> -> memref<1x128x128xf32, #tpu.memory_space<vmem>>
        %gather3A_349 = tpu.memref_squeeze %gather3A_348 : memref<1x128x128xf32, #tpu.memory_space<vmem>> -> memref<128x128xf32, #tpu.memory_space<vmem>>
        %gather3A_350 = tpu.vector_load_idx %gather3A_349[%add3A_333, %get3A_346] : memref<128x128xf32, #tpu.memory_space<vmem>>[vector<16xi32>, vector<16xi32>], vector<16xf32>,
        %swap3A = arith.index_cast %add3A_345 : i32 to index
        %swap3A_351 = tpu.vector_load %arg11[%swap3A] {strides = array<i32>} : memref<6400xf32, #tpu.memory_space<vmem>>, vector<16xf32>,
        tpu.vector_store %arg11[%swap3A], %scan3A_339 {strides = array<i32>} : memref<6400xf32, #tpu.memory_space<vmem>>, vector<16xf32>,
        %swap3A_352 = arith.index_cast %add3A_345 : i32 to index
        %swap3A_353 = tpu.vector_load %arg12[%swap3A_352] {strides = array<i32>} : memref<6400xf32, #tpu.memory_space<vmem>>, vector<16xf32>,
        tpu.vector_store %arg12[%swap3A_352], %gather3A_350 {strides = array<i32>} : memref<6400xf32, #tpu.memory_space<vmem>>, vector<16xf32>,
      }
      %scan3A_120 = arith.constant 8 : i32
      %mul3A_121 = arith.constant 5 : i32
      %mul3A_122 = arith.muli %scan3A_73, %mul3A_121 : i32
      %add3A_123 = arith.constant 1 : i32
      %add3A_124 = arith.addi %mul3A_122, %add3A_123 : i32
      %dma_wait3A_125 = arith.constant 1 : i32
      %dma_wait3A_126 = arith.constant 0 : i32
      %dma_wait3A_127 = arith.constant 0 : i32
      %dma_wait3A_128 = tpu.memref_slice %arg10[%dma_wait3A_125, %dma_wait3A_126, %dma_wait3A_127] : memref<5x128x128xf32, #tpu.memory_space<vmem>> -> memref<1x128x128xf32, #tpu.memory_space<vmem>>
      %dma_wait3A_129 = tpu.memref_squeeze %dma_wait3A_128 : memref<1x128x128xf32, #tpu.memory_space<vmem>> -> memref<128x128xf32, #tpu.memory_space<vmem>>
      %dma_wait3A_130 = arith.constant 0 : i32
      %dma_wait3A_131 = tpu.memref_slice %arg8[%add3A_124, %dma_wait3A_130] : memref<50x128xi32, #tpu.memory_space<vmem>> -> memref<1x128xi32, #tpu.memory_space<vmem>>
      %dma_wait3A_132 = tpu.memref_squeeze %dma_wait3A_131 : memref<1x128xi32, #tpu.memory_space<vmem>> -> memref<128xi32, #tpu.memory_space<vmem>>
      %dma_wait3A_133 = arith.constant 0 : i32
      %dma_wait3A_134 = arith.constant 0 : i32
      %dma_wait3A_135 = tpu.memref_slice %arg2[%dma_wait3A_133, %dma_wait3A_134] : memref<100000x128xf32, #tpu.memory_space<hbm>> -> memref<100000x128xf32, #tpu.memory_space<hbm>>
      tpu.wait_indirect_dma semaphore(%arg14 : memref<!tpu.dma_semaphore, #tpu.memory_space<semaphore_mem>>) src(%dma_wait3A_135 : memref<100000x128xf32, #tpu.memory_space<hbm>>) dst(%dma_wait3A_129 : memref<128x128xf32, #tpu.memory_space<vmem>>)
      %ge3A_136 = arith.constant 1 : i32
      %ge3A_137 = arith.cmpi sge, %add3A_124, %ge3A_136 : i32
      %convert_element_type3A_138 = arith.extui %ge3A_137 : i1 to i32
      %cond3A_139 = arith.constant 0 : i32
      %cond3A_140 = arith.cmpi ne, %convert_element_type3A_138, %cond3A_139 : i32
      scf.if %cond3A_140 {
        %sub3A_329 = arith.constant 1 : i32
        %sub3A_330 = arith.subi %add3A_124, %sub3A_329 : i32
        %mul3A_331 = arith.constant 128 : i32
        %mul3A_332 = arith.muli %sub3A_330, %mul3A_331 : i32
        %add3A_333 = arith.addi %mul3A_2, %mul3A_332 : i32
        %dma_wait3A_334 = arith.constant 0 : i32
        %dma_wait3A_335 = arith.constant 0 : i32
        %dma_wait3A_336 = arith.constant 0 : i32
        %dma_wait3A_337 = tpu.memref_slice %arg10[%dma_wait3A_334, %dma_wait3A_335, %dma_wait3A_336] : memref<5x128x128xf32, #tpu.memory_space<vmem>> -> memref<1x128x128xf32, #tpu.memory_space<vmem>>
        %dma_wait3A_338 = tpu.memref_squeeze %dma_wait3A_337 : memref<1x128x128xf32, #tpu.memory_space<vmem>> -> memref<128x128xf32, #tpu.memory_space<vmem>>
        %dma_wait3A_339 = arith.constant 0 : i32
        %dma_wait3A_340 = tpu.memref_slice %arg5[%add3A_333, %dma_wait3A_339] : memref<204800x128xf32, #tpu.memory_space<hbm>> -> memref<128x128xf32, #tpu.memory_space<hbm>>
        %dma_wait3A_341 = arith.constant 0 : i32
        %dma_wait3A_342 = tpu.memref_slice %arg5[%add3A_333, %dma_wait3A_341] : memref<204800x128xf32, #tpu.memory_space<hbm>> -> memref<128x128xf32, #tpu.memory_space<hbm>>
        %dma_wait3A_343 = arith.constant 0 : i32
        %dma_wait3A_344 = arith.constant 0 : i32
        %dma_wait3A_345 = tpu.memref_slice %arg10[%dma_wait3A_334, %dma_wait3A_343, %dma_wait3A_344] : memref<5x128x128xf32, #tpu.memory_space<vmem>> -> memref<1x128x128xf32, #tpu.memory_space<vmem>>
        %dma_wait3A_346 = tpu.memref_squeeze %dma_wait3A_345 : memref<1x128x128xf32, #tpu.memory_space<vmem>> -> memref<128x128xf32, #tpu.memory_space<vmem>>
        tpu.wait_dma2 semaphore(%arg18 : memref<!tpu.dma_semaphore, #tpu.memory_space<semaphore_mem>>) src(%dma_wait3A_346 : memref<128x128xf32, #tpu.memory_space<vmem>>) dst(%dma_wait3A_342 : memref<128x128xf32, #tpu.memory_space<hbm>>)
      } else {
      }
      %add3A_141 = arith.constant 5 : i32
      %add3A_142 = arith.addi %add3A_124, %add3A_141 : i32
      %sub3A_143 = arith.constant 1 : i32
      %sub3A_144 = arith.subi %add3A_142, %sub3A_143 : i32
      %lt3A_145 = arith.constant 50 : i32
      %lt3A_146 = arith.cmpi slt, %sub3A_144, %lt3A_145 : i32
      %convert_element_type3A_147 = arith.extui %lt3A_146 : i1 to i32
      %cond3A_148 = arith.constant 0 : i32
      %cond3A_149 = arith.cmpi ne, %convert_element_type3A_147, %cond3A_148 : i32
      scf.if %cond3A_149 {
        %add3A_329 = arith.constant 5 : i32
        %add3A_330 = arith.addi %add3A_124, %add3A_329 : i32
        %sub3A_331 = arith.constant 1 : i32
        %sub3A_332 = arith.subi %add3A_330, %sub3A_331 : i32
        %dma_start3A_333 = arith.constant 0 : i32
        %dma_start3A_334 = arith.constant 0 : i32
        %dma_start3A_335 = arith.constant 0 : i32
        %dma_start3A_336 = tpu.memref_slice %arg10[%dma_start3A_333, %dma_start3A_334, %dma_start3A_335] : memref<5x128x128xf32, #tpu.memory_space<vmem>> -> memref<1x128x128xf32, #tpu.memory_space<vmem>>
        %dma_start3A_337 = tpu.memref_squeeze %dma_start3A_336 : memref<1x128x128xf32, #tpu.memory_space<vmem>> -> memref<128x128xf32, #tpu.memory_space<vmem>>
        %dma_start3A_338 = arith.constant 0 : i32
        %dma_start3A_339 = tpu.memref_slice %arg8[%sub3A_332, %dma_start3A_338] : memref<50x128xi32, #tpu.memory_space<vmem>> -> memref<1x128xi32, #tpu.memory_space<vmem>>
        %dma_start3A_340 = tpu.memref_squeeze %dma_start3A_339 : memref<1x128xi32, #tpu.memory_space<vmem>> -> memref<128xi32, #tpu.memory_space<vmem>>
        %dma_start3A_341 = arith.constant 0 : i32
        %dma_start3A_342 = arith.constant 0 : i32
        %dma_start3A_343 = tpu.memref_slice %arg2[%dma_start3A_341, %dma_start3A_342] : memref<100000x128xf32, #tpu.memory_space<hbm>> -> memref<100000x128xf32, #tpu.memory_space<hbm>>
        tpu.enqueue_indirect_dma source(%dma_start3A_343 : memref<100000x128xf32, #tpu.memory_space<hbm>>) target(%dma_start3A_337 : memref<128x128xf32, #tpu.memory_space<vmem>>) offsets(%dma_start3A_340 : memref<128xi32, #tpu.memory_space<vmem>>) semaphore(%arg13 : memref<!tpu.dma_semaphore, #tpu.memory_space<semaphore_mem>>)
      } else {
      }
      %mul3A_150 = arith.constant 128 : i32
      %mul3A_151 = arith.muli %add3A_124, %mul3A_150 : i32
      %add3A_152 = arith.addi %mul3A_2, %mul3A_151 : i32
      %dma_start3A_153 = arith.constant 1 : i32
      %dma_start3A_154 = arith.constant 0 : i32
      %dma_start3A_155 = arith.constant 0 : i32
      %dma_start3A_156 = tpu.memref_slice %arg10[%dma_start3A_153, %dma_start3A_154, %dma_start3A_155] : memref<5x128x128xf32, #tpu.memory_space<vmem>> -> memref<1x128x128xf32, #tpu.memory_space<vmem>>
      %dma_start3A_157 = tpu.memref_squeeze %dma_start3A_156 : memref<1x128x128xf32, #tpu.memory_space<vmem>> -> memref<128x128xf32, #tpu.memory_space<vmem>>
      %dma_start3A_158 = arith.constant 0 : i32
      %dma_start3A_159 = tpu.memref_slice %arg5[%add3A_152, %dma_start3A_158] : memref<204800x128xf32, #tpu.memory_space<hbm>> -> memref<128x128xf32, #tpu.memory_space<hbm>>
      %dma_start3A_160 = arith.constant 0 : i32
      %dma_start3A_161 = tpu.memref_slice %arg5[%add3A_152, %dma_start3A_160] : memref<204800x128xf32, #tpu.memory_space<hbm>> -> memref<128x128xf32, #tpu.memory_space<hbm>>
      %dma_start3A_162 = arith.constant 0 : i32
      %dma_start3A_163 = arith.constant 0 : i32
      %dma_start3A_164 = tpu.memref_slice %arg10[%dma_start3A_153, %dma_start3A_162, %dma_start3A_163] : memref<5x128x128xf32, #tpu.memory_space<vmem>> -> memref<1x128x128xf32, #tpu.memory_space<vmem>>
      %dma_start3A_165 = tpu.memref_squeeze %dma_start3A_164 : memref<1x128x128xf32, #tpu.memory_space<vmem>> -> memref<128x128xf32, #tpu.memory_space<vmem>>
      tpu.enqueue_dma source(%dma_start3A_165 : memref<128x128xf32, #tpu.memory_space<vmem>>) target(%dma_start3A_161 : memref<128x128xf32, #tpu.memory_space<hbm>>) target_semaphore(%arg19 : memref<!tpu.dma_semaphore, #tpu.memory_space<semaphore_mem>>)
      %scan3A_166 = arith.constant 0 : i32
      %scan3A_167 = arith.constant 1 : i32
      %scan3A_168 = arith.constant 0 : i32
      %scan3A_169 = arith.constant 8 : i32
      %scan3A_170 = arith.addi %scan3A_168, %scan3A_169 : i32
      %scan3A_171 = arith.constant 1 : i32
      scf.for %scan3A_329 = %scan3A_168 to %scan3A_170 step %scan3A_171  : i32 {
        %mul3A_330 = arith.constant 16 : i32
        %mul3A_331 = arith.muli %scan3A_329, %mul3A_330 : i32
        %add3A_332 = vector.broadcast %mul3A_331 : i32 to vector<16xi32>
        %add3A_333 = arith.addi %iota3A, %add3A_332 : vector<16xi32>
        %broadcast_in_dim3A = arith.constant 0.000000e+00 : f32
        %broadcast_in_dim3A_334 = vector.broadcast %broadcast_in_dim3A : f32 to vector<16xf32>
        %scan3A_335 = arith.constant 0 : i32
        %scan3A_336 = arith.constant 16 : i32
        %scan3A_337 = arith.addi %scan3A_335, %scan3A_336 : i32
        %scan3A_338 = arith.constant 1 : i32
        %scan3A_339 = scf.for %scan3A_354 = %scan3A_335 to %scan3A_337 step %scan3A_338 iter_args(%scan3A_355 = %broadcast_in_dim3A_334) -> (vector<16xf32>)  : i32 {
          %mul3A_356 = arith.constant 8 : i32
          %mul3A_357 = arith.muli %scan3A_354, %mul3A_356 : i32
          %add3A_358 = arith.constant 0 : i32
          %add3A_359 = arith.addi %mul3A_357, %add3A_358 : i32
          %add3A_360 = vector.broadcast %add3A_359 : i32 to vector<16xi32>
          %add3A_361 = arith.addi %iota3A, %add3A_360 : vector<16xi32>
          %and3A = arith.constant 127 : i32
          %and3A_362 = vector.broadcast %and3A : i32 to vector<16xi32>
          %and3A_363 = arith.andi %add3A_361, %and3A_362 : vector<16xi32>
          %gather3A_364 = arith.constant 0 : i32
          %gather3A_365 = arith.constant 0 : i32
          %gather3A_366 = tpu.memref_slice %arg10[%scan3A_167, %gather3A_364, %gather3A_365] : memref<5x128x128xf32, #tpu.memory_space<vmem>> -> memref<1x128x128xf32, #tpu.memory_space<vmem>>
          %gather3A_367 = tpu.memref_squeeze %gather3A_366 : memref<1x128x128xf32, #tpu.memory_space<vmem>> -> memref<128x128xf32, #tpu.memory_space<vmem>>
          %gather3A_368 = tpu.vector_load_idx %gather3A_367[%add3A_333, %and3A_363] : memref<128x128xf32, #tpu.memory_space<vmem>>[vector<16xi32>, vector<16xi32>], vector<16xf32>,
          %exp3A = math.exp %gather3A_368 : vector<16xf32>
          %add3A_369 = arith.addf %scan3A_355, %exp3A : vector<16xf32>
          %mul3A_370 = arith.constant 8 : i32
          %mul3A_371 = arith.muli %scan3A_354, %mul3A_370 : i32
          %add3A_372 = arith.constant 1 : i32
          %add3A_373 = arith.addi %mul3A_371, %add3A_372 : i32
          %add3A_374 = vector.broadcast %add3A_373 : i32 to vector<16xi32>
          %add3A_375 = arith.addi %iota3A, %add3A_374 : vector<16xi32>
          %and3A_376 = arith.constant 127 : i32
          %and3A_377 = vector.broadcast %and3A_376 : i32 to vector<16xi32>
          %and3A_378 = arith.andi %add3A_375, %and3A_377 : vector<16xi32>
          %gather3A_379 = arith.constant 0 : i32
          %gather3A_380 = arith.constant 0 : i32
          %gather3A_381 = tpu.memref_slice %arg10[%scan3A_167, %gather3A_379, %gather3A_380] : memref<5x128x128xf32, #tpu.memory_space<vmem>> -> memref<1x128x128xf32, #tpu.memory_space<vmem>>
          %gather3A_382 = tpu.memref_squeeze %gather3A_381 : memref<1x128x128xf32, #tpu.memory_space<vmem>> -> memref<128x128xf32, #tpu.memory_space<vmem>>
          %gather3A_383 = tpu.vector_load_idx %gather3A_382[%add3A_333, %and3A_378] : memref<128x128xf32, #tpu.memory_space<vmem>>[vector<16xi32>, vector<16xi32>], vector<16xf32>,
          %exp3A_384 = math.exp %gather3A_383 : vector<16xf32>
          %add3A_385 = arith.addf %add3A_369, %exp3A_384 : vector<16xf32>
          %mul3A_386 = arith.constant 8 : i32
          %mul3A_387 = arith.muli %scan3A_354, %mul3A_386 : i32
          %add3A_388 = arith.constant 2 : i32
          %add3A_389 = arith.addi %mul3A_387, %add3A_388 : i32
          %add3A_390 = vector.broadcast %add3A_389 : i32 to vector<16xi32>
          %add3A_391 = arith.addi %iota3A, %add3A_390 : vector<16xi32>
          %and3A_392 = arith.constant 127 : i32
          %and3A_393 = vector.broadcast %and3A_392 : i32 to vector<16xi32>
          %and3A_394 = arith.andi %add3A_391, %and3A_393 : vector<16xi32>
          %gather3A_395 = arith.constant 0 : i32
          %gather3A_396 = arith.constant 0 : i32
          %gather3A_397 = tpu.memref_slice %arg10[%scan3A_167, %gather3A_395, %gather3A_396] : memref<5x128x128xf32, #tpu.memory_space<vmem>> -> memref<1x128x128xf32, #tpu.memory_space<vmem>>
          %gather3A_398 = tpu.memref_squeeze %gather3A_397 : memref<1x128x128xf32, #tpu.memory_space<vmem>> -> memref<128x128xf32, #tpu.memory_space<vmem>>
          %gather3A_399 = tpu.vector_load_idx %gather3A_398[%add3A_333, %and3A_394] : memref<128x128xf32, #tpu.memory_space<vmem>>[vector<16xi32>, vector<16xi32>], vector<16xf32>,
          %exp3A_400 = math.exp %gather3A_399 : vector<16xf32>
          %add3A_401 = arith.addf %add3A_385, %exp3A_400 : vector<16xf32>
          %mul3A_402 = arith.constant 8 : i32
          %mul3A_403 = arith.muli %scan3A_354, %mul3A_402 : i32
          %add3A_404 = arith.constant 3 : i32
          %add3A_405 = arith.addi %mul3A_403, %add3A_404 : i32
          %add3A_406 = vector.broadcast %add3A_405 : i32 to vector<16xi32>
          %add3A_407 = arith.addi %iota3A, %add3A_406 : vector<16xi32>
          %and3A_408 = arith.constant 127 : i32
          %and3A_409 = vector.broadcast %and3A_408 : i32 to vector<16xi32>
          %and3A_410 = arith.andi %add3A_407, %and3A_409 : vector<16xi32>
          %gather3A_411 = arith.constant 0 : i32
          %gather3A_412 = arith.constant 0 : i32
          %gather3A_413 = tpu.memref_slice %arg10[%scan3A_167, %gather3A_411, %gather3A_412] : memref<5x128x128xf32, #tpu.memory_space<vmem>> -> memref<1x128x128xf32, #tpu.memory_space<vmem>>
          %gather3A_414 = tpu.memref_squeeze %gather3A_413 : memref<1x128x128xf32, #tpu.memory_space<vmem>> -> memref<128x128xf32, #tpu.memory_space<vmem>>
          %gather3A_415 = tpu.vector_load_idx %gather3A_414[%add3A_333, %and3A_410] : memref<128x128xf32, #tpu.memory_space<vmem>>[vector<16xi32>, vector<16xi32>], vector<16xf32>,
          %exp3A_416 = math.exp %gather3A_415 : vector<16xf32>
          %add3A_417 = arith.addf %add3A_401, %exp3A_416 : vector<16xf32>
          %mul3A_418 = arith.constant 8 : i32
          %mul3A_419 = arith.muli %scan3A_354, %mul3A_418 : i32
          %add3A_420 = arith.constant 4 : i32
          %add3A_421 = arith.addi %mul3A_419, %add3A_420 : i32
          %add3A_422 = vector.broadcast %add3A_421 : i32 to vector<16xi32>
          %add3A_423 = arith.addi %iota3A, %add3A_422 : vector<16xi32>
          %and3A_424 = arith.constant 127 : i32
          %and3A_425 = vector.broadcast %and3A_424 : i32 to vector<16xi32>
          %and3A_426 = arith.andi %add3A_423, %and3A_425 : vector<16xi32>
          %gather3A_427 = arith.constant 0 : i32
          %gather3A_428 = arith.constant 0 : i32
          %gather3A_429 = tpu.memref_slice %arg10[%scan3A_167, %gather3A_427, %gather3A_428] : memref<5x128x128xf32, #tpu.memory_space<vmem>> -> memref<1x128x128xf32, #tpu.memory_space<vmem>>
          %gather3A_430 = tpu.memref_squeeze %gather3A_429 : memref<1x128x128xf32, #tpu.memory_space<vmem>> -> memref<128x128xf32, #tpu.memory_space<vmem>>
          %gather3A_431 = tpu.vector_load_idx %gather3A_430[%add3A_333, %and3A_426] : memref<128x128xf32, #tpu.memory_space<vmem>>[vector<16xi32>, vector<16xi32>], vector<16xf32>,
          %exp3A_432 = math.exp %gather3A_431 : vector<16xf32>
          %add3A_433 = arith.addf %add3A_417, %exp3A_432 : vector<16xf32>
          %mul3A_434 = arith.constant 8 : i32
          %mul3A_435 = arith.muli %scan3A_354, %mul3A_434 : i32
          %add3A_436 = arith.constant 5 : i32
          %add3A_437 = arith.addi %mul3A_435, %add3A_436 : i32
          %add3A_438 = vector.broadcast %add3A_437 : i32 to vector<16xi32>
          %add3A_439 = arith.addi %iota3A, %add3A_438 : vector<16xi32>
          %and3A_440 = arith.constant 127 : i32
          %and3A_441 = vector.broadcast %and3A_440 : i32 to vector<16xi32>
          %and3A_442 = arith.andi %add3A_439, %and3A_441 : vector<16xi32>
          %gather3A_443 = arith.constant 0 : i32
          %gather3A_444 = arith.constant 0 : i32
          %gather3A_445 = tpu.memref_slice %arg10[%scan3A_167, %gather3A_443, %gather3A_444] : memref<5x128x128xf32, #tpu.memory_space<vmem>> -> memref<1x128x128xf32, #tpu.memory_space<vmem>>
          %gather3A_446 = tpu.memref_squeeze %gather3A_445 : memref<1x128x128xf32, #tpu.memory_space<vmem>> -> memref<128x128xf32, #tpu.memory_space<vmem>>
          %gather3A_447 = tpu.vector_load_idx %gather3A_446[%add3A_333, %and3A_442] : memref<128x128xf32, #tpu.memory_space<vmem>>[vector<16xi32>, vector<16xi32>], vector<16xf32>,
          %exp3A_448 = math.exp %gather3A_447 : vector<16xf32>
          %add3A_449 = arith.addf %add3A_433, %exp3A_448 : vector<16xf32>
          %mul3A_450 = arith.constant 8 : i32
          %mul3A_451 = arith.muli %scan3A_354, %mul3A_450 : i32
          %add3A_452 = arith.constant 6 : i32
          %add3A_453 = arith.addi %mul3A_451, %add3A_452 : i32
          %add3A_454 = vector.broadcast %add3A_453 : i32 to vector<16xi32>
          %add3A_455 = arith.addi %iota3A, %add3A_454 : vector<16xi32>
          %and3A_456 = arith.constant 127 : i32
          %and3A_457 = vector.broadcast %and3A_456 : i32 to vector<16xi32>
          %and3A_458 = arith.andi %add3A_455, %and3A_457 : vector<16xi32>
          %gather3A_459 = arith.constant 0 : i32
          %gather3A_460 = arith.constant 0 : i32
          %gather3A_461 = tpu.memref_slice %arg10[%scan3A_167, %gather3A_459, %gather3A_460] : memref<5x128x128xf32, #tpu.memory_space<vmem>> -> memref<1x128x128xf32, #tpu.memory_space<vmem>>
          %gather3A_462 = tpu.memref_squeeze %gather3A_461 : memref<1x128x128xf32, #tpu.memory_space<vmem>> -> memref<128x128xf32, #tpu.memory_space<vmem>>
          %gather3A_463 = tpu.vector_load_idx %gather3A_462[%add3A_333, %and3A_458] : memref<128x128xf32, #tpu.memory_space<vmem>>[vector<16xi32>, vector<16xi32>], vector<16xf32>,
          %exp3A_464 = math.exp %gather3A_463 : vector<16xf32>
          %add3A_465 = arith.addf %add3A_449, %exp3A_464 : vector<16xf32>
          %mul3A_466 = arith.constant 8 : i32
          %mul3A_467 = arith.muli %scan3A_354, %mul3A_466 : i32
          %add3A_468 = arith.constant 7 : i32
          %add3A_469 = arith.addi %mul3A_467, %add3A_468 : i32
          %add3A_470 = vector.broadcast %add3A_469 : i32 to vector<16xi32>
          %add3A_471 = arith.addi %iota3A, %add3A_470 : vector<16xi32>
          %and3A_472 = arith.constant 127 : i32
          %and3A_473 = vector.broadcast %and3A_472 : i32 to vector<16xi32>
          %and3A_474 = arith.andi %add3A_471, %and3A_473 : vector<16xi32>
          %gather3A_475 = arith.constant 0 : i32
          %gather3A_476 = arith.constant 0 : i32
          %gather3A_477 = tpu.memref_slice %arg10[%scan3A_167, %gather3A_475, %gather3A_476] : memref<5x128x128xf32, #tpu.memory_space<vmem>> -> memref<1x128x128xf32, #tpu.memory_space<vmem>>
          %gather3A_478 = tpu.memref_squeeze %gather3A_477 : memref<1x128x128xf32, #tpu.memory_space<vmem>> -> memref<128x128xf32, #tpu.memory_space<vmem>>
          %gather3A_479 = tpu.vector_load_idx %gather3A_478[%add3A_333, %and3A_474] : memref<128x128xf32, #tpu.memory_space<vmem>>[vector<16xi32>, vector<16xi32>], vector<16xf32>,
          %exp3A_480 = math.exp %gather3A_479 : vector<16xf32>
          %add3A_481 = arith.addf %add3A_465, %exp3A_480 : vector<16xf32>
          scf.yield %add3A_481 : vector<16xf32>
        }
        %scan3A_340 = arith.constant 16 : i32
        %mul3A_341 = arith.constant 128 : i32
        %mul3A_342 = arith.muli %add3A_124, %mul3A_341 : i32
        %mul3A_343 = arith.constant 16 : i32
        %mul3A_344 = arith.muli %scan3A_329, %mul3A_343 : i32
        %add3A_345 = arith.addi %mul3A_342, %mul3A_344 : i32
        %get3A = arith.index_cast %add3A_345 : i32 to index
        %get3A_346 = tpu.vector_load %arg9[%get3A] {strides = array<i32>} : memref<6400xi32, #tpu.memory_space<vmem>>, vector<16xi32>,
        %gather3A = arith.constant 0 : i32
        %gather3A_347 = arith.constant 0 : i32
        %gather3A_348 = tpu.memref_slice %arg10[%scan3A_167, %gather3A, %gather3A_347] : memref<5x128x128xf32, #tpu.memory_space<vmem>> -> memref<1x128x128xf32, #tpu.memory_space<vmem>>
        %gather3A_349 = tpu.memref_squeeze %gather3A_348 : memref<1x128x128xf32, #tpu.memory_space<vmem>> -> memref<128x128xf32, #tpu.memory_space<vmem>>
        %gather3A_350 = tpu.vector_load_idx %gather3A_349[%add3A_333, %get3A_346] : memref<128x128xf32, #tpu.memory_space<vmem>>[vector<16xi32>, vector<16xi32>], vector<16xf32>,
        %swap3A = arith.index_cast %add3A_345 : i32 to index
        %swap3A_351 = tpu.vector_load %arg11[%swap3A] {strides = array<i32>} : memref<6400xf32, #tpu.memory_space<vmem>>, vector<16xf32>,
        tpu.vector_store %arg11[%swap3A], %scan3A_339 {strides = array<i32>} : memref<6400xf32, #tpu.memory_space<vmem>>, vector<16xf32>,
        %swap3A_352 = arith.index_cast %add3A_345 : i32 to index
        %swap3A_353 = tpu.vector_load %arg12[%swap3A_352] {strides = array<i32>} : memref<6400xf32, #tpu.memory_space<vmem>>, vector<16xf32>,
        tpu.vector_store %arg12[%swap3A_352], %gather3A_350 {strides = array<i32>} : memref<6400xf32, #tpu.memory_space<vmem>>, vector<16xf32>,
      }
      %scan3A_172 = arith.constant 8 : i32
      %mul3A_173 = arith.constant 5 : i32
      %mul3A_174 = arith.muli %scan3A_73, %mul3A_173 : i32
      %add3A_175 = arith.constant 2 : i32
      %add3A_176 = arith.addi %mul3A_174, %add3A_175 : i32
      %dma_wait3A_177 = arith.constant 2 : i32
      %dma_wait3A_178 = arith.constant 0 : i32
      %dma_wait3A_179 = arith.constant 0 : i32
      %dma_wait3A_180 = tpu.memref_slice %arg10[%dma_wait3A_177, %dma_wait3A_178, %dma_wait3A_179] : memref<5x128x128xf32, #tpu.memory_space<vmem>> -> memref<1x128x128xf32, #tpu.memory_space<vmem>>
      %dma_wait3A_181 = tpu.memref_squeeze %dma_wait3A_180 : memref<1x128x128xf32, #tpu.memory_space<vmem>> -> memref<128x128xf32, #tpu.memory_space<vmem>>
      %dma_wait3A_182 = arith.constant 0 : i32
      %dma_wait3A_183 = tpu.memref_slice %arg8[%add3A_176, %dma_wait3A_182] : memref<50x128xi32, #tpu.memory_space<vmem>> -> memref<1x128xi32, #tpu.memory_space<vmem>>
      %dma_wait3A_184 = tpu.memref_squeeze %dma_wait3A_183 : memref<1x128xi32, #tpu.memory_space<vmem>> -> memref<128xi32, #tpu.memory_space<vmem>>
      %dma_wait3A_185 = arith.constant 0 : i32
      %dma_wait3A_186 = arith.constant 0 : i32
      %dma_wait3A_187 = tpu.memref_slice %arg2[%dma_wait3A_185, %dma_wait3A_186] : memref<100000x128xf32, #tpu.memory_space<hbm>> -> memref<100000x128xf32, #tpu.memory_space<hbm>>
      tpu.wait_indirect_dma semaphore(%arg15 : memref<!tpu.dma_semaphore, #tpu.memory_space<semaphore_mem>>) src(%dma_wait3A_187 : memref<100000x128xf32, #tpu.memory_space<hbm>>) dst(%dma_wait3A_181 : memref<128x128xf32, #tpu.memory_space<vmem>>)
      %ge3A_188 = arith.constant 1 : i32
      %ge3A_189 = arith.cmpi sge, %add3A_176, %ge3A_188 : i32
      %convert_element_type3A_190 = arith.extui %ge3A_189 : i1 to i32
      %cond3A_191 = arith.constant 0 : i32
      %cond3A_192 = arith.cmpi ne, %convert_element_type3A_190, %cond3A_191 : i32
      scf.if %cond3A_192 {
        %sub3A_329 = arith.constant 1 : i32
        %sub3A_330 = arith.subi %add3A_176, %sub3A_329 : i32
        %mul3A_331 = arith.constant 128 : i32
        %mul3A_332 = arith.muli %sub3A_330, %mul3A_331 : i32
        %add3A_333 = arith.addi %mul3A_2, %mul3A_332 : i32
        %dma_wait3A_334 = arith.constant 1 : i32
        %dma_wait3A_335 = arith.constant 0 : i32
        %dma_wait3A_336 = arith.constant 0 : i32
        %dma_wait3A_337 = tpu.memref_slice %arg10[%dma_wait3A_334, %dma_wait3A_335, %dma_wait3A_336] : memref<5x128x128xf32, #tpu.memory_space<vmem>> -> memref<1x128x128xf32, #tpu.memory_space<vmem>>
        %dma_wait3A_338 = tpu.memref_squeeze %dma_wait3A_337 : memref<1x128x128xf32, #tpu.memory_space<vmem>> -> memref<128x128xf32, #tpu.memory_space<vmem>>
        %dma_wait3A_339 = arith.constant 0 : i32
        %dma_wait3A_340 = tpu.memref_slice %arg5[%add3A_333, %dma_wait3A_339] : memref<204800x128xf32, #tpu.memory_space<hbm>> -> memref<128x128xf32, #tpu.memory_space<hbm>>
        %dma_wait3A_341 = arith.constant 0 : i32
        %dma_wait3A_342 = tpu.memref_slice %arg5[%add3A_333, %dma_wait3A_341] : memref<204800x128xf32, #tpu.memory_space<hbm>> -> memref<128x128xf32, #tpu.memory_space<hbm>>
        %dma_wait3A_343 = arith.constant 0 : i32
        %dma_wait3A_344 = arith.constant 0 : i32
        %dma_wait3A_345 = tpu.memref_slice %arg10[%dma_wait3A_334, %dma_wait3A_343, %dma_wait3A_344] : memref<5x128x128xf32, #tpu.memory_space<vmem>> -> memref<1x128x128xf32, #tpu.memory_space<vmem>>
        %dma_wait3A_346 = tpu.memref_squeeze %dma_wait3A_345 : memref<1x128x128xf32, #tpu.memory_space<vmem>> -> memref<128x128xf32, #tpu.memory_space<vmem>>
        tpu.wait_dma2 semaphore(%arg19 : memref<!tpu.dma_semaphore, #tpu.memory_space<semaphore_mem>>) src(%dma_wait3A_346 : memref<128x128xf32, #tpu.memory_space<vmem>>) dst(%dma_wait3A_342 : memref<128x128xf32, #tpu.memory_space<hbm>>)
      } else {
      }
      %add3A_193 = arith.constant 5 : i32
      %add3A_194 = arith.addi %add3A_176, %add3A_193 : i32
      %sub3A_195 = arith.constant 1 : i32
      %sub3A_196 = arith.subi %add3A_194, %sub3A_195 : i32
      %lt3A_197 = arith.constant 50 : i32
      %lt3A_198 = arith.cmpi slt, %sub3A_196, %lt3A_197 : i32
      %convert_element_type3A_199 = arith.extui %lt3A_198 : i1 to i32
      %cond3A_200 = arith.constant 0 : i32
      %cond3A_201 = arith.cmpi ne, %convert_element_type3A_199, %cond3A_200 : i32
      scf.if %cond3A_201 {
        %add3A_329 = arith.constant 5 : i32
        %add3A_330 = arith.addi %add3A_176, %add3A_329 : i32
        %sub3A_331 = arith.constant 1 : i32
        %sub3A_332 = arith.subi %add3A_330, %sub3A_331 : i32
        %dma_start3A_333 = arith.constant 1 : i32
        %dma_start3A_334 = arith.constant 0 : i32
        %dma_start3A_335 = arith.constant 0 : i32
        %dma_start3A_336 = tpu.memref_slice %arg10[%dma_start3A_333, %dma_start3A_334, %dma_start3A_335] : memref<5x128x128xf32, #tpu.memory_space<vmem>> -> memref<1x128x128xf32, #tpu.memory_space<vmem>>
        %dma_start3A_337 = tpu.memref_squeeze %dma_start3A_336 : memref<1x128x128xf32, #tpu.memory_space<vmem>> -> memref<128x128xf32, #tpu.memory_space<vmem>>
        %dma_start3A_338 = arith.constant 0 : i32
        %dma_start3A_339 = tpu.memref_slice %arg8[%sub3A_332, %dma_start3A_338] : memref<50x128xi32, #tpu.memory_space<vmem>> -> memref<1x128xi32, #tpu.memory_space<vmem>>
        %dma_start3A_340 = tpu.memref_squeeze %dma_start3A_339 : memref<1x128xi32, #tpu.memory_space<vmem>> -> memref<128xi32, #tpu.memory_space<vmem>>
        %dma_start3A_341 = arith.constant 0 : i32
        %dma_start3A_342 = arith.constant 0 : i32
        %dma_start3A_343 = tpu.memref_slice %arg2[%dma_start3A_341, %dma_start3A_342] : memref<100000x128xf32, #tpu.memory_space<hbm>> -> memref<100000x128xf32, #tpu.memory_space<hbm>>
        tpu.enqueue_indirect_dma source(%dma_start3A_343 : memref<100000x128xf32, #tpu.memory_space<hbm>>) target(%dma_start3A_337 : memref<128x128xf32, #tpu.memory_space<vmem>>) offsets(%dma_start3A_340 : memref<128xi32, #tpu.memory_space<vmem>>) semaphore(%arg14 : memref<!tpu.dma_semaphore, #tpu.memory_space<semaphore_mem>>)
      } else {
      }
      %mul3A_202 = arith.constant 128 : i32
      %mul3A_203 = arith.muli %add3A_176, %mul3A_202 : i32
      %add3A_204 = arith.addi %mul3A_2, %mul3A_203 : i32
      %dma_start3A_205 = arith.constant 2 : i32
      %dma_start3A_206 = arith.constant 0 : i32
      %dma_start3A_207 = arith.constant 0 : i32
      %dma_start3A_208 = tpu.memref_slice %arg10[%dma_start3A_205, %dma_start3A_206, %dma_start3A_207] : memref<5x128x128xf32, #tpu.memory_space<vmem>> -> memref<1x128x128xf32, #tpu.memory_space<vmem>>
      %dma_start3A_209 = tpu.memref_squeeze %dma_start3A_208 : memref<1x128x128xf32, #tpu.memory_space<vmem>> -> memref<128x128xf32, #tpu.memory_space<vmem>>
      %dma_start3A_210 = arith.constant 0 : i32
      %dma_start3A_211 = tpu.memref_slice %arg5[%add3A_204, %dma_start3A_210] : memref<204800x128xf32, #tpu.memory_space<hbm>> -> memref<128x128xf32, #tpu.memory_space<hbm>>
      %dma_start3A_212 = arith.constant 0 : i32
      %dma_start3A_213 = tpu.memref_slice %arg5[%add3A_204, %dma_start3A_212] : memref<204800x128xf32, #tpu.memory_space<hbm>> -> memref<128x128xf32, #tpu.memory_space<hbm>>
      %dma_start3A_214 = arith.constant 0 : i32
      %dma_start3A_215 = arith.constant 0 : i32
      %dma_start3A_216 = tpu.memref_slice %arg10[%dma_start3A_205, %dma_start3A_214, %dma_start3A_215] : memref<5x128x128xf32, #tpu.memory_space<vmem>> -> memref<1x128x128xf32, #tpu.memory_space<vmem>>
      %dma_start3A_217 = tpu.memref_squeeze %dma_start3A_216 : memref<1x128x128xf32, #tpu.memory_space<vmem>> -> memref<128x128xf32, #tpu.memory_space<vmem>>
      tpu.enqueue_dma source(%dma_start3A_217 : memref<128x128xf32, #tpu.memory_space<vmem>>) target(%dma_start3A_213 : memref<128x128xf32, #tpu.memory_space<hbm>>) target_semaphore(%arg20 : memref<!tpu.dma_semaphore, #tpu.memory_space<semaphore_mem>>)
      %scan3A_218 = arith.constant 0 : i32
      %scan3A_219 = arith.constant 2 : i32
      %scan3A_220 = arith.constant 0 : i32
      %scan3A_221 = arith.constant 8 : i32
      %scan3A_222 = arith.addi %scan3A_220, %scan3A_221 : i32
      %scan3A_223 = arith.constant 1 : i32
      scf.for %scan3A_329 = %scan3A_220 to %scan3A_222 step %scan3A_223  : i32 {
        %mul3A_330 = arith.constant 16 : i32
        %mul3A_331 = arith.muli %scan3A_329, %mul3A_330 : i32
        %add3A_332 = vector.broadcast %mul3A_331 : i32 to vector<16xi32>
        %add3A_333 = arith.addi %iota3A, %add3A_332 : vector<16xi32>
        %broadcast_in_dim3A = arith.constant 0.000000e+00 : f32
        %broadcast_in_dim3A_334 = vector.broadcast %broadcast_in_dim3A : f32 to vector<16xf32>
        %scan3A_335 = arith.constant 0 : i32
        %scan3A_336 = arith.constant 16 : i32
        %scan3A_337 = arith.addi %scan3A_335, %scan3A_336 : i32
        %scan3A_338 = arith.constant 1 : i32
        %scan3A_339 = scf.for %scan3A_354 = %scan3A_335 to %scan3A_337 step %scan3A_338 iter_args(%scan3A_355 = %broadcast_in_dim3A_334) -> (vector<16xf32>)  : i32 {
          %mul3A_356 = arith.constant 8 : i32
          %mul3A_357 = arith.muli %scan3A_354, %mul3A_356 : i32
          %add3A_358 = arith.constant 0 : i32
          %add3A_359 = arith.addi %mul3A_357, %add3A_358 : i32
          %add3A_360 = vector.broadcast %add3A_359 : i32 to vector<16xi32>
          %add3A_361 = arith.addi %iota3A, %add3A_360 : vector<16xi32>
          %and3A = arith.constant 127 : i32
          %and3A_362 = vector.broadcast %and3A : i32 to vector<16xi32>
          %and3A_363 = arith.andi %add3A_361, %and3A_362 : vector<16xi32>
          %gather3A_364 = arith.constant 0 : i32
          %gather3A_365 = arith.constant 0 : i32
          %gather3A_366 = tpu.memref_slice %arg10[%scan3A_219, %gather3A_364, %gather3A_365] : memref<5x128x128xf32, #tpu.memory_space<vmem>> -> memref<1x128x128xf32, #tpu.memory_space<vmem>>
          %gather3A_367 = tpu.memref_squeeze %gather3A_366 : memref<1x128x128xf32, #tpu.memory_space<vmem>> -> memref<128x128xf32, #tpu.memory_space<vmem>>
          %gather3A_368 = tpu.vector_load_idx %gather3A_367[%add3A_333, %and3A_363] : memref<128x128xf32, #tpu.memory_space<vmem>>[vector<16xi32>, vector<16xi32>], vector<16xf32>,
          %exp3A = math.exp %gather3A_368 : vector<16xf32>
          %add3A_369 = arith.addf %scan3A_355, %exp3A : vector<16xf32>
          %mul3A_370 = arith.constant 8 : i32
          %mul3A_371 = arith.muli %scan3A_354, %mul3A_370 : i32
          %add3A_372 = arith.constant 1 : i32
          %add3A_373 = arith.addi %mul3A_371, %add3A_372 : i32
          %add3A_374 = vector.broadcast %add3A_373 : i32 to vector<16xi32>
          %add3A_375 = arith.addi %iota3A, %add3A_374 : vector<16xi32>
          %and3A_376 = arith.constant 127 : i32
          %and3A_377 = vector.broadcast %and3A_376 : i32 to vector<16xi32>
          %and3A_378 = arith.andi %add3A_375, %and3A_377 : vector<16xi32>
          %gather3A_379 = arith.constant 0 : i32
          %gather3A_380 = arith.constant 0 : i32
          %gather3A_381 = tpu.memref_slice %arg10[%scan3A_219, %gather3A_379, %gather3A_380] : memref<5x128x128xf32, #tpu.memory_space<vmem>> -> memref<1x128x128xf32, #tpu.memory_space<vmem>>
          %gather3A_382 = tpu.memref_squeeze %gather3A_381 : memref<1x128x128xf32, #tpu.memory_space<vmem>> -> memref<128x128xf32, #tpu.memory_space<vmem>>
          %gather3A_383 = tpu.vector_load_idx %gather3A_382[%add3A_333, %and3A_378] : memref<128x128xf32, #tpu.memory_space<vmem>>[vector<16xi32>, vector<16xi32>], vector<16xf32>,
          %exp3A_384 = math.exp %gather3A_383 : vector<16xf32>
          %add3A_385 = arith.addf %add3A_369, %exp3A_384 : vector<16xf32>
          %mul3A_386 = arith.constant 8 : i32
          %mul3A_387 = arith.muli %scan3A_354, %mul3A_386 : i32
          %add3A_388 = arith.constant 2 : i32
          %add3A_389 = arith.addi %mul3A_387, %add3A_388 : i32
          %add3A_390 = vector.broadcast %add3A_389 : i32 to vector<16xi32>
          %add3A_391 = arith.addi %iota3A, %add3A_390 : vector<16xi32>
          %and3A_392 = arith.constant 127 : i32
          %and3A_393 = vector.broadcast %and3A_392 : i32 to vector<16xi32>
          %and3A_394 = arith.andi %add3A_391, %and3A_393 : vector<16xi32>
          %gather3A_395 = arith.constant 0 : i32
          %gather3A_396 = arith.constant 0 : i32
          %gather3A_397 = tpu.memref_slice %arg10[%scan3A_219, %gather3A_395, %gather3A_396] : memref<5x128x128xf32, #tpu.memory_space<vmem>> -> memref<1x128x128xf32, #tpu.memory_space<vmem>>
          %gather3A_398 = tpu.memref_squeeze %gather3A_397 : memref<1x128x128xf32, #tpu.memory_space<vmem>> -> memref<128x128xf32, #tpu.memory_space<vmem>>
          %gather3A_399 = tpu.vector_load_idx %gather3A_398[%add3A_333, %and3A_394] : memref<128x128xf32, #tpu.memory_space<vmem>>[vector<16xi32>, vector<16xi32>], vector<16xf32>,
          %exp3A_400 = math.exp %gather3A_399 : vector<16xf32>
          %add3A_401 = arith.addf %add3A_385, %exp3A_400 : vector<16xf32>
          %mul3A_402 = arith.constant 8 : i32
          %mul3A_403 = arith.muli %scan3A_354, %mul3A_402 : i32
          %add3A_404 = arith.constant 3 : i32
          %add3A_405 = arith.addi %mul3A_403, %add3A_404 : i32
          %add3A_406 = vector.broadcast %add3A_405 : i32 to vector<16xi32>
          %add3A_407 = arith.addi %iota3A, %add3A_406 : vector<16xi32>
          %and3A_408 = arith.constant 127 : i32
          %and3A_409 = vector.broadcast %and3A_408 : i32 to vector<16xi32>
          %and3A_410 = arith.andi %add3A_407, %and3A_409 : vector<16xi32>
          %gather3A_411 = arith.constant 0 : i32
          %gather3A_412 = arith.constant 0 : i32
          %gather3A_413 = tpu.memref_slice %arg10[%scan3A_219, %gather3A_411, %gather3A_412] : memref<5x128x128xf32, #tpu.memory_space<vmem>> -> memref<1x128x128xf32, #tpu.memory_space<vmem>>
          %gather3A_414 = tpu.memref_squeeze %gather3A_413 : memref<1x128x128xf32, #tpu.memory_space<vmem>> -> memref<128x128xf32, #tpu.memory_space<vmem>>
          %gather3A_415 = tpu.vector_load_idx %gather3A_414[%add3A_333, %and3A_410] : memref<128x128xf32, #tpu.memory_space<vmem>>[vector<16xi32>, vector<16xi32>], vector<16xf32>,
          %exp3A_416 = math.exp %gather3A_415 : vector<16xf32>
          %add3A_417 = arith.addf %add3A_401, %exp3A_416 : vector<16xf32>
          %mul3A_418 = arith.constant 8 : i32
          %mul3A_419 = arith.muli %scan3A_354, %mul3A_418 : i32
          %add3A_420 = arith.constant 4 : i32
          %add3A_421 = arith.addi %mul3A_419, %add3A_420 : i32
          %add3A_422 = vector.broadcast %add3A_421 : i32 to vector<16xi32>
          %add3A_423 = arith.addi %iota3A, %add3A_422 : vector<16xi32>
          %and3A_424 = arith.constant 127 : i32
          %and3A_425 = vector.broadcast %and3A_424 : i32 to vector<16xi32>
          %and3A_426 = arith.andi %add3A_423, %and3A_425 : vector<16xi32>
          %gather3A_427 = arith.constant 0 : i32
          %gather3A_428 = arith.constant 0 : i32
          %gather3A_429 = tpu.memref_slice %arg10[%scan3A_219, %gather3A_427, %gather3A_428] : memref<5x128x128xf32, #tpu.memory_space<vmem>> -> memref<1x128x128xf32, #tpu.memory_space<vmem>>
          %gather3A_430 = tpu.memref_squeeze %gather3A_429 : memref<1x128x128xf32, #tpu.memory_space<vmem>> -> memref<128x128xf32, #tpu.memory_space<vmem>>
          %gather3A_431 = tpu.vector_load_idx %gather3A_430[%add3A_333, %and3A_426] : memref<128x128xf32, #tpu.memory_space<vmem>>[vector<16xi32>, vector<16xi32>], vector<16xf32>,
          %exp3A_432 = math.exp %gather3A_431 : vector<16xf32>
          %add3A_433 = arith.addf %add3A_417, %exp3A_432 : vector<16xf32>
          %mul3A_434 = arith.constant 8 : i32
          %mul3A_435 = arith.muli %scan3A_354, %mul3A_434 : i32
          %add3A_436 = arith.constant 5 : i32
          %add3A_437 = arith.addi %mul3A_435, %add3A_436 : i32
          %add3A_438 = vector.broadcast %add3A_437 : i32 to vector<16xi32>
          %add3A_439 = arith.addi %iota3A, %add3A_438 : vector<16xi32>
          %and3A_440 = arith.constant 127 : i32
          %and3A_441 = vector.broadcast %and3A_440 : i32 to vector<16xi32>
          %and3A_442 = arith.andi %add3A_439, %and3A_441 : vector<16xi32>
          %gather3A_443 = arith.constant 0 : i32
          %gather3A_444 = arith.constant 0 : i32
          %gather3A_445 = tpu.memref_slice %arg10[%scan3A_219, %gather3A_443, %gather3A_444] : memref<5x128x128xf32, #tpu.memory_space<vmem>> -> memref<1x128x128xf32, #tpu.memory_space<vmem>>
          %gather3A_446 = tpu.memref_squeeze %gather3A_445 : memref<1x128x128xf32, #tpu.memory_space<vmem>> -> memref<128x128xf32, #tpu.memory_space<vmem>>
          %gather3A_447 = tpu.vector_load_idx %gather3A_446[%add3A_333, %and3A_442] : memref<128x128xf32, #tpu.memory_space<vmem>>[vector<16xi32>, vector<16xi32>], vector<16xf32>,
          %exp3A_448 = math.exp %gather3A_447 : vector<16xf32>
          %add3A_449 = arith.addf %add3A_433, %exp3A_448 : vector<16xf32>
          %mul3A_450 = arith.constant 8 : i32
          %mul3A_451 = arith.muli %scan3A_354, %mul3A_450 : i32
          %add3A_452 = arith.constant 6 : i32
          %add3A_453 = arith.addi %mul3A_451, %add3A_452 : i32
          %add3A_454 = vector.broadcast %add3A_453 : i32 to vector<16xi32>
          %add3A_455 = arith.addi %iota3A, %add3A_454 : vector<16xi32>
          %and3A_456 = arith.constant 127 : i32
          %and3A_457 = vector.broadcast %and3A_456 : i32 to vector<16xi32>
          %and3A_458 = arith.andi %add3A_455, %and3A_457 : vector<16xi32>
          %gather3A_459 = arith.constant 0 : i32
          %gather3A_460 = arith.constant 0 : i32
          %gather3A_461 = tpu.memref_slice %arg10[%scan3A_219, %gather3A_459, %gather3A_460] : memref<5x128x128xf32, #tpu.memory_space<vmem>> -> memref<1x128x128xf32, #tpu.memory_space<vmem>>
          %gather3A_462 = tpu.memref_squeeze %gather3A_461 : memref<1x128x128xf32, #tpu.memory_space<vmem>> -> memref<128x128xf32, #tpu.memory_space<vmem>>
          %gather3A_463 = tpu.vector_load_idx %gather3A_462[%add3A_333, %and3A_458] : memref<128x128xf32, #tpu.memory_space<vmem>>[vector<16xi32>, vector<16xi32>], vector<16xf32>,
          %exp3A_464 = math.exp %gather3A_463 : vector<16xf32>
          %add3A_465 = arith.addf %add3A_449, %exp3A_464 : vector<16xf32>
          %mul3A_466 = arith.constant 8 : i32
          %mul3A_467 = arith.muli %scan3A_354, %mul3A_466 : i32
          %add3A_468 = arith.constant 7 : i32
          %add3A_469 = arith.addi %mul3A_467, %add3A_468 : i32
          %add3A_470 = vector.broadcast %add3A_469 : i32 to vector<16xi32>
          %add3A_471 = arith.addi %iota3A, %add3A_470 : vector<16xi32>
          %and3A_472 = arith.constant 127 : i32
          %and3A_473 = vector.broadcast %and3A_472 : i32 to vector<16xi32>
          %and3A_474 = arith.andi %add3A_471, %and3A_473 : vector<16xi32>
          %gather3A_475 = arith.constant 0 : i32
          %gather3A_476 = arith.constant 0 : i32
          %gather3A_477 = tpu.memref_slice %arg10[%scan3A_219, %gather3A_475, %gather3A_476] : memref<5x128x128xf32, #tpu.memory_space<vmem>> -> memref<1x128x128xf32, #tpu.memory_space<vmem>>
          %gather3A_478 = tpu.memref_squeeze %gather3A_477 : memref<1x128x128xf32, #tpu.memory_space<vmem>> -> memref<128x128xf32, #tpu.memory_space<vmem>>
          %gather3A_479 = tpu.vector_load_idx %gather3A_478[%add3A_333, %and3A_474] : memref<128x128xf32, #tpu.memory_space<vmem>>[vector<16xi32>, vector<16xi32>], vector<16xf32>,
          %exp3A_480 = math.exp %gather3A_479 : vector<16xf32>
          %add3A_481 = arith.addf %add3A_465, %exp3A_480 : vector<16xf32>
          scf.yield %add3A_481 : vector<16xf32>
        }
        %scan3A_340 = arith.constant 16 : i32
        %mul3A_341 = arith.constant 128 : i32
        %mul3A_342 = arith.muli %add3A_176, %mul3A_341 : i32
        %mul3A_343 = arith.constant 16 : i32
        %mul3A_344 = arith.muli %scan3A_329, %mul3A_343 : i32
        %add3A_345 = arith.addi %mul3A_342, %mul3A_344 : i32
        %get3A = arith.index_cast %add3A_345 : i32 to index
        %get3A_346 = tpu.vector_load %arg9[%get3A] {strides = array<i32>} : memref<6400xi32, #tpu.memory_space<vmem>>, vector<16xi32>,
        %gather3A = arith.constant 0 : i32
        %gather3A_347 = arith.constant 0 : i32
        %gather3A_348 = tpu.memref_slice %arg10[%scan3A_219, %gather3A, %gather3A_347] : memref<5x128x128xf32, #tpu.memory_space<vmem>> -> memref<1x128x128xf32, #tpu.memory_space<vmem>>
        %gather3A_349 = tpu.memref_squeeze %gather3A_348 : memref<1x128x128xf32, #tpu.memory_space<vmem>> -> memref<128x128xf32, #tpu.memory_space<vmem>>
        %gather3A_350 = tpu.vector_load_idx %gather3A_349[%add3A_333, %get3A_346] : memref<128x128xf32, #tpu.memory_space<vmem>>[vector<16xi32>, vector<16xi32>], vector<16xf32>,
        %swap3A = arith.index_cast %add3A_345 : i32 to index
        %swap3A_351 = tpu.vector_load %arg11[%swap3A] {strides = array<i32>} : memref<6400xf32, #tpu.memory_space<vmem>>, vector<16xf32>,
        tpu.vector_store %arg11[%swap3A], %scan3A_339 {strides = array<i32>} : memref<6400xf32, #tpu.memory_space<vmem>>, vector<16xf32>,
        %swap3A_352 = arith.index_cast %add3A_345 : i32 to index
        %swap3A_353 = tpu.vector_load %arg12[%swap3A_352] {strides = array<i32>} : memref<6400xf32, #tpu.memory_space<vmem>>, vector<16xf32>,
        tpu.vector_store %arg12[%swap3A_352], %gather3A_350 {strides = array<i32>} : memref<6400xf32, #tpu.memory_space<vmem>>, vector<16xf32>,
      }
      %scan3A_224 = arith.constant 8 : i32
      %mul3A_225 = arith.constant 5 : i32
      %mul3A_226 = arith.muli %scan3A_73, %mul3A_225 : i32
      %add3A_227 = arith.constant 3 : i32
      %add3A_228 = arith.addi %mul3A_226, %add3A_227 : i32
      %dma_wait3A_229 = arith.constant 3 : i32
      %dma_wait3A_230 = arith.constant 0 : i32
      %dma_wait3A_231 = arith.constant 0 : i32
      %dma_wait3A_232 = tpu.memref_slice %arg10[%dma_wait3A_229, %dma_wait3A_230, %dma_wait3A_231] : memref<5x128x128xf32, #tpu.memory_space<vmem>> -> memref<1x128x128xf32, #tpu.memory_space<vmem>>
      %dma_wait3A_233 = tpu.memref_squeeze %dma_wait3A_232 : memref<1x128x128xf32, #tpu.memory_space<vmem>> -> memref<128x128xf32, #tpu.memory_space<vmem>>
      %dma_wait3A_234 = arith.constant 0 : i32
      %dma_wait3A_235 = tpu.memref_slice %arg8[%add3A_228, %dma_wait3A_234] : memref<50x128xi32, #tpu.memory_space<vmem>> -> memref<1x128xi32, #tpu.memory_space<vmem>>
      %dma_wait3A_236 = tpu.memref_squeeze %dma_wait3A_235 : memref<1x128xi32, #tpu.memory_space<vmem>> -> memref<128xi32, #tpu.memory_space<vmem>>
      %dma_wait3A_237 = arith.constant 0 : i32
      %dma_wait3A_238 = arith.constant 0 : i32
      %dma_wait3A_239 = tpu.memref_slice %arg2[%dma_wait3A_237, %dma_wait3A_238] : memref<100000x128xf32, #tpu.memory_space<hbm>> -> memref<100000x128xf32, #tpu.memory_space<hbm>>
      tpu.wait_indirect_dma semaphore(%arg16 : memref<!tpu.dma_semaphore, #tpu.memory_space<semaphore_mem>>) src(%dma_wait3A_239 : memref<100000x128xf32, #tpu.memory_space<hbm>>) dst(%dma_wait3A_233 : memref<128x128xf32, #tpu.memory_space<vmem>>)
      %ge3A_240 = arith.constant 1 : i32
      %ge3A_241 = arith.cmpi sge, %add3A_228, %ge3A_240 : i32
      %convert_element_type3A_242 = arith.extui %ge3A_241 : i1 to i32
      %cond3A_243 = arith.constant 0 : i32
      %cond3A_244 = arith.cmpi ne, %convert_element_type3A_242, %cond3A_243 : i32
      scf.if %cond3A_244 {
        %sub3A_329 = arith.constant 1 : i32
        %sub3A_330 = arith.subi %add3A_228, %sub3A_329 : i32
        %mul3A_331 = arith.constant 128 : i32
        %mul3A_332 = arith.muli %sub3A_330, %mul3A_331 : i32
        %add3A_333 = arith.addi %mul3A_2, %mul3A_332 : i32
        %dma_wait3A_334 = arith.constant 2 : i32
        %dma_wait3A_335 = arith.constant 0 : i32
        %dma_wait3A_336 = arith.constant 0 : i32
        %dma_wait3A_337 = tpu.memref_slice %arg10[%dma_wait3A_334, %dma_wait3A_335, %dma_wait3A_336] : memref<5x128x128xf32, #tpu.memory_space<vmem>> -> memref<1x128x128xf32, #tpu.memory_space<vmem>>
        %dma_wait3A_338 = tpu.memref_squeeze %dma_wait3A_337 : memref<1x128x128xf32, #tpu.memory_space<vmem>> -> memref<128x128xf32, #tpu.memory_space<vmem>>
        %dma_wait3A_339 = arith.constant 0 : i32
        %dma_wait3A_340 = tpu.memref_slice %arg5[%add3A_333, %dma_wait3A_339] : memref<204800x128xf32, #tpu.memory_space<hbm>> -> memref<128x128xf32, #tpu.memory_space<hbm>>
        %dma_wait3A_341 = arith.constant 0 : i32
        %dma_wait3A_342 = tpu.memref_slice %arg5[%add3A_333, %dma_wait3A_341] : memref<204800x128xf32, #tpu.memory_space<hbm>> -> memref<128x128xf32, #tpu.memory_space<hbm>>
        %dma_wait3A_343 = arith.constant 0 : i32
        %dma_wait3A_344 = arith.constant 0 : i32
        %dma_wait3A_345 = tpu.memref_slice %arg10[%dma_wait3A_334, %dma_wait3A_343, %dma_wait3A_344] : memref<5x128x128xf32, #tpu.memory_space<vmem>> -> memref<1x128x128xf32, #tpu.memory_space<vmem>>
        %dma_wait3A_346 = tpu.memref_squeeze %dma_wait3A_345 : memref<1x128x128xf32, #tpu.memory_space<vmem>> -> memref<128x128xf32, #tpu.memory_space<vmem>>
        tpu.wait_dma2 semaphore(%arg20 : memref<!tpu.dma_semaphore, #tpu.memory_space<semaphore_mem>>) src(%dma_wait3A_346 : memref<128x128xf32, #tpu.memory_space<vmem>>) dst(%dma_wait3A_342 : memref<128x128xf32, #tpu.memory_space<hbm>>)
      } else {
      }
      %add3A_245 = arith.constant 5 : i32
      %add3A_246 = arith.addi %add3A_228, %add3A_245 : i32
      %sub3A_247 = arith.constant 1 : i32
      %sub3A_248 = arith.subi %add3A_246, %sub3A_247 : i32
      %lt3A_249 = arith.constant 50 : i32
      %lt3A_250 = arith.cmpi slt, %sub3A_248, %lt3A_249 : i32
      %convert_element_type3A_251 = arith.extui %lt3A_250 : i1 to i32
      %cond3A_252 = arith.constant 0 : i32
      %cond3A_253 = arith.cmpi ne, %convert_element_type3A_251, %cond3A_252 : i32
      scf.if %cond3A_253 {
        %add3A_329 = arith.constant 5 : i32
        %add3A_330 = arith.addi %add3A_228, %add3A_329 : i32
        %sub3A_331 = arith.constant 1 : i32
        %sub3A_332 = arith.subi %add3A_330, %sub3A_331 : i32
        %dma_start3A_333 = arith.constant 2 : i32
        %dma_start3A_334 = arith.constant 0 : i32
        %dma_start3A_335 = arith.constant 0 : i32
        %dma_start3A_336 = tpu.memref_slice %arg10[%dma_start3A_333, %dma_start3A_334, %dma_start3A_335] : memref<5x128x128xf32, #tpu.memory_space<vmem>> -> memref<1x128x128xf32, #tpu.memory_space<vmem>>
        %dma_start3A_337 = tpu.memref_squeeze %dma_start3A_336 : memref<1x128x128xf32, #tpu.memory_space<vmem>> -> memref<128x128xf32, #tpu.memory_space<vmem>>
        %dma_start3A_338 = arith.constant 0 : i32
        %dma_start3A_339 = tpu.memref_slice %arg8[%sub3A_332, %dma_start3A_338] : memref<50x128xi32, #tpu.memory_space<vmem>> -> memref<1x128xi32, #tpu.memory_space<vmem>>
        %dma_start3A_340 = tpu.memref_squeeze %dma_start3A_339 : memref<1x128xi32, #tpu.memory_space<vmem>> -> memref<128xi32, #tpu.memory_space<vmem>>
        %dma_start3A_341 = arith.constant 0 : i32
        %dma_start3A_342 = arith.constant 0 : i32
        %dma_start3A_343 = tpu.memref_slice %arg2[%dma_start3A_341, %dma_start3A_342] : memref<100000x128xf32, #tpu.memory_space<hbm>> -> memref<100000x128xf32, #tpu.memory_space<hbm>>
        tpu.enqueue_indirect_dma source(%dma_start3A_343 : memref<100000x128xf32, #tpu.memory_space<hbm>>) target(%dma_start3A_337 : memref<128x128xf32, #tpu.memory_space<vmem>>) offsets(%dma_start3A_340 : memref<128xi32, #tpu.memory_space<vmem>>) semaphore(%arg15 : memref<!tpu.dma_semaphore, #tpu.memory_space<semaphore_mem>>)
      } else {
      }
      %mul3A_254 = arith.constant 128 : i32
      %mul3A_255 = arith.muli %add3A_228, %mul3A_254 : i32
      %add3A_256 = arith.addi %mul3A_2, %mul3A_255 : i32
      %dma_start3A_257 = arith.constant 3 : i32
      %dma_start3A_258 = arith.constant 0 : i32
      %dma_start3A_259 = arith.constant 0 : i32
      %dma_start3A_260 = tpu.memref_slice %arg10[%dma_start3A_257, %dma_start3A_258, %dma_start3A_259] : memref<5x128x128xf32, #tpu.memory_space<vmem>> -> memref<1x128x128xf32, #tpu.memory_space<vmem>>
      %dma_start3A_261 = tpu.memref_squeeze %dma_start3A_260 : memref<1x128x128xf32, #tpu.memory_space<vmem>> -> memref<128x128xf32, #tpu.memory_space<vmem>>
      %dma_start3A_262 = arith.constant 0 : i32
      %dma_start3A_263 = tpu.memref_slice %arg5[%add3A_256, %dma_start3A_262] : memref<204800x128xf32, #tpu.memory_space<hbm>> -> memref<128x128xf32, #tpu.memory_space<hbm>>
      %dma_start3A_264 = arith.constant 0 : i32
      %dma_start3A_265 = tpu.memref_slice %arg5[%add3A_256, %dma_start3A_264] : memref<204800x128xf32, #tpu.memory_space<hbm>> -> memref<128x128xf32, #tpu.memory_space<hbm>>
      %dma_start3A_266 = arith.constant 0 : i32
      %dma_start3A_267 = arith.constant 0 : i32
      %dma_start3A_268 = tpu.memref_slice %arg10[%dma_start3A_257, %dma_start3A_266, %dma_start3A_267] : memref<5x128x128xf32, #tpu.memory_space<vmem>> -> memref<1x128x128xf32, #tpu.memory_space<vmem>>
      %dma_start3A_269 = tpu.memref_squeeze %dma_start3A_268 : memref<1x128x128xf32, #tpu.memory_space<vmem>> -> memref<128x128xf32, #tpu.memory_space<vmem>>
      tpu.enqueue_dma source(%dma_start3A_269 : memref<128x128xf32, #tpu.memory_space<vmem>>) target(%dma_start3A_265 : memref<128x128xf32, #tpu.memory_space<hbm>>) target_semaphore(%arg21 : memref<!tpu.dma_semaphore, #tpu.memory_space<semaphore_mem>>)
      %scan3A_270 = arith.constant 0 : i32
      %scan3A_271 = arith.constant 3 : i32
      %scan3A_272 = arith.constant 0 : i32
      %scan3A_273 = arith.constant 8 : i32
      %scan3A_274 = arith.addi %scan3A_272, %scan3A_273 : i32
      %scan3A_275 = arith.constant 1 : i32
      scf.for %scan3A_329 = %scan3A_272 to %scan3A_274 step %scan3A_275  : i32 {
        %mul3A_330 = arith.constant 16 : i32
        %mul3A_331 = arith.muli %scan3A_329, %mul3A_330 : i32
        %add3A_332 = vector.broadcast %mul3A_331 : i32 to vector<16xi32>
        %add3A_333 = arith.addi %iota3A, %add3A_332 : vector<16xi32>
        %broadcast_in_dim3A = arith.constant 0.000000e+00 : f32
        %broadcast_in_dim3A_334 = vector.broadcast %broadcast_in_dim3A : f32 to vector<16xf32>
        %scan3A_335 = arith.constant 0 : i32
        %scan3A_336 = arith.constant 16 : i32
        %scan3A_337 = arith.addi %scan3A_335, %scan3A_336 : i32
        %scan3A_338 = arith.constant 1 : i32
        %scan3A_339 = scf.for %scan3A_354 = %scan3A_335 to %scan3A_337 step %scan3A_338 iter_args(%scan3A_355 = %broadcast_in_dim3A_334) -> (vector<16xf32>)  : i32 {
          %mul3A_356 = arith.constant 8 : i32
          %mul3A_357 = arith.muli %scan3A_354, %mul3A_356 : i32
          %add3A_358 = arith.constant 0 : i32
          %add3A_359 = arith.addi %mul3A_357, %add3A_358 : i32
          %add3A_360 = vector.broadcast %add3A_359 : i32 to vector<16xi32>
          %add3A_361 = arith.addi %iota3A, %add3A_360 : vector<16xi32>
          %and3A = arith.constant 127 : i32
          %and3A_362 = vector.broadcast %and3A : i32 to vector<16xi32>
          %and3A_363 = arith.andi %add3A_361, %and3A_362 : vector<16xi32>
          %gather3A_364 = arith.constant 0 : i32
          %gather3A_365 = arith.constant 0 : i32
          %gather3A_366 = tpu.memref_slice %arg10[%scan3A_271, %gather3A_364, %gather3A_365] : memref<5x128x128xf32, #tpu.memory_space<vmem>> -> memref<1x128x128xf32, #tpu.memory_space<vmem>>
          %gather3A_367 = tpu.memref_squeeze %gather3A_366 : memref<1x128x128xf32, #tpu.memory_space<vmem>> -> memref<128x128xf32, #tpu.memory_space<vmem>>
          %gather3A_368 = tpu.vector_load_idx %gather3A_367[%add3A_333, %and3A_363] : memref<128x128xf32, #tpu.memory_space<vmem>>[vector<16xi32>, vector<16xi32>], vector<16xf32>,
          %exp3A = math.exp %gather3A_368 : vector<16xf32>
          %add3A_369 = arith.addf %scan3A_355, %exp3A : vector<16xf32>
          %mul3A_370 = arith.constant 8 : i32
          %mul3A_371 = arith.muli %scan3A_354, %mul3A_370 : i32
          %add3A_372 = arith.constant 1 : i32
          %add3A_373 = arith.addi %mul3A_371, %add3A_372 : i32
          %add3A_374 = vector.broadcast %add3A_373 : i32 to vector<16xi32>
          %add3A_375 = arith.addi %iota3A, %add3A_374 : vector<16xi32>
          %and3A_376 = arith.constant 127 : i32
          %and3A_377 = vector.broadcast %and3A_376 : i32 to vector<16xi32>
          %and3A_378 = arith.andi %add3A_375, %and3A_377 : vector<16xi32>
          %gather3A_379 = arith.constant 0 : i32
          %gather3A_380 = arith.constant 0 : i32
          %gather3A_381 = tpu.memref_slice %arg10[%scan3A_271, %gather3A_379, %gather3A_380] : memref<5x128x128xf32, #tpu.memory_space<vmem>> -> memref<1x128x128xf32, #tpu.memory_space<vmem>>
          %gather3A_382 = tpu.memref_squeeze %gather3A_381 : memref<1x128x128xf32, #tpu.memory_space<vmem>> -> memref<128x128xf32, #tpu.memory_space<vmem>>
          %gather3A_383 = tpu.vector_load_idx %gather3A_382[%add3A_333, %and3A_378] : memref<128x128xf32, #tpu.memory_space<vmem>>[vector<16xi32>, vector<16xi32>], vector<16xf32>,
          %exp3A_384 = math.exp %gather3A_383 : vector<16xf32>
          %add3A_385 = arith.addf %add3A_369, %exp3A_384 : vector<16xf32>
          %mul3A_386 = arith.constant 8 : i32
          %mul3A_387 = arith.muli %scan3A_354, %mul3A_386 : i32
          %add3A_388 = arith.constant 2 : i32
          %add3A_389 = arith.addi %mul3A_387, %add3A_388 : i32
          %add3A_390 = vector.broadcast %add3A_389 : i32 to vector<16xi32>
          %add3A_391 = arith.addi %iota3A, %add3A_390 : vector<16xi32>
          %and3A_392 = arith.constant 127 : i32
          %and3A_393 = vector.broadcast %and3A_392 : i32 to vector<16xi32>
          %and3A_394 = arith.andi %add3A_391, %and3A_393 : vector<16xi32>
          %gather3A_395 = arith.constant 0 : i32
          %gather3A_396 = arith.constant 0 : i32
          %gather3A_397 = tpu.memref_slice %arg10[%scan3A_271, %gather3A_395, %gather3A_396] : memref<5x128x128xf32, #tpu.memory_space<vmem>> -> memref<1x128x128xf32, #tpu.memory_space<vmem>>
          %gather3A_398 = tpu.memref_squeeze %gather3A_397 : memref<1x128x128xf32, #tpu.memory_space<vmem>> -> memref<128x128xf32, #tpu.memory_space<vmem>>
          %gather3A_399 = tpu.vector_load_idx %gather3A_398[%add3A_333, %and3A_394] : memref<128x128xf32, #tpu.memory_space<vmem>>[vector<16xi32>, vector<16xi32>], vector<16xf32>,
          %exp3A_400 = math.exp %gather3A_399 : vector<16xf32>
          %add3A_401 = arith.addf %add3A_385, %exp3A_400 : vector<16xf32>
          %mul3A_402 = arith.constant 8 : i32
          %mul3A_403 = arith.muli %scan3A_354, %mul3A_402 : i32
          %add3A_404 = arith.constant 3 : i32
          %add3A_405 = arith.addi %mul3A_403, %add3A_404 : i32
          %add3A_406 = vector.broadcast %add3A_405 : i32 to vector<16xi32>
          %add3A_407 = arith.addi %iota3A, %add3A_406 : vector<16xi32>
          %and3A_408 = arith.constant 127 : i32
          %and3A_409 = vector.broadcast %and3A_408 : i32 to vector<16xi32>
          %and3A_410 = arith.andi %add3A_407, %and3A_409 : vector<16xi32>
          %gather3A_411 = arith.constant 0 : i32
          %gather3A_412 = arith.constant 0 : i32
          %gather3A_413 = tpu.memref_slice %arg10[%scan3A_271, %gather3A_411, %gather3A_412] : memref<5x128x128xf32, #tpu.memory_space<vmem>> -> memref<1x128x128xf32, #tpu.memory_space<vmem>>
          %gather3A_414 = tpu.memref_squeeze %gather3A_413 : memref<1x128x128xf32, #tpu.memory_space<vmem>> -> memref<128x128xf32, #tpu.memory_space<vmem>>
          %gather3A_415 = tpu.vector_load_idx %gather3A_414[%add3A_333, %and3A_410] : memref<128x128xf32, #tpu.memory_space<vmem>>[vector<16xi32>, vector<16xi32>], vector<16xf32>,
          %exp3A_416 = math.exp %gather3A_415 : vector<16xf32>
          %add3A_417 = arith.addf %add3A_401, %exp3A_416 : vector<16xf32>
          %mul3A_418 = arith.constant 8 : i32
          %mul3A_419 = arith.muli %scan3A_354, %mul3A_418 : i32
          %add3A_420 = arith.constant 4 : i32
          %add3A_421 = arith.addi %mul3A_419, %add3A_420 : i32
          %add3A_422 = vector.broadcast %add3A_421 : i32 to vector<16xi32>
          %add3A_423 = arith.addi %iota3A, %add3A_422 : vector<16xi32>
          %and3A_424 = arith.constant 127 : i32
          %and3A_425 = vector.broadcast %and3A_424 : i32 to vector<16xi32>
          %and3A_426 = arith.andi %add3A_423, %and3A_425 : vector<16xi32>
          %gather3A_427 = arith.constant 0 : i32
          %gather3A_428 = arith.constant 0 : i32
          %gather3A_429 = tpu.memref_slice %arg10[%scan3A_271, %gather3A_427, %gather3A_428] : memref<5x128x128xf32, #tpu.memory_space<vmem>> -> memref<1x128x128xf32, #tpu.memory_space<vmem>>
          %gather3A_430 = tpu.memref_squeeze %gather3A_429 : memref<1x128x128xf32, #tpu.memory_space<vmem>> -> memref<128x128xf32, #tpu.memory_space<vmem>>
          %gather3A_431 = tpu.vector_load_idx %gather3A_430[%add3A_333, %and3A_426] : memref<128x128xf32, #tpu.memory_space<vmem>>[vector<16xi32>, vector<16xi32>], vector<16xf32>,
          %exp3A_432 = math.exp %gather3A_431 : vector<16xf32>
          %add3A_433 = arith.addf %add3A_417, %exp3A_432 : vector<16xf32>
          %mul3A_434 = arith.constant 8 : i32
          %mul3A_435 = arith.muli %scan3A_354, %mul3A_434 : i32
          %add3A_436 = arith.constant 5 : i32
          %add3A_437 = arith.addi %mul3A_435, %add3A_436 : i32
          %add3A_438 = vector.broadcast %add3A_437 : i32 to vector<16xi32>
          %add3A_439 = arith.addi %iota3A, %add3A_438 : vector<16xi32>
          %and3A_440 = arith.constant 127 : i32
          %and3A_441 = vector.broadcast %and3A_440 : i32 to vector<16xi32>
          %and3A_442 = arith.andi %add3A_439, %and3A_441 : vector<16xi32>
          %gather3A_443 = arith.constant 0 : i32
          %gather3A_444 = arith.constant 0 : i32
          %gather3A_445 = tpu.memref_slice %arg10[%scan3A_271, %gather3A_443, %gather3A_444] : memref<5x128x128xf32, #tpu.memory_space<vmem>> -> memref<1x128x128xf32, #tpu.memory_space<vmem>>
          %gather3A_446 = tpu.memref_squeeze %gather3A_445 : memref<1x128x128xf32, #tpu.memory_space<vmem>> -> memref<128x128xf32, #tpu.memory_space<vmem>>
          %gather3A_447 = tpu.vector_load_idx %gather3A_446[%add3A_333, %and3A_442] : memref<128x128xf32, #tpu.memory_space<vmem>>[vector<16xi32>, vector<16xi32>], vector<16xf32>,
          %exp3A_448 = math.exp %gather3A_447 : vector<16xf32>
          %add3A_449 = arith.addf %add3A_433, %exp3A_448 : vector<16xf32>
          %mul3A_450 = arith.constant 8 : i32
          %mul3A_451 = arith.muli %scan3A_354, %mul3A_450 : i32
          %add3A_452 = arith.constant 6 : i32
          %add3A_453 = arith.addi %mul3A_451, %add3A_452 : i32
          %add3A_454 = vector.broadcast %add3A_453 : i32 to vector<16xi32>
          %add3A_455 = arith.addi %iota3A, %add3A_454 : vector<16xi32>
          %and3A_456 = arith.constant 127 : i32
          %and3A_457 = vector.broadcast %and3A_456 : i32 to vector<16xi32>
          %and3A_458 = arith.andi %add3A_455, %and3A_457 : vector<16xi32>
          %gather3A_459 = arith.constant 0 : i32
          %gather3A_460 = arith.constant 0 : i32
          %gather3A_461 = tpu.memref_slice %arg10[%scan3A_271, %gather3A_459, %gather3A_460] : memref<5x128x128xf32, #tpu.memory_space<vmem>> -> memref<1x128x128xf32, #tpu.memory_space<vmem>>
          %gather3A_462 = tpu.memref_squeeze %gather3A_461 : memref<1x128x128xf32, #tpu.memory_space<vmem>> -> memref<128x128xf32, #tpu.memory_space<vmem>>
          %gather3A_463 = tpu.vector_load_idx %gather3A_462[%add3A_333, %and3A_458] : memref<128x128xf32, #tpu.memory_space<vmem>>[vector<16xi32>, vector<16xi32>], vector<16xf32>,
          %exp3A_464 = math.exp %gather3A_463 : vector<16xf32>
          %add3A_465 = arith.addf %add3A_449, %exp3A_464 : vector<16xf32>
          %mul3A_466 = arith.constant 8 : i32
          %mul3A_467 = arith.muli %scan3A_354, %mul3A_466 : i32
          %add3A_468 = arith.constant 7 : i32
          %add3A_469 = arith.addi %mul3A_467, %add3A_468 : i32
          %add3A_470 = vector.broadcast %add3A_469 : i32 to vector<16xi32>
          %add3A_471 = arith.addi %iota3A, %add3A_470 : vector<16xi32>
          %and3A_472 = arith.constant 127 : i32
          %and3A_473 = vector.broadcast %and3A_472 : i32 to vector<16xi32>
          %and3A_474 = arith.andi %add3A_471, %and3A_473 : vector<16xi32>
          %gather3A_475 = arith.constant 0 : i32
          %gather3A_476 = arith.constant 0 : i32
          %gather3A_477 = tpu.memref_slice %arg10[%scan3A_271, %gather3A_475, %gather3A_476] : memref<5x128x128xf32, #tpu.memory_space<vmem>> -> memref<1x128x128xf32, #tpu.memory_space<vmem>>
          %gather3A_478 = tpu.memref_squeeze %gather3A_477 : memref<1x128x128xf32, #tpu.memory_space<vmem>> -> memref<128x128xf32, #tpu.memory_space<vmem>>
          %gather3A_479 = tpu.vector_load_idx %gather3A_478[%add3A_333, %and3A_474] : memref<128x128xf32, #tpu.memory_space<vmem>>[vector<16xi32>, vector<16xi32>], vector<16xf32>,
          %exp3A_480 = math.exp %gather3A_479 : vector<16xf32>
          %add3A_481 = arith.addf %add3A_465, %exp3A_480 : vector<16xf32>
          scf.yield %add3A_481 : vector<16xf32>
        }
        %scan3A_340 = arith.constant 16 : i32
        %mul3A_341 = arith.constant 128 : i32
        %mul3A_342 = arith.muli %add3A_228, %mul3A_341 : i32
        %mul3A_343 = arith.constant 16 : i32
        %mul3A_344 = arith.muli %scan3A_329, %mul3A_343 : i32
        %add3A_345 = arith.addi %mul3A_342, %mul3A_344 : i32
        %get3A = arith.index_cast %add3A_345 : i32 to index
        %get3A_346 = tpu.vector_load %arg9[%get3A] {strides = array<i32>} : memref<6400xi32, #tpu.memory_space<vmem>>, vector<16xi32>,
        %gather3A = arith.constant 0 : i32
        %gather3A_347 = arith.constant 0 : i32
        %gather3A_348 = tpu.memref_slice %arg10[%scan3A_271, %gather3A, %gather3A_347] : memref<5x128x128xf32, #tpu.memory_space<vmem>> -> memref<1x128x128xf32, #tpu.memory_space<vmem>>
        %gather3A_349 = tpu.memref_squeeze %gather3A_348 : memref<1x128x128xf32, #tpu.memory_space<vmem>> -> memref<128x128xf32, #tpu.memory_space<vmem>>
        %gather3A_350 = tpu.vector_load_idx %gather3A_349[%add3A_333, %get3A_346] : memref<128x128xf32, #tpu.memory_space<vmem>>[vector<16xi32>, vector<16xi32>], vector<16xf32>,
        %swap3A = arith.index_cast %add3A_345 : i32 to index
        %swap3A_351 = tpu.vector_load %arg11[%swap3A] {strides = array<i32>} : memref<6400xf32, #tpu.memory_space<vmem>>, vector<16xf32>,
        tpu.vector_store %arg11[%swap3A], %scan3A_339 {strides = array<i32>} : memref<6400xf32, #tpu.memory_space<vmem>>, vector<16xf32>,
        %swap3A_352 = arith.index_cast %add3A_345 : i32 to index
        %swap3A_353 = tpu.vector_load %arg12[%swap3A_352] {strides = array<i32>} : memref<6400xf32, #tpu.memory_space<vmem>>, vector<16xf32>,
        tpu.vector_store %arg12[%swap3A_352], %gather3A_350 {strides = array<i32>} : memref<6400xf32, #tpu.memory_space<vmem>>, vector<16xf32>,
      }
      %scan3A_276 = arith.constant 8 : i32
      %mul3A_277 = arith.constant 5 : i32
      %mul3A_278 = arith.muli %scan3A_73, %mul3A_277 : i32
      %add3A_279 = arith.constant 4 : i32
      %add3A_280 = arith.addi %mul3A_278, %add3A_279 : i32
      %dma_wait3A_281 = arith.constant 4 : i32
      %dma_wait3A_282 = arith.constant 0 : i32
      %dma_wait3A_283 = arith.constant 0 : i32
      %dma_wait3A_284 = tpu.memref_slice %arg10[%dma_wait3A_281, %dma_wait3A_282, %dma_wait3A_283] : memref<5x128x128xf32, #tpu.memory_space<vmem>> -> memref<1x128x128xf32, #tpu.memory_space<vmem>>
      %dma_wait3A_285 = tpu.memref_squeeze %dma_wait3A_284 : memref<1x128x128xf32, #tpu.memory_space<vmem>> -> memref<128x128xf32, #tpu.memory_space<vmem>>
      %dma_wait3A_286 = arith.constant 0 : i32
      %dma_wait3A_287 = tpu.memref_slice %arg8[%add3A_280, %dma_wait3A_286] : memref<50x128xi32, #tpu.memory_space<vmem>> -> memref<1x128xi32, #tpu.memory_space<vmem>>
      %dma_wait3A_288 = tpu.memref_squeeze %dma_wait3A_287 : memref<1x128xi32, #tpu.memory_space<vmem>> -> memref<128xi32, #tpu.memory_space<vmem>>
      %dma_wait3A_289 = arith.constant 0 : i32
      %dma_wait3A_290 = arith.constant 0 : i32
      %dma_wait3A_291 = tpu.memref_slice %arg2[%dma_wait3A_289, %dma_wait3A_290] : memref<100000x128xf32, #tpu.memory_space<hbm>> -> memref<100000x128xf32, #tpu.memory_space<hbm>>
      tpu.wait_indirect_dma semaphore(%arg17 : memref<!tpu.dma_semaphore, #tpu.memory_space<semaphore_mem>>) src(%dma_wait3A_291 : memref<100000x128xf32, #tpu.memory_space<hbm>>) dst(%dma_wait3A_285 : memref<128x128xf32, #tpu.memory_space<vmem>>)
      %ge3A_292 = arith.constant 1 : i32
      %ge3A_293 = arith.cmpi sge, %add3A_280, %ge3A_292 : i32
      %convert_element_type3A_294 = arith.extui %ge3A_293 : i1 to i32
      %cond3A_295 = arith.constant 0 : i32
      %cond3A_296 = arith.cmpi ne, %convert_element_type3A_294, %cond3A_295 : i32
      scf.if %cond3A_296 {
        %sub3A_329 = arith.constant 1 : i32
        %sub3A_330 = arith.subi %add3A_280, %sub3A_329 : i32
        %mul3A_331 = arith.constant 128 : i32
        %mul3A_332 = arith.muli %sub3A_330, %mul3A_331 : i32
        %add3A_333 = arith.addi %mul3A_2, %mul3A_332 : i32
        %dma_wait3A_334 = arith.constant 3 : i32
        %dma_wait3A_335 = arith.constant 0 : i32
        %dma_wait3A_336 = arith.constant 0 : i32
        %dma_wait3A_337 = tpu.memref_slice %arg10[%dma_wait3A_334, %dma_wait3A_335, %dma_wait3A_336] : memref<5x128x128xf32, #tpu.memory_space<vmem>> -> memref<1x128x128xf32, #tpu.memory_space<vmem>>
        %dma_wait3A_338 = tpu.memref_squeeze %dma_wait3A_337 : memref<1x128x128xf32, #tpu.memory_space<vmem>> -> memref<128x128xf32, #tpu.memory_space<vmem>>
        %dma_wait3A_339 = arith.constant 0 : i32
        %dma_wait3A_340 = tpu.memref_slice %arg5[%add3A_333, %dma_wait3A_339] : memref<204800x128xf32, #tpu.memory_space<hbm>> -> memref<128x128xf32, #tpu.memory_space<hbm>>
        %dma_wait3A_341 = arith.constant 0 : i32
        %dma_wait3A_342 = tpu.memref_slice %arg5[%add3A_333, %dma_wait3A_341] : memref<204800x128xf32, #tpu.memory_space<hbm>> -> memref<128x128xf32, #tpu.memory_space<hbm>>
        %dma_wait3A_343 = arith.constant 0 : i32
        %dma_wait3A_344 = arith.constant 0 : i32
        %dma_wait3A_345 = tpu.memref_slice %arg10[%dma_wait3A_334, %dma_wait3A_343, %dma_wait3A_344] : memref<5x128x128xf32, #tpu.memory_space<vmem>> -> memref<1x128x128xf32, #tpu.memory_space<vmem>>
        %dma_wait3A_346 = tpu.memref_squeeze %dma_wait3A_345 : memref<1x128x128xf32, #tpu.memory_space<vmem>> -> memref<128x128xf32, #tpu.memory_space<vmem>>
        tpu.wait_dma2 semaphore(%arg21 : memref<!tpu.dma_semaphore, #tpu.memory_space<semaphore_mem>>) src(%dma_wait3A_346 : memref<128x128xf32, #tpu.memory_space<vmem>>) dst(%dma_wait3A_342 : memref<128x128xf32, #tpu.memory_space<hbm>>)
      } else {
      }
      %add3A_297 = arith.constant 5 : i32
      %add3A_298 = arith.addi %add3A_280, %add3A_297 : i32
      %sub3A_299 = arith.constant 1 : i32
      %sub3A_300 = arith.subi %add3A_298, %sub3A_299 : i32
      %lt3A_301 = arith.constant 50 : i32
      %lt3A_302 = arith.cmpi slt, %sub3A_300, %lt3A_301 : i32
      %convert_element_type3A_303 = arith.extui %lt3A_302 : i1 to i32
      %cond3A_304 = arith.constant 0 : i32
      %cond3A_305 = arith.cmpi ne, %convert_element_type3A_303, %cond3A_304 : i32
      scf.if %cond3A_305 {
        %add3A_329 = arith.constant 5 : i32
        %add3A_330 = arith.addi %add3A_280, %add3A_329 : i32
        %sub3A_331 = arith.constant 1 : i32
        %sub3A_332 = arith.subi %add3A_330, %sub3A_331 : i32
        %dma_start3A_333 = arith.constant 3 : i32
        %dma_start3A_334 = arith.constant 0 : i32
        %dma_start3A_335 = arith.constant 0 : i32
        %dma_start3A_336 = tpu.memref_slice %arg10[%dma_start3A_333, %dma_start3A_334, %dma_start3A_335] : memref<5x128x128xf32, #tpu.memory_space<vmem>> -> memref<1x128x128xf32, #tpu.memory_space<vmem>>
        %dma_start3A_337 = tpu.memref_squeeze %dma_start3A_336 : memref<1x128x128xf32, #tpu.memory_space<vmem>> -> memref<128x128xf32, #tpu.memory_space<vmem>>
        %dma_start3A_338 = arith.constant 0 : i32
        %dma_start3A_339 = tpu.memref_slice %arg8[%sub3A_332, %dma_start3A_338] : memref<50x128xi32, #tpu.memory_space<vmem>> -> memref<1x128xi32, #tpu.memory_space<vmem>>
        %dma_start3A_340 = tpu.memref_squeeze %dma_start3A_339 : memref<1x128xi32, #tpu.memory_space<vmem>> -> memref<128xi32, #tpu.memory_space<vmem>>
        %dma_start3A_341 = arith.constant 0 : i32
        %dma_start3A_342 = arith.constant 0 : i32
        %dma_start3A_343 = tpu.memref_slice %arg2[%dma_start3A_341, %dma_start3A_342] : memref<100000x128xf32, #tpu.memory_space<hbm>> -> memref<100000x128xf32, #tpu.memory_space<hbm>>
        tpu.enqueue_indirect_dma source(%dma_start3A_343 : memref<100000x128xf32, #tpu.memory_space<hbm>>) target(%dma_start3A_337 : memref<128x128xf32, #tpu.memory_space<vmem>>) offsets(%dma_start3A_340 : memref<128xi32, #tpu.memory_space<vmem>>) semaphore(%arg16 : memref<!tpu.dma_semaphore, #tpu.memory_space<semaphore_mem>>)
      } else {
      }
      %mul3A_306 = arith.constant 128 : i32
      %mul3A_307 = arith.muli %add3A_280, %mul3A_306 : i32
      %add3A_308 = arith.addi %mul3A_2, %mul3A_307 : i32
      %dma_start3A_309 = arith.constant 4 : i32
      %dma_start3A_310 = arith.constant 0 : i32
      %dma_start3A_311 = arith.constant 0 : i32
      %dma_start3A_312 = tpu.memref_slice %arg10[%dma_start3A_309, %dma_start3A_310, %dma_start3A_311] : memref<5x128x128xf32, #tpu.memory_space<vmem>> -> memref<1x128x128xf32, #tpu.memory_space<vmem>>
      %dma_start3A_313 = tpu.memref_squeeze %dma_start3A_312 : memref<1x128x128xf32, #tpu.memory_space<vmem>> -> memref<128x128xf32, #tpu.memory_space<vmem>>
      %dma_start3A_314 = arith.constant 0 : i32
      %dma_start3A_315 = tpu.memref_slice %arg5[%add3A_308, %dma_start3A_314] : memref<204800x128xf32, #tpu.memory_space<hbm>> -> memref<128x128xf32, #tpu.memory_space<hbm>>
      %dma_start3A_316 = arith.constant 0 : i32
      %dma_start3A_317 = tpu.memref_slice %arg5[%add3A_308, %dma_start3A_316] : memref<204800x128xf32, #tpu.memory_space<hbm>> -> memref<128x128xf32, #tpu.memory_space<hbm>>
      %dma_start3A_318 = arith.constant 0 : i32
      %dma_start3A_319 = arith.constant 0 : i32
      %dma_start3A_320 = tpu.memref_slice %arg10[%dma_start3A_309, %dma_start3A_318, %dma_start3A_319] : memref<5x128x128xf32, #tpu.memory_space<vmem>> -> memref<1x128x128xf32, #tpu.memory_space<vmem>>
      %dma_start3A_321 = tpu.memref_squeeze %dma_start3A_320 : memref<1x128x128xf32, #tpu.memory_space<vmem>> -> memref<128x128xf32, #tpu.memory_space<vmem>>
      tpu.enqueue_dma source(%dma_start3A_321 : memref<128x128xf32, #tpu.memory_space<vmem>>) target(%dma_start3A_317 : memref<128x128xf32, #tpu.memory_space<hbm>>) target_semaphore(%arg22 : memref<!tpu.dma_semaphore, #tpu.memory_space<semaphore_mem>>)
      %scan3A_322 = arith.constant 0 : i32
      %scan3A_323 = arith.constant 4 : i32
      %scan3A_324 = arith.constant 0 : i32
      %scan3A_325 = arith.constant 8 : i32
      %scan3A_326 = arith.addi %scan3A_324, %scan3A_325 : i32
      %scan3A_327 = arith.constant 1 : i32
      scf.for %scan3A_329 = %scan3A_324 to %scan3A_326 step %scan3A_327  : i32 {
        %mul3A_330 = arith.constant 16 : i32
        %mul3A_331 = arith.muli %scan3A_329, %mul3A_330 : i32
        %add3A_332 = vector.broadcast %mul3A_331 : i32 to vector<16xi32>
        %add3A_333 = arith.addi %iota3A, %add3A_332 : vector<16xi32>
        %broadcast_in_dim3A = arith.constant 0.000000e+00 : f32
        %broadcast_in_dim3A_334 = vector.broadcast %broadcast_in_dim3A : f32 to vector<16xf32>
        %scan3A_335 = arith.constant 0 : i32
        %scan3A_336 = arith.constant 16 : i32
        %scan3A_337 = arith.addi %scan3A_335, %scan3A_336 : i32
        %scan3A_338 = arith.constant 1 : i32
        %scan3A_339 = scf.for %scan3A_354 = %scan3A_335 to %scan3A_337 step %scan3A_338 iter_args(%scan3A_355 = %broadcast_in_dim3A_334) -> (vector<16xf32>)  : i32 {
          %mul3A_356 = arith.constant 8 : i32
          %mul3A_357 = arith.muli %scan3A_354, %mul3A_356 : i32
          %add3A_358 = arith.constant 0 : i32
          %add3A_359 = arith.addi %mul3A_357, %add3A_358 : i32
          %add3A_360 = vector.broadcast %add3A_359 : i32 to vector<16xi32>
          %add3A_361 = arith.addi %iota3A, %add3A_360 : vector<16xi32>
          %and3A = arith.constant 127 : i32
          %and3A_362 = vector.broadcast %and3A : i32 to vector<16xi32>
          %and3A_363 = arith.andi %add3A_361, %and3A_362 : vector<16xi32>
          %gather3A_364 = arith.constant 0 : i32
          %gather3A_365 = arith.constant 0 : i32
          %gather3A_366 = tpu.memref_slice %arg10[%scan3A_323, %gather3A_364, %gather3A_365] : memref<5x128x128xf32, #tpu.memory_space<vmem>> -> memref<1x128x128xf32, #tpu.memory_space<vmem>>
          %gather3A_367 = tpu.memref_squeeze %gather3A_366 : memref<1x128x128xf32, #tpu.memory_space<vmem>> -> memref<128x128xf32, #tpu.memory_space<vmem>>
          %gather3A_368 = tpu.vector_load_idx %gather3A_367[%add3A_333, %and3A_363] : memref<128x128xf32, #tpu.memory_space<vmem>>[vector<16xi32>, vector<16xi32>], vector<16xf32>,
          %exp3A = math.exp %gather3A_368 : vector<16xf32>
          %add3A_369 = arith.addf %scan3A_355, %exp3A : vector<16xf32>
          %mul3A_370 = arith.constant 8 : i32
          %mul3A_371 = arith.muli %scan3A_354, %mul3A_370 : i32
          %add3A_372 = arith.constant 1 : i32
          %add3A_373 = arith.addi %mul3A_371, %add3A_372 : i32
          %add3A_374 = vector.broadcast %add3A_373 : i32 to vector<16xi32>
          %add3A_375 = arith.addi %iota3A, %add3A_374 : vector<16xi32>
          %and3A_376 = arith.constant 127 : i32
          %and3A_377 = vector.broadcast %and3A_376 : i32 to vector<16xi32>
          %and3A_378 = arith.andi %add3A_375, %and3A_377 : vector<16xi32>
          %gather3A_379 = arith.constant 0 : i32
          %gather3A_380 = arith.constant 0 : i32
          %gather3A_381 = tpu.memref_slice %arg10[%scan3A_323, %gather3A_379, %gather3A_380] : memref<5x128x128xf32, #tpu.memory_space<vmem>> -> memref<1x128x128xf32, #tpu.memory_space<vmem>>
          %gather3A_382 = tpu.memref_squeeze %gather3A_381 : memref<1x128x128xf32, #tpu.memory_space<vmem>> -> memref<128x128xf32, #tpu.memory_space<vmem>>
          %gather3A_383 = tpu.vector_load_idx %gather3A_382[%add3A_333, %and3A_378] : memref<128x128xf32, #tpu.memory_space<vmem>>[vector<16xi32>, vector<16xi32>], vector<16xf32>,
          %exp3A_384 = math.exp %gather3A_383 : vector<16xf32>
          %add3A_385 = arith.addf %add3A_369, %exp3A_384 : vector<16xf32>
          %mul3A_386 = arith.constant 8 : i32
          %mul3A_387 = arith.muli %scan3A_354, %mul3A_386 : i32
          %add3A_388 = arith.constant 2 : i32
          %add3A_389 = arith.addi %mul3A_387, %add3A_388 : i32
          %add3A_390 = vector.broadcast %add3A_389 : i32 to vector<16xi32>
          %add3A_391 = arith.addi %iota3A, %add3A_390 : vector<16xi32>
          %and3A_392 = arith.constant 127 : i32
          %and3A_393 = vector.broadcast %and3A_392 : i32 to vector<16xi32>
          %and3A_394 = arith.andi %add3A_391, %and3A_393 : vector<16xi32>
          %gather3A_395 = arith.constant 0 : i32
          %gather3A_396 = arith.constant 0 : i32
          %gather3A_397 = tpu.memref_slice %arg10[%scan3A_323, %gather3A_395, %gather3A_396] : memref<5x128x128xf32, #tpu.memory_space<vmem>> -> memref<1x128x128xf32, #tpu.memory_space<vmem>>
          %gather3A_398 = tpu.memref_squeeze %gather3A_397 : memref<1x128x128xf32, #tpu.memory_space<vmem>> -> memref<128x128xf32, #tpu.memory_space<vmem>>
          %gather3A_399 = tpu.vector_load_idx %gather3A_398[%add3A_333, %and3A_394] : memref<128x128xf32, #tpu.memory_space<vmem>>[vector<16xi32>, vector<16xi32>], vector<16xf32>,
          %exp3A_400 = math.exp %gather3A_399 : vector<16xf32>
          %add3A_401 = arith.addf %add3A_385, %exp3A_400 : vector<16xf32>
          %mul3A_402 = arith.constant 8 : i32
          %mul3A_403 = arith.muli %scan3A_354, %mul3A_402 : i32
          %add3A_404 = arith.constant 3 : i32
          %add3A_405 = arith.addi %mul3A_403, %add3A_404 : i32
          %add3A_406 = vector.broadcast %add3A_405 : i32 to vector<16xi32>
          %add3A_407 = arith.addi %iota3A, %add3A_406 : vector<16xi32>
          %and3A_408 = arith.constant 127 : i32
          %and3A_409 = vector.broadcast %and3A_408 : i32 to vector<16xi32>
          %and3A_410 = arith.andi %add3A_407, %and3A_409 : vector<16xi32>
          %gather3A_411 = arith.constant 0 : i32
          %gather3A_412 = arith.constant 0 : i32
          %gather3A_413 = tpu.memref_slice %arg10[%scan3A_323, %gather3A_411, %gather3A_412] : memref<5x128x128xf32, #tpu.memory_space<vmem>> -> memref<1x128x128xf32, #tpu.memory_space<vmem>>
          %gather3A_414 = tpu.memref_squeeze %gather3A_413 : memref<1x128x128xf32, #tpu.memory_space<vmem>> -> memref<128x128xf32, #tpu.memory_space<vmem>>
          %gather3A_415 = tpu.vector_load_idx %gather3A_414[%add3A_333, %and3A_410] : memref<128x128xf32, #tpu.memory_space<vmem>>[vector<16xi32>, vector<16xi32>], vector<16xf32>,
          %exp3A_416 = math.exp %gather3A_415 : vector<16xf32>
          %add3A_417 = arith.addf %add3A_401, %exp3A_416 : vector<16xf32>
          %mul3A_418 = arith.constant 8 : i32
          %mul3A_419 = arith.muli %scan3A_354, %mul3A_418 : i32
          %add3A_420 = arith.constant 4 : i32
          %add3A_421 = arith.addi %mul3A_419, %add3A_420 : i32
          %add3A_422 = vector.broadcast %add3A_421 : i32 to vector<16xi32>
          %add3A_423 = arith.addi %iota3A, %add3A_422 : vector<16xi32>
          %and3A_424 = arith.constant 127 : i32
          %and3A_425 = vector.broadcast %and3A_424 : i32 to vector<16xi32>
          %and3A_426 = arith.andi %add3A_423, %and3A_425 : vector<16xi32>
          %gather3A_427 = arith.constant 0 : i32
          %gather3A_428 = arith.constant 0 : i32
          %gather3A_429 = tpu.memref_slice %arg10[%scan3A_323, %gather3A_427, %gather3A_428] : memref<5x128x128xf32, #tpu.memory_space<vmem>> -> memref<1x128x128xf32, #tpu.memory_space<vmem>>
          %gather3A_430 = tpu.memref_squeeze %gather3A_429 : memref<1x128x128xf32, #tpu.memory_space<vmem>> -> memref<128x128xf32, #tpu.memory_space<vmem>>
          %gather3A_431 = tpu.vector_load_idx %gather3A_430[%add3A_333, %and3A_426] : memref<128x128xf32, #tpu.memory_space<vmem>>[vector<16xi32>, vector<16xi32>], vector<16xf32>,
          %exp3A_432 = math.exp %gather3A_431 : vector<16xf32>
          %add3A_433 = arith.addf %add3A_417, %exp3A_432 : vector<16xf32>
          %mul3A_434 = arith.constant 8 : i32
          %mul3A_435 = arith.muli %scan3A_354, %mul3A_434 : i32
          %add3A_436 = arith.constant 5 : i32
          %add3A_437 = arith.addi %mul3A_435, %add3A_436 : i32
          %add3A_438 = vector.broadcast %add3A_437 : i32 to vector<16xi32>
          %add3A_439 = arith.addi %iota3A, %add3A_438 : vector<16xi32>
          %and3A_440 = arith.constant 127 : i32
          %and3A_441 = vector.broadcast %and3A_440 : i32 to vector<16xi32>
          %and3A_442 = arith.andi %add3A_439, %and3A_441 : vector<16xi32>
          %gather3A_443 = arith.constant 0 : i32
          %gather3A_444 = arith.constant 0 : i32
          %gather3A_445 = tpu.memref_slice %arg10[%scan3A_323, %gather3A_443, %gather3A_444] : memref<5x128x128xf32, #tpu.memory_space<vmem>> -> memref<1x128x128xf32, #tpu.memory_space<vmem>>
          %gather3A_446 = tpu.memref_squeeze %gather3A_445 : memref<1x128x128xf32, #tpu.memory_space<vmem>> -> memref<128x128xf32, #tpu.memory_space<vmem>>
          %gather3A_447 = tpu.vector_load_idx %gather3A_446[%add3A_333, %and3A_442] : memref<128x128xf32, #tpu.memory_space<vmem>>[vector<16xi32>, vector<16xi32>], vector<16xf32>,
          %exp3A_448 = math.exp %gather3A_447 : vector<16xf32>
          %add3A_449 = arith.addf %add3A_433, %exp3A_448 : vector<16xf32>
          %mul3A_450 = arith.constant 8 : i32
          %mul3A_451 = arith.muli %scan3A_354, %mul3A_450 : i32
          %add3A_452 = arith.constant 6 : i32
          %add3A_453 = arith.addi %mul3A_451, %add3A_452 : i32
          %add3A_454 = vector.broadcast %add3A_453 : i32 to vector<16xi32>
          %add3A_455 = arith.addi %iota3A, %add3A_454 : vector<16xi32>
          %and3A_456 = arith.constant 127 : i32
          %and3A_457 = vector.broadcast %and3A_456 : i32 to vector<16xi32>
          %and3A_458 = arith.andi %add3A_455, %and3A_457 : vector<16xi32>
          %gather3A_459 = arith.constant 0 : i32
          %gather3A_460 = arith.constant 0 : i32
          %gather3A_461 = tpu.memref_slice %arg10[%scan3A_323, %gather3A_459, %gather3A_460] : memref<5x128x128xf32, #tpu.memory_space<vmem>> -> memref<1x128x128xf32, #tpu.memory_space<vmem>>
          %gather3A_462 = tpu.memref_squeeze %gather3A_461 : memref<1x128x128xf32, #tpu.memory_space<vmem>> -> memref<128x128xf32, #tpu.memory_space<vmem>>
          %gather3A_463 = tpu.vector_load_idx %gather3A_462[%add3A_333, %and3A_458] : memref<128x128xf32, #tpu.memory_space<vmem>>[vector<16xi32>, vector<16xi32>], vector<16xf32>,
          %exp3A_464 = math.exp %gather3A_463 : vector<16xf32>
          %add3A_465 = arith.addf %add3A_449, %exp3A_464 : vector<16xf32>
          %mul3A_466 = arith.constant 8 : i32
          %mul3A_467 = arith.muli %scan3A_354, %mul3A_466 : i32
          %add3A_468 = arith.constant 7 : i32
          %add3A_469 = arith.addi %mul3A_467, %add3A_468 : i32
          %add3A_470 = vector.broadcast %add3A_469 : i32 to vector<16xi32>
          %add3A_471 = arith.addi %iota3A, %add3A_470 : vector<16xi32>
          %and3A_472 = arith.constant 127 : i32
          %and3A_473 = vector.broadcast %and3A_472 : i32 to vector<16xi32>
          %and3A_474 = arith.andi %add3A_471, %and3A_473 : vector<16xi32>
          %gather3A_475 = arith.constant 0 : i32
          %gather3A_476 = arith.constant 0 : i32
          %gather3A_477 = tpu.memref_slice %arg10[%scan3A_323, %gather3A_475, %gather3A_476] : memref<5x128x128xf32, #tpu.memory_space<vmem>> -> memref<1x128x128xf32, #tpu.memory_space<vmem>>
          %gather3A_478 = tpu.memref_squeeze %gather3A_477 : memref<1x128x128xf32, #tpu.memory_space<vmem>> -> memref<128x128xf32, #tpu.memory_space<vmem>>
          %gather3A_479 = tpu.vector_load_idx %gather3A_478[%add3A_333, %and3A_474] : memref<128x128xf32, #tpu.memory_space<vmem>>[vector<16xi32>, vector<16xi32>], vector<16xf32>,
          %exp3A_480 = math.exp %gather3A_479 : vector<16xf32>
          %add3A_481 = arith.addf %add3A_465, %exp3A_480 : vector<16xf32>
          scf.yield %add3A_481 : vector<16xf32>
        }
        %scan3A_340 = arith.constant 16 : i32
        %mul3A_341 = arith.constant 128 : i32
        %mul3A_342 = arith.muli %add3A_280, %mul3A_341 : i32
        %mul3A_343 = arith.constant 16 : i32
        %mul3A_344 = arith.muli %scan3A_329, %mul3A_343 : i32
        %add3A_345 = arith.addi %mul3A_342, %mul3A_344 : i32
        %get3A = arith.index_cast %add3A_345 : i32 to index
        %get3A_346 = tpu.vector_load %arg9[%get3A] {strides = array<i32>} : memref<6400xi32, #tpu.memory_space<vmem>>, vector<16xi32>,
        %gather3A = arith.constant 0 : i32
        %gather3A_347 = arith.constant 0 : i32
        %gather3A_348 = tpu.memref_slice %arg10[%scan3A_323, %gather3A, %gather3A_347] : memref<5x128x128xf32, #tpu.memory_space<vmem>> -> memref<1x128x128xf32, #tpu.memory_space<vmem>>
        %gather3A_349 = tpu.memref_squeeze %gather3A_348 : memref<1x128x128xf32, #tpu.memory_space<vmem>> -> memref<128x128xf32, #tpu.memory_space<vmem>>
        %gather3A_350 = tpu.vector_load_idx %gather3A_349[%add3A_333, %get3A_346] : memref<128x128xf32, #tpu.memory_space<vmem>>[vector<16xi32>, vector<16xi32>], vector<16xf32>,
        %swap3A = arith.index_cast %add3A_345 : i32 to index
        %swap3A_351 = tpu.vector_load %arg11[%swap3A] {strides = array<i32>} : memref<6400xf32, #tpu.memory_space<vmem>>, vector<16xf32>,
        tpu.vector_store %arg11[%swap3A], %scan3A_339 {strides = array<i32>} : memref<6400xf32, #tpu.memory_space<vmem>>, vector<16xf32>,
        %swap3A_352 = arith.index_cast %add3A_345 : i32 to index
        %swap3A_353 = tpu.vector_load %arg12[%swap3A_352] {strides = array<i32>} : memref<6400xf32, #tpu.memory_space<vmem>>, vector<16xf32>,
        tpu.vector_store %arg12[%swap3A_352], %gather3A_350 {strides = array<i32>} : memref<6400xf32, #tpu.memory_space<vmem>>, vector<16xf32>,
      }
      %scan3A_328 = arith.constant 8 : i32
    }
    %scan3A_57 = arith.constant 10 : i32
    %add3A_58 = arith.constant 6272 : i32
    %add3A_59 = arith.addi %mul3A_2, %add3A_58 : i32
    %dma_wait3A_60 = arith.constant 4 : i32
    %dma_wait3A_61 = arith.constant 0 : i32
    %dma_wait3A_62 = arith.constant 0 : i32
    %dma_wait3A_63 = tpu.memref_slice %arg10[%dma_wait3A_60, %dma_wait3A_61, %dma_wait3A_62] : memref<5x128x128xf32, #tpu.memory_space<vmem>> -> memref<1x128x128xf32, #tpu.memory_space<vmem>>
    %dma_wait3A_64 = tpu.memref_squeeze %dma_wait3A_63 : memref<1x128x128xf32, #tpu.memory_space<vmem>> -> memref<128x128xf32, #tpu.memory_space<vmem>>
    %dma_wait3A_65 = arith.constant 0 : i32
    %dma_wait3A_66 = tpu.memref_slice %arg5[%add3A_59, %dma_wait3A_65] : memref<204800x128xf32, #tpu.memory_space<hbm>> -> memref<128x128xf32, #tpu.memory_space<hbm>>
    %dma_wait3A_67 = arith.constant 0 : i32
    %dma_wait3A_68 = tpu.memref_slice %arg5[%add3A_59, %dma_wait3A_67] : memref<204800x128xf32, #tpu.memory_space<hbm>> -> memref<128x128xf32, #tpu.memory_space<hbm>>
    %dma_wait3A_69 = arith.constant 0 : i32
    %dma_wait3A_70 = arith.constant 0 : i32
    %dma_wait3A_71 = tpu.memref_slice %arg10[%dma_wait3A_60, %dma_wait3A_69, %dma_wait3A_70] : memref<5x128x128xf32, #tpu.memory_space<vmem>> -> memref<1x128x128xf32, #tpu.memory_space<vmem>>
    %dma_wait3A_72 = tpu.memref_squeeze %dma_wait3A_71 : memref<1x128x128xf32, #tpu.memory_space<vmem>> -> memref<128x128xf32, #tpu.memory_space<vmem>>
    tpu.wait_dma2 semaphore(%arg22 : memref<!tpu.dma_semaphore, #tpu.memory_space<semaphore_mem>>) src(%dma_wait3A_72 : memref<128x128xf32, #tpu.memory_space<vmem>>) dst(%dma_wait3A_68 : memref<128x128xf32, #tpu.memory_space<hbm>>)
    "tpu.region"() ({
      %run_scoped3A = tpu.sem_alloc : memref<!tpu.dma_semaphore, #tpu.memory_space<semaphore_mem>>
      %dma_start3A_73 = tpu.memref_slice %arg6[%mul3A_2] : memref<204800xf32, #tpu.memory_space<hbm>> -> memref<6400xf32, #tpu.memory_space<hbm>>
      %dma_start3A_74 = tpu.memref_slice %arg6[%mul3A_2] : memref<204800xf32, #tpu.memory_space<hbm>> -> memref<6400xf32, #tpu.memory_space<hbm>>
      tpu.enqueue_dma source(%arg11 : memref<6400xf32, #tpu.memory_space<vmem>>) target(%dma_start3A_74 : memref<6400xf32, #tpu.memory_space<hbm>>) target_semaphore(%run_scoped3A : memref<!tpu.dma_semaphore, #tpu.memory_space<semaphore_mem>>)
      %dma_wait3A_75 = tpu.memref_slice %arg6[%mul3A_2] : memref<204800xf32, #tpu.memory_space<hbm>> -> memref<6400xf32, #tpu.memory_space<hbm>>
      %dma_wait3A_76 = tpu.memref_slice %arg6[%mul3A_2] : memref<204800xf32, #tpu.memory_space<hbm>> -> memref<6400xf32, #tpu.memory_space<hbm>>
      tpu.wait_dma2 semaphore(%run_scoped3A : memref<!tpu.dma_semaphore, #tpu.memory_space<semaphore_mem>>) src(%arg11 : memref<6400xf32, #tpu.memory_space<vmem>>) dst(%dma_wait3A_76 : memref<6400xf32, #tpu.memory_space<hbm>>)
      tpu.yield
    }) : () -> ()
    "tpu.region"() ({
      %run_scoped3A = tpu.sem_alloc : memref<!tpu.dma_semaphore, #tpu.memory_space<semaphore_mem>>
      %dma_start3A_73 = tpu.memref_slice %arg7[%mul3A_2] : memref<204800xf32, #tpu.memory_space<hbm>> -> memref<6400xf32, #tpu.memory_space<hbm>>
      %dma_start3A_74 = tpu.memref_slice %arg7[%mul3A_2] : memref<204800xf32, #tpu.memory_space<hbm>> -> memref<6400xf32, #tpu.memory_space<hbm>>
      tpu.enqueue_dma source(%arg12 : memref<6400xf32, #tpu.memory_space<vmem>>) target(%dma_start3A_74 : memref<6400xf32, #tpu.memory_space<hbm>>) target_semaphore(%run_scoped3A : memref<!tpu.dma_semaphore, #tpu.memory_space<semaphore_mem>>)
      %dma_wait3A_75 = tpu.memref_slice %arg7[%mul3A_2] : memref<204800xf32, #tpu.memory_space<hbm>> -> memref<6400xf32, #tpu.memory_space<hbm>>
      %dma_wait3A_76 = tpu.memref_slice %arg7[%mul3A_2] : memref<204800xf32, #tpu.memory_space<hbm>> -> memref<6400xf32, #tpu.memory_space<hbm>>
      tpu.wait_dma2 semaphore(%run_scoped3A : memref<!tpu.dma_semaphore, #tpu.memory_space<semaphore_mem>>) src(%arg12 : memref<6400xf32, #tpu.memory_space<vmem>>) dst(%dma_wait3A_76 : memref<6400xf32, #tpu.memory_space<hbm>>)
      tpu.yield
    }) : () -> ()
    return
  }
}

module attributes {stable_mosaic.version = 14 : i64} {
  func.func @_loss_body(%arg0: memref<1600x128xf32, #tpu.memory_space<vmem>>, %arg1: memref<1600x128xf32, #tpu.memory_space<vmem>>, %arg2: memref<1x1xf32, #tpu.memory_space<smem>>) attributes {dimension_semantics = [], scalar_prefetch = 0 : i64, scratch_operands = 0 : i64, tpu.core_type = #tpu.core_type<tc>} {
    %get3A = arith.constant 0 : index
    %get3A_0 = arith.constant 0 : index
    %get3A_1 = vector.load %arg0[%get3A, %get3A_0] : memref<1600x128xf32, #tpu.memory_space<vmem>>, vector<1600x128xf32>
    %log3A = math.log %get3A_1 : vector<1600x128xf32>
    %reduce_sum3A = vector.shape_cast %log3A : vector<1600x128xf32> to vector<1x1600x128xf32>
    %reduce_sum3A_2 = arith.constant dense<0.000000e+00> : vector<1xf32>
    %reduce_sum3A_3 = vector.multi_reduction <add>, %reduce_sum3A, %reduce_sum3A_2 [1, 2] : vector<1x1600x128xf32> to vector<1xf32>
    %reduce_sum3A_4 = vector.shape_cast %reduce_sum3A_3 : vector<1xf32> to vector<1x1x1xf32>
    %reduce_sum3A_5 = vector.extract %reduce_sum3A_4[0, 0, 0] : f32 from vector<1x1x1xf32>
    %get3A_6 = arith.constant 0 : index
    %get3A_7 = arith.constant 0 : index
    %get3A_8 = vector.load %arg1[%get3A_6, %get3A_7] : memref<1600x128xf32, #tpu.memory_space<vmem>>, vector<1600x128xf32>
    %reduce_sum3A_9 = vector.shape_cast %get3A_8 : vector<1600x128xf32> to vector<1x1600x128xf32>
    %reduce_sum3A_10 = arith.constant dense<0.000000e+00> : vector<1xf32>
    %reduce_sum3A_11 = vector.multi_reduction <add>, %reduce_sum3A_9, %reduce_sum3A_10 [1, 2] : vector<1x1600x128xf32> to vector<1xf32>
    %reduce_sum3A_12 = vector.shape_cast %reduce_sum3A_11 : vector<1xf32> to vector<1x1x1xf32>
    %reduce_sum3A_13 = vector.extract %reduce_sum3A_12[0, 0, 0] : f32 from vector<1x1x1xf32>
    %sub3A = arith.subf %reduce_sum3A_5, %reduce_sum3A_13 : f32
    %mul3A = arith.constant 4.88281239E-6 : f32
    %mul3A_14 = arith.mulf %sub3A, %mul3A : f32
    %swap3A = arith.constant 0 : index
    %swap3A_15 = arith.constant 0 : index
    %swap3A_16 = memref.load %arg2[%swap3A, %swap3A_15] : memref<1x1xf32, #tpu.memory_space<smem>>
    memref.store %mul3A_14, %arg2[%swap3A, %swap3A_15] : memref<1x1xf32, #tpu.memory_space<smem>>
    return
  }
}

</mosaic_0001>

<sc_bundles>
// kernel: kernel.4.cloned.1.call-start
scs
__scs_entry_jumppad:
0x0: {  	(pc) =	sbr.rel $0x88, $3  }
0x1: {  	(tag) =	ssettag $0x0;
	lr =	simm.s32 $0x1  }
0x2: {  	[smem:$0x3F9E] =	sst lr;
	_ =	strace $0xD0000000  }
0x3: {  	_ = 	snop  }
0x4: {  	_ = 	snop  }
0x5: {  	_ = 	snop  }
0x6: {  	_ = 	snop  }
0x7: {  	_ = 	snop  }
__scs_overlays_trampoline_lowered:
0x8: {  	[smem:$0x3FAD] =	sst s0  }
0x9: {  	[smem:$0x3FAE] =	sst s1  }
0xa: {  	[smem:$0x3FAF] =	sst s2  }
0xb: {  	[smem:$0x3FB0] =	sst s3  }
0xc: {  	[smem:$0x3FB1] =	sst s4  }
0xd: {  	[smem:$0x3FB2] =	sst s5  }
0xe: {  	[smem:$0x3FB3] =	sst s6  }
0xf: {  	[smem:$0x3FB4] =	sst s7  }
0x10: {  	[smem:$0x3FB5] =	sst s8  }
0x11: {  	[smem:$0x3FB6] =	sst s9;
	s0 =	simm.s32 @!p0 $0x0  }
0x12: {  	s1 =	sld [smem:$0x3F9C];
	s0 =	simm.s32 @p0 $0x1  }
0x13: {  	[smem:$0x3FB7] =	sst s0;
	s0 =	simm.s32 @!p1 $0x0  }
0x14: {  	s2 =	sld [smem:$0x3F9B];
	s0 =	simm.s32 @p1 $0x1  }
0x15: {  	[smem:$0x3FB8] =	sst s0;
	s0 =	simm.s32 @!p2 $0x0  }
0x16: {  	s3 =	sld [smem:$0x3FDB];
	s0 =	simm.s32 @p2 $0x1  }
0x17: {  	s4 =	simm.s32 $0x1BF5;
	[smem:$0x3FBA] =	sst s0  }
0x18: {  	s0 =	sld [smem:$0x3F9D];
	_ =	swait.ge [sflag:s4], $0x0  }
0x19: {  	s7 =	sld [smem:$0x3F9E]  }
0x1a: {  	s8 =	sadd.s32 $0xFFFFE003, lr  }
0x1b: {  	s9 =	sadd.s32 $0xFFFFFEF7, lr;
	s5 =	simm.s32 $0xFFFFFFFF;
	p2 =	slt.u32 s8, $0xFFFFF086  }
0x1c: {  	p1 =	slt.u32 s9, $0xF7A;
	s5 =	simm.s32 @!p2 $0x0  }
0x1d: {  	s5 =	simm.s32 @p1 $0x1;
	p0 =	seq.s32 s7, s2  }
0x1e: {  	s7 =	smul.u32 @!p0 $0xF7A, s2;
	p2 =	seq.s32 @!p0 s5, $0x0  }
0x1f: {  	s9 =	smul.u32 $0xF7A, s1;
	s8 =	simm.s32 @!p0 $0x1BF5;
	p2 =	por !p2, p0  }
0x20: {  	[sflag:s8] =	ssyncset.s32 @!p0 $0xFFFFF086;
	s6 =	sadd.s32 @!p0 s3, s7;
	s7 =	simm.s32 @!p0 $0x108  }
0x21: {  	s3 =	sadd.s32 s3, s9;
	s6 =	sadd.s32 @!p0 $0x88, s6;
	s7 =	simm.s32 @p2 $0x1082  }
0x22: {  	[simem:s7], [sflag:s8] =	dma.local @!p0 [hbm:s6], $0xF7A  }
0x23: {  	s9 =	sor.u32 $0xD0000000, s2;
	s6 =	simm.s32 $0x108;
	_ =	swait.ge @!p0 [sflag:s8], $0x0  }
0x24: {  	s3 =	sadd.s32 $0x88, s3;
	s6 =	simm.s32 @!p1 $0x1082;
	[sflag:s4] =	ssyncset.s32 $0xFFFFF086  }
0x25: {  	[simem:s6], [sflag:s4] =	dma.local [hbm:s3], $0xF7A  }
0x26: {  	[smem:$0x3F9E] =	sst s1;
	(tag) =	ssettag s2;
	_ =	strace s9  }
0x27: {  	s1 =	sld [smem:$0x3FAE]  }
0x28: {  	s2 =	sld [smem:$0x3FAF]  }
0x29: {  	s4 =	sld [smem:$0x3FB1]  }
0x2a: {  	p0 =	seq.s32 s5, $0x0;
	s5 =	sld [smem:$0x3FB2]  }
0x2b: {  	s6 =	sld [smem:$0x3FB3]  }
0x2c: {  	s7 =	sld [smem:$0x3FB4]  }
0x2d: {  	s3 =	simm.s32 $0x108;
	s8 =	sld [smem:$0x3FB5]  }
0x2e: {  	s3 =	simm.s32 @!p0 $0x1082;
	s9 =	sld [smem:$0x3FB6]  }
0x2f: {  	lr =	sadd.s32 s0, s3;
	s0 =	sld [smem:$0x3FAD]  }
0x30: {  	s3 =	sld [smem:$0x3FB0]  }
0x31: {  	[smem:$0x3FB9] =	sst s10  }
0x32: {  	s10 =	sld [smem:$0x3FB7];
	_ =	sdelay $0x3  }
0x33: {  	p0 =	seq.s32 s10, $0x1;
	s10 =	sld [smem:$0x3FB9];
	_ =	sdelay $0x3  }
0x34: {  	[smem:$0x3FB9] =	sst s10  }
0x35: {  	s10 =	sld [smem:$0x3FB8];
	_ =	sdelay $0x3  }
0x36: {  	p1 =	seq.s32 s10, $0x1;
	s10 =	sld [smem:$0x3FB9];
	_ =	sdelay $0x3  }
0x37: {  	[smem:$0x3FB9] =	sst s10  }
0x38: {  	s10 =	sld [smem:$0x3FBA]  }
0x39: {  	_ = 	snop;
	(pc) =	sbr.ind lr, $3  }
0x3a: {  	_ = 	snop  }
0x3b: {  	_ = 	snop  }
0x3c: {  	p2 =	seq.s32 s10, $0x1;
	s10 =	sld [smem:$0x3FB9]  }
0x3d: {  	_ =	shalt  }
0x3e: {  	_ =	shalt  }
0x3f: {  	_ =	shalt  }
0x40: {  	_ =	shalt  }
0x41: {  	_ =	shalt  }
0x42: {  	_ =	shalt  }
0x43: {  	_ =	shalt  }
0x44: {  	_ =	shalt  }
0x45: {  	_ =	shalt  }
0x46: {  	_ =	shalt  }
0x47: {  	_ =	shalt  }
0x48: {  	_ =	shalt  }
0x49: {  	_ =	shalt  }
0x4a: {  	_ =	shalt  }
0x4b: {  	_ =	shalt  }
0x4c: {  	_ =	shalt  }
0x4d: {  	_ =	shalt  }
0x4e: {  	_ =	shalt  }
0x4f: {  	_ =	shalt  }
0x50: {  	_ =	shalt  }
0x51: {  	_ =	shalt  }
0x52: {  	_ =	shalt  }
0x53: {  	_ =	shalt  }
0x54: {  	_ =	shalt  }
0x55: {  	_ =	shalt  }
0x56: {  	_ =	shalt  }
0x57: {  	_ =	shalt  }
0x58: {  	_ =	shalt  }
0x59: {  	_ =	shalt  }
0x5a: {  	_ =	shalt  }
0x5b: {  	_ =	shalt  }
0x5c: {  	_ =	shalt  }
0x5d: {  	_ =	shalt  }
0x5e: {  	_ =	shalt  }
0x5f: {  	_ =	shalt  }
0x60: {  	_ =	shalt  }
0x61: {  	_ =	shalt  }
0x62: {  	_ =	shalt  }
0x63: {  	_ =	shalt  }
0x64: {  	_ =	shalt  }
0x65: {  	_ =	shalt  }
0x66: {  	_ =	shalt  }
0x67: {  	_ =	shalt  }
0x68: {  	_ =	shalt  }
0x69: {  	_ =	shalt  }
0x6a: {  	_ =	shalt  }
0x6b: {  	_ =	shalt  }
0x6c: {  	_ =	shalt  }
0x6d: {  	_ =	shalt  }
0x6e: {  	_ =	shalt  }
0x6f: {  	_ =	shalt  }
0x70: {  	_ =	shalt  }
0x71: {  	_ =	shalt  }
0x72: {  	_ =	shalt  }
0x73: {  	_ =	shalt  }
0x74: {  	_ =	shalt  }
0x75: {  	_ =	shalt  }
0x76: {  	_ =	shalt  }
0x77: {  	_ =	shalt  }
0x78: {  	_ =	shalt  }
0x79: {  	_ =	shalt  }
0x7a: {  	_ =	shalt  }
0x7b: {  	_ =	shalt  }
0x7c: {  	_ =	shalt  }
0x7d: {  	_ =	shalt  }
0x7e: {  	_ =	shalt  }
0x7f: {  	_ =	shalt  }
0x80: {  	_ =	shalt  }
0x81: {  	_ =	shalt  }
0x82: {  	_ =	shalt  }
0x83: {  	_ =	shalt  }
0x84: {  	_ =	shalt  }
0x85: {  	_ =	shalt  }
0x86: {  	_ =	shalt  }
0x87: {  	_ =	shalt  }
.Lfunc_end0:
.L_simem_size_0:
called_computation_lowered:
.L_overlay_start_0:
0x88: {  	s2 =	sld [smem:$0x3FD9]  }
0x89: {  	s3 =	sld [smem:$0x3FFE];
	_ =	sdelay $0x1  }
0x8a: {  	s1 =	srdreg.scid  }
0x8b: {  	s0 =	sand.u32 $0x1, s1  }
0x8c: {  	s14 =	sshll.u32 s0, $0xA;
	s2 =	sadd.s32 s3, s2  }
0x8d: {  	s2 =	sadd.s32 s2, s14  }
0x8e: {  	[smem:$0x3FC5] =	sst s2  }
0x8f: {  	_ = 	snop  }
0x90: {  	s2 =	sld [smem:$0x3FD0];
	_ =	sdelay $0x2  }
0x91: {  	s4 =	simm.s32 $0xA;
	s5 =	simm.s32 $0x10;
	s15 =	sld [smem:$0x3FC7]  }
0x92: {  	[smem:s5], [sflag:s4] =	dma.local [hbm:s2], $0x1  }
0x93: {  	_ =	swait.eq [sflag:s4], $0x1  }
0x94: {  	[sflag:s4] =	ssyncset.done $0x0  }
0x95: {  	[sflag:s4] =	ssyncadd.s32 $0xFFFFFFFF  }
0x96: {  	s16 =	sld [smem:$0x10];
	(tm) =	ssettm $0x1  }
0x97: {  	s17 =	sld [smem:$0x3FFB];
	_ =	sdelay $0x3  }
0x98: {  	_ =	strace s17  }
0x99: {  	s4 =	sld [smem:$0x3FFC];
	_ =	sdelay $0x3  }
0x9a: {  	_ =	strace s4  }
0x9b: {  	s4 =	sld [smem:$0x3FFD];
	_ =	sdelay $0x3  }
0x9c: {  	_ =	strace s4  }
0x9d: {  	_ =	strace $0x8FFFFFFF  }
0x9e: {  	s18 =	sld [smem:$0x3FDB];
	_ =	sdelay $0x1  }
0x9f: {  	s19 =	simm.s32 $_scs_section_size  }
0xa0: {  	s6 =	simm.s32 $_size__tile_overlayer_lowered;
	s7 =	simm.s32 $_tile_overlayer_lowered  }
0xa1: {  	s22 =	simm.s32 $0x1BFF;
	s21 =	sshll.u32 s7, $0x1;
	s4 =	sadd.s32 s19, s18  }
0xa2: {  	s8 =	simm.s32 $0x0;
	s20 =	sshll.u32 s6, $0x1;
	s6 =	sadd.s32 s21, s4  }
0xa3: {  	[timem:s8], [sflag:s22] =	dma.local [hbm:s6], s20  }
0xa4: {  	_ =	swait.ge [sflag:s22], s20  }
0xa5: {  	s5 =	ssub.s32 $0x0, s20;
	[sflag:s22] =	ssyncset.done $0x0  }
0xa6: {  	[sflag:s22] =	ssyncadd.s32 s5;
	_ =	sdelay $0x1  }
0xa7: {  	s23 =	simm.s32 $0x1B8B  }
0xa8: {  	_ =	swait.ge [sflag:s23], $0x1  }
0xa9: {  	[sflag:s23] =	ssyncset.done $0x0  }
0xaa: {  	s25 =	simm.s32 $0x1B8E;
	s24 =	sld [smem:$0x3FFE];
	[sflag:s23] =	ssyncadd.s32 $0xFFFFFFFF  }
0xab: {  	s26 =	simm.s32 $execute0_lowered;
	[smem:$0x3FD2] =	sst s25  }
0xac: {  	s6 =	sshll.u32 s26, $0x1;
	_ =	strace $0x80000046;
	[dreg:$0x1] =	wrdreg $0xFFFFFFFF  }
0xad: {  	s28 =	simm.s32 $_size_execute0_lowered;
	s4 =	sadd.s32 s4, s6;
	[dreg:$0x0] =	wrdreg $0x0  }
0xae: {  	s6 =	sshll.u32 s28, $0x1;
	[dreg:$0x2] =	wrdreg s4  }
0xaf: {  	[dreg:$0x3] =	wrdreg s6  }
0xb0: {  	[dreg:$0x4] =	wrdreg $0xC0  }
0xb1: {  	_ =	task [dreg:s8], $0x5FFFF  }
0xb2: {  	[dreg:$0x1] =	wrdreg $0xFFFFFFFF  }
0xb3: {  	[dreg:$0x0] =	wrdreg $0x60  }
0xb4: {  	[dreg:$0x2] =	wrdreg s15  }
0xb5: {  	[dreg:$0x3] =	wrdreg s24  }
0xb6: {  	[dreg:$0x4] =	wrdreg s16  }
0xb7: {  	[dreg:$0x5] =	wrdreg $0x9  }
0xb8: {  	_ =	task.clear_ibuf [dreg:s8], $0x6FFFF;
	_ =	strace $0x90000046  }
0xb9: {  	s29 =	simm.s32 $0x9;
	_ =	strace $0x80000048  }
0xba: {  	_ =	swait.ge [sflag:s29], $0x1  }
0xbb: {  	[sflag:s29] =	ssyncadd.s32 $0xFFFFFFFF  }
0xbc: {  	_ =	strace $0x90000048  }
0xbd: {  	_ =	sfence  }
0xbe: {  	s30 =	sld [smem:$0x0];
	_ =	sdelay $0x2  }
0xbf: {  	s31 =	sshll.u32 s1, $0xD;
	s1 =	sshrl.u32 s1, $0x2  }
0xc0: {  	s3 =	sand.u32 $0x4000, s31;
	s1 =	sadd.s32 s1, s30  }
0xc1: {  	s0 =	sor.u32 s3, s0;
	s1 =	sshll.u32 s1, $0x11  }
0xc2: {  	s0 =	sor.u32 s1, s0  }
0xc3: {  	s0 =	sadd.s32 $0x8F2B, s0  }
0xc4: {  	[sflag:s0] =	ssyncadd.remote.s32 $0x1  }
0xc5: {  	_ =	sfence.sel $0xFFFF  }
0xc6: {  	[dreg:$0x0] =	wrdreg $0xFFFFFFFF;
	(pc) =	sbr.abs _section_cstart, $3  }
0xc7: {  	[dreg:$0x1] =	wrdreg $0xFFFFFFFF  }
0xc8: {  	_ =	task.clear_ibuf [dreg:s8], $0x2FFFF;
	_ =	strace $0x9FFFFFFF  }
0xc9: {  	(tm) =	ssettm $0x7FFFFFFF  }
tec
execute0_lowered:
.L_overlay_start_1:
0x0: {  	(tag) =	ssettag $0x1  }
0x1: {  	s1 =	rddreg [dreg:$0x0];
	s0 =	srdreg.scid  }
0x2: {  	s3 =	stileid.u32;
	s2 =	rddreg [dreg:$0x1]  }
0x3: {  	s11 =	simm.s32 $0xC;
	s13 =	simm.s32 $0x80;
	s14 =	simm.s32 $0x3500  }
0x4: {  	s15 =	simm.s32 $0x7500;
	s17 =	simm.s32 $0xB500;
	s19 =	simm.s32 $0xF500  }
0x5: {  	s21 =	simm.s32 $0x1;
	s22 =	simm.s32 $0x13500;
	s23 =	simm.s32 $0x2  }
0x6: {  	s28 =	simm.s32 $0x4;
	s0 =	sand.u32 $0x1, s0;
	s4 =	sshll.u32 s3, $0x1  }
0x7: {  	s29 =	simm.s32 $0x8;
	s30 =	simm.s32 $0x5;
	s6 =	sor.u32 s0, s4  }
0x8: {  	s4 =	simm.s32 $0x0;
	s0 =	ssub.s32 $0x2, s0;
	s5 =	smul.u32 $0x1900, s6  }
0x9: {  	[smem:$0x7FF] =	sst s4;
	s6 =	smul.u32 $0x380, s6;
	s24 =	sshrl.u32 s0, $0x1  }
0xa: {  	s3 =	rddreg [dreg:$0x2];
	_ =	strace $0x80000047;
	s0 =	ssub.s32 s0, s24  }
0xb: {  	s7 =	sshrl.u32 s5, $0x3;
	s6 =	sadd.s32 s6, s2;
	s0 =	smax.u32 s0, $0x1  }
0xc: {  	s2 =	sadd.s32 s7, s2;
	s6 =	sadd.s32 $0xC00, s6;
	[dreg:$0x8] =	wrdreg s0  }
0xd: {  	s31 =	simm.s32 $0x9;
	[dreg:$0x4] =	wrdreg s6;
	s25 =	sadd.s32 $0x7C00, s2  }
0xe: {  	s16 =	simm.s32 $0x0;
	s26 =	sadd.s32 $0xE000, s2;
	[dreg:$0x5] =	wrdreg s25  }
0xf: {  	v0 =	vlaneseq.u32;
	s24 =	simm.s32 $0x6;
	s2 =	sadd.s32 $0x14400, s2;
	[dreg:$0x6] =	wrdreg s26  }
0x10: {  	v1 =	vmul.u32 $0x80, v0;
	[dreg:$0x7] =	wrdreg s2;
	s25 =	simm.s32 $0x3;
	s26 =	simm.s32 $0x7  }
.LBB2_1:
0x11: {  	s0 =	rddreg [dreg:$0x4]  }
0x12: {  	[tilespmem:s4], [sflag:$0xC] =	stream.linear.gather [hbm4b:s0+s4], $0x1900, $0x38;
	[tilespmem:$0x1A700] =	vst v63  }
0x13: {  	_ =	swait.ge [sflag:s11], $0x1900  }
0x14: {  	[sflag:s11] =	ssyncset.done $0x0  }
0x15: {  	s2 =	simm.s32 $0x1C00;
	s10 =	rddreg [dreg:$0x5];
	[sflag:s11] =	ssyncadd.s32 $0xFFFFE700  }
0x16: {  	[tilespmem:s2], [sflag:$0xB] =	stream.linear.gather [hbm4b:s10+s4], $0x1900, $0x38;
	[tilespmem:$0x1A700] =	vst v63  }
0x17: {  	_ = 	snop  }
0x18: {  	[tilespmem:s14], [sflag:$0x1] =	stream.indirect.gather [hbm4b:s1+s13], $0x80, s4, s13, $0xb8;
	[tilespmem:$0x1A700] =	vst v63  }
0x19: {  	_ = 	snop  }
0x1a: {  	[tilespmem:s15], [sflag:$0x2] =	stream.indirect.gather [hbm4b:s1+s13], $0x80, s13, s13, $0xb8;
	[tilespmem:$0x1A700] =	vst v63  }
0x1b: {  	s12 =	simm.s32 $0x100  }
0x1c: {  	[tilespmem:s17], [sflag:$0x3] =	stream.indirect.gather [hbm4b:s1+s13], $0x80, s12, s13, $0xb8;
	[tilespmem:$0x1A700] =	vst v63  }
0x1d: {  	s18 =	simm.s32 $0x180;
	s20 =	simm.s32 $0xB  }
0x1e: {  	[tilespmem:s19], [sflag:$0x4] =	stream.indirect.gather [hbm4b:s1+s13], $0x80, s18, s13, $0xb8;
	[tilespmem:$0x1A700] =	vst v63  }
0x1f: {  	_ =	swait.ge [sflag:s20], $0x1900  }
0x20: {  	[sflag:s20] =	ssyncset.done $0x0  }
0x21: {  	s18 =	simm.s32 $0x0;
	[sflag:s20] =	ssyncadd.s32 $0xFFFFE700  }
.LBB2_2:
0x22: {  	_ =	swait.ge [sflag:s21], $0x4000  }
0x23: {  	s0 =	smul.u32 $0x5, s18;
	p0 =	seq.s32 s18, $0x0;
	[sflag:s21] =	ssyncset.done $0x0  }
0x24: {  	s12 =	smul.u32 $0x280, s18;
	s2 =	simm.s32 @!p0 $0xA;
	[sflag:s21] =	ssyncadd.s32 $0xFFFFC000  }
0x25: {  	s0 =	sadd.s32 $0x4, s0;
	_ =	swait.ge @!p0 [sflag:s2], $0x4000  }
0x26: {  	s20 =	sadd.s32 s5, s12;
	s0 =	sshll.u32 s0, $0x7;
	[sflag:s2] =	ssyncset.done @!p0 $0x0  }
0x27: {  	s10 =	sand.u32 $0x3FFFFF80, s0;
	[sflag:s2] =	ssyncadd.s32 @!p0 $0xFFFFC000;
	s2 =	sshll.u32 s20, $0x4  }
0x28: {  	[tilespmem:s22], [sflag:$0x5] =	stream.indirect.gather [hbm4b:s1+s13], $0x80, s10, s13, $0xb8;
	[tilespmem:$0x1A700] =	vst v63  }
0x29: {  	s6 =	simm.s32 $0x0;
	s2 =	sadd.s32 s3, s2  }
0x2a: {  	[hbm4b:s2+s6] =	stream.linear.scatter [tilespmem:s14], [sflag:$0x6], $0x4000, $0x38;
	[tilespmem:$0x1A700] =	vst v63  }
.LBB2_3:
0x2b: {  	s7 =	sshll.u32 s6, $0x4  }
0x2c: {  	s2 =	simm.s32 $0x0;
	v2 =	vmov s7  }
0x2d: {  	v3 =	vadd.s32 s2, v0;
	v2 =	vshll.u32 v2, $0x7  }
0x2e: {  	s9 =	simm.s32 $0x1;
	v3 =	vand.u32 $0x7F, v3;
	v2 =	vor.u32 v1, v2  }
0x2f: {  	v4 =	vadd.s32 s9, v0;
	v3 =	vor.u32 v2, v3  }
0x30: {  	s10 =	simm.s32 $0x2;
	v4 =	vand.u32 $0x7F, v4  }
0x31: {  	s20 =	simm.s32 $0x3;
	v5 =	vadd.s32 s10, v0;
	v4 =	vor.u32 v2, v4  }
0x32: {  	v6 =	vadd.s32 s20, v0;
	v5 =	vand.u32 $0x7F, v5  }
0x33: {  	s8 =	simm.s32 $0x4;
	v6 =	vand.u32 $0x7F, v6;
	v5 =	vor.u32 v2, v5  }
0x34: {  	v7 =	vadd.s32 s8, v0;
	v6 =	vor.u32 v2, v6;
	v3 =	vld.idx.msk [tilespmem:v3+s14+$0x0], $0xffff  }
0x35: {  	v7 =	vand.u32 $0x7F, v7  }
0x36: {  	s9 =	simm.s32 $0x5;
	v7 =	vor.u32 v2, v7;
	v4 =	vld.idx.msk [tilespmem:v4+s14+$0x0], $0xffff  }
0x37: {  	s10 =	simm.s32 $0x6;
	v8 =	vadd.s32 s9, v0  }
0x38: {  	v9 =	vadd.s32 s10, v0;
	v8 =	vand.u32 $0x7F, v8;
	v5 =	vld.idx.msk [tilespmem:v5+s14+$0x0], $0xffff  }
0x39: {  	s8 =	simm.s32 $0x7;
	v9 =	vand.u32 $0x7F, v9;
	v8 =	vor.u32 v2, v8;
	v6 =	vld.idx.msk [tilespmem:v6+s14+$0x0], $0xffff;
	v3 =	vmul.f32 $1.442695020e+00, v3  }
0x3a: {  	s20 =	simm.s32 $0x8;
	v10 =	vadd.s32 s8, v0;
	v9 =	vor.u32 v2, v9  }
0x3b: {  	v11 =	vadd.s32 s20, v0;
	s20 =	simm.s32 $0xC;
	v7 =	vld.idx.msk [tilespmem:v7+s14+$0x0], $0xffff;
	v4 =	vmul.f32 $1.442695020e+00, v4;
	(erf) = vpow2.f32 v3  }
0x3c: {  	v12 =	vadd.s32 s20, v0;
	v3 =	vand.u32 $0x7F, v10  }
0x3d: {  	s8 =	simm.s32 $0x9;
	v5 =	vmul.f32 $1.442695020e+00, v5;
	v3 =	vor.u32 v2, v3;
	(erf) = vpow2.f32 v4  }
0x3e: {  	v6 =	vmul.f32 $1.442695020e+00, v6;
	v10 =	vand.u32 $0x7F, v11;
	v11 =	vadd.s32 s8, v0;
	v4 =	vld.idx.msk [tilespmem:v8+s14+$0x0], $0xffff  }
0x3f: {  	s9 =	simm.s32 $0xA;
	v8 =	vor.u32 v2, v10;
	v10 =	vand.u32 $0x7F, v11;
	(erf) = vpow2.f32 v5;
	v5 =	vld.idx.msk [tilespmem:v9+s14+$0x0], $0xffff  }
0x40: {  	v7 =	vmul.f32 $1.442695020e+00, v7;
	s8 =	simm.s32 $0xD;
	v11 =	vadd.s32 s9, v0;
	v9 =	vor.u32 v2, v10  }
0x41: {  	s10 =	simm.s32 $0xB;
	v60 =	vadd.s32 s8, v0;
	v10 =	vand.u32 $0x7F, v11;
	(erf) = vpow2.f32 v6  }
0x42: {  	v11 =	vadd.s32 s10, v0;
	v6 =	vimm.f32 $0.0e+00;
	v10 =	vor.u32 v2, v10;
	v3 =	vld.idx.msk [tilespmem:v3+s14+$0x0], $0xffff  }
0x43: {  	v11 =	vand.u32 $0x7F, v11;
	(erf) = vpow2.f32 v7;
	v4 =	vmul.f32 $1.442695020e+00, v4  }
0x44: {  	v7 =	vld.idx.msk [tilespmem:v8+s14+$0x0], $0xffff;
	v8 =	vor.u32 v2, v11;
	v11 =	vand.u32 $0x7F, v12;
	v5 =	vmul.f32 $1.442695020e+00, v5;
	v13 =	vpop (erf)  }
0x45: {  	s9 =	simm.s32 $0xE;
	v61 =	vld.idx.msk [tilespmem:v9+s14+$0x0], $0xffff;
	(erf) = vpow2.f32 v4;
	v4 =	vand.u32 $0x7F, v60;
	v6 =	vadd.f32 v13, v6  }
0x46: {  	v11 =	vor.u32 v2, v11;
	v9 =	vadd.s32 s9, v0;
	v62 =	vpop (erf)  }
0x47: {  	s10 =	simm.s32 $0xF;
	(erf) = vpow2.f32 v5;
	v14 =	vmul.f32 $1.442695020e+00, v3;
	v12 =	vadd.f32 v62, v6  }
0x48: {  	v5 =	vand.u32 $0x7F, v9;
	v9 =	vadd.s32 s10, v0;
	v3 =	vor.u32 v2, v4;
	v4 =	vpop (erf);
	v6 =	vld.idx.msk [tilespmem:v10+s14+$0x0], $0xffff  }
0x49: {  	v15 =	vmul.f32 $1.442695020e+00, v7;
	(erf) = vpow2.f32 v14;
	v12 =	vadd.f32 v4, v12  }
0x4a: {  	s20 =	simm.s32 $0x10;
	v9 =	vand.u32 $0x7F, v9;
	v7 =	vor.u32 v2, v5;
	v63 =	vpop (erf);
	v10 =	vmul.f32 $1.442695020e+00, v61;
	v4 =	vld.idx.msk [tilespmem:v8+s14+$0x0], $0xffff  }
0x4b: {  	s8 =	simm.s32 $0x17;
	s9 =	simm.s32 $0x1F;
	s10 =	simm.s32 $0x11;
	v5 =	vld.idx.msk [tilespmem:v11+s14+$0x0], $0xffff;
	v8 =	vadd.s32 s20, v0;
	(erf) = vpow2.f32 v15;
	v11 =	vadd.f32 v63, v12  }
.LBB2_4:
0x4c: {  	p0 =	sne.s32 s9, $0x7F;
	v8 =	vand.u32 $0x7F, v8;
	v12 =	vadd.s32 s10, v0;
	v9 =	vor.u32 v2, v9;
	v13 =	vpop (erf)  }
0x4d: {  	s2 =	sadd.s32 $0xFFFFFFFB, s8;
	v6 =	vmul.f32 $1.442695020e+00, v6;
	v3 =	vld.idx.msk [tilespmem:v3+s14+$0x0], $0xffff;
	(erf) = vpow2.f32 v10;
	v10 =	vadd.f32 v13, v11  }
0x4e: {  	v8 =	vor.u32 v2, v8;
	v11 =	vand.u32 $0x7F, v12;
	v12 =	vadd.s32 s2, v0;
	v13 =	vpop (erf)  }
0x4f: {  	s2 =	sadd.s32 $0xFFFFFFFC, s8;
	v4 =	vmul.f32 $1.442695020e+00, v4;
	v7 =	vld.idx.msk [tilespmem:v7+s14+$0x0], $0xffff;
	(erf) = vpow2.f32 v6;
	v6 =	vadd.f32 v13, v10  }
0x50: {  	v10 =	vor.u32 v2, v11;
	v11 =	vand.u32 $0x7F, v12;
	v12 =	vadd.s32 s2, v0;
	v13 =	vpop (erf)  }
0x51: {  	s2 =	sadd.s32 $0xFFFFFFFD, s8;
	v5 =	vmul.f32 $1.442695020e+00, v5;
	v9 =	vld.idx.msk [tilespmem:v9+s14+$0x0], $0xffff;
	(erf) = vpow2.f32 v4;
	v4 =	vadd.f32 v13, v6  }
0x52: {  	v6 =	vor.u32 v2, v11;
	v11 =	vand.u32 $0x7F, v12;
	v12 =	vadd.s32 s2, v0;
	v13 =	vpop (erf)  }
0x53: {  	s2 =	sadd.s32 $0xFFFFFFFE, s8;
	v3 =	vmul.f32 $1.442695020e+00, v3;
	v8 =	vld.idx.msk [tilespmem:v8+s14+$0x0], $0xffff;
	(erf) = vpow2.f32 v5;
	v4 =	vadd.f32 v13, v4  }
0x54: {  	v5 =	vor.u32 v2, v11;
	v11 =	vand.u32 $0x7F, v12;
	v12 =	vadd.s32 s2, v0;
	v13 =	vpop (erf)  }
0x55: {  	s2 =	sadd.s32 $0xFFFFFFFF, s8;
	v7 =	vmul.f32 $1.442695020e+00, v7;
	v10 =	vld.idx.msk [tilespmem:v10+s14+$0x0], $0xffff;
	v4 =	vadd.f32 v13, v4;
	(erf) = vpow2.f32 v3  }
0x56: {  	v11 =	vor.u32 v2, v11;
	v3 =	vand.u32 $0x7F, v12;
	v12 =	vadd.s32 s2, v0;
	v13 =	vpop (erf)  }
.Ltmp0:
0x57: {  	v9 =	vmul.f32 $1.442695020e+00, v9;
	v6 =	vld.idx.msk [tilespmem:v6+s14+$0x0], $0xffff;
	v13 =	vadd.f32 v13, v4;
	(erf) = vpow2.f32 v7;
	(pc) =	sbr.rel @p0 .LBB2_4-.Ltmp0, $4  }
0x58: {  	v16 =	vadd.s32 s8, v0;
	s8 =	smov.u32 s9;
	v3 =	vor.u32 v2, v3;
	v7 =	vand.u32 $0x7F, v12;
	v14 =	vpop (erf)  }
0x59: {  	s2 =	sadd.s32 $0xFFFFFFF9, s9;
	v15 =	vmul.f32 $1.442695020e+00, v8;
	v4 =	vld.idx.msk [tilespmem:v5+s14+$0x0], $0xffff;
	v13 =	vadd.f32 v14, v13;
	(erf) = vpow2.f32 v9  }
0x5a: {  	v8 =	vadd.s32 s2, v0;
	v7 =	vor.u32 v2, v7;
	v9 =	vand.u32 $0x7F, v16;
	v12 =	vpop (erf)  }
0x5b: {  	s10 =	sadd.s32 $0xFFFFFFFA, s8;
	s9 =	sadd.s32 $0x8, s9;
	v10 =	vmul.f32 $1.442695020e+00, v10;
	v5 =	vld.idx.msk [tilespmem:v11+s14+$0x0], $0xffff;
	(erf) = vpow2.f32 v15;
	v11 =	vadd.f32 v12, v13  }
0x5c: {  	_ =	sdelay $0x1  }
0x5d: {  	v8 =	vand.u32 $0x7F, v8;
	v12 =	vadd.s32 s10, v0;
	v9 =	vor.u32 v2, v9;
	v13 =	vpop (erf)  }
0x5e: {  	s2 =	sadd.s32 $0xFFFFFFFB, s8;
	v6 =	vmul.f32 $1.442695020e+00, v6;
	(erf) = vpow2.f32 v10;
	v59 =	vadd.f32 v13, v11  }
0x5f: {  	v3 =	vld.idx.msk [tilespmem:v3+s14+$0x0], $0xffff;
	v8 =	vor.u32 v2, v8;
	v60 =	vand.u32 $0x7F, v12;
	v61 =	vadd.s32 s2, v0;
	v62 =	vpop (erf)  }
0x60: {  	s10 =	sadd.s32 $0xFFFFFFFC, s8;
	v4 =	vmul.f32 $1.442695020e+00, v4;
	(erf) = vpow2.f32 v6;
	v63 =	vadd.f32 v62, v59  }
0x61: {  	v7 =	vld.idx.msk [tilespmem:v7+s14+$0x0], $0xffff;
	v18 =	vadd.s32 s10, v0;
	v16 =	vor.u32 v2, v60;
	v17 =	vand.u32 $0x7F, v61;
	v19 =	vpop (erf)  }
0x62: {  	s20 =	sadd.s32 $0xFFFFFFFD, s8;
	v5 =	vmul.f32 $1.442695020e+00, v5;
	(erf) = vpow2.f32 v4;
	v20 =	vadd.f32 v19, v63  }
0x63: {  	v24 =	vadd.s32 s20, v0;
	v23 =	vand.u32 $0x7F, v18;
	v22 =	vor.u32 v2, v17;
	v21 =	vld.idx.msk [tilespmem:v9+s14+$0x0], $0xffff;
	v25 =	vpop (erf)  }
0x64: {  	s9 =	sadd.s32 $0xFFFFFFFE, s8;
	v3 =	vmul.f32 $1.442695020e+00, v3;
	(erf) = vpow2.f32 v5;
	v4 =	vadd.f32 v25, v20  }
0x65: {  	v29 =	vadd.s32 s9, v0;
	v28 =	vand.u32 $0x7F, v24;
	v27 =	vor.u32 v2, v23;
	v26 =	vld.idx.msk [tilespmem:v8+s14+$0x0], $0xffff;
	v30 =	vpop (erf)  }
0x66: {  	s10 =	sadd.s32 $0xFFFFFFFF, s8;
	v7 =	vmul.f32 $1.442695020e+00, v7;
	(erf) = vpow2.f32 v3;
	v4 =	vadd.f32 v30, v4  }
0x67: {  	v32 =	vand.u32 $0x7F, v29;
	v33 =	vadd.s32 s10, v0;
	v31 =	vor.u32 v2, v28;
	v3 =	vld.idx.msk [tilespmem:v16+s14+$0x0], $0xffff;
	v34 =	vpop (erf)  }
0x68: {  	v6 =	vmul.f32 $1.442695020e+00, v21;
	(erf) = vpow2.f32 v7;
	v4 =	vadd.f32 v34, v4  }
0x69: {  	v38 =	vadd.s32 s8, v0;
	v36 =	vor.u32 v2, v32;
	v37 =	vand.u32 $0x7F, v33;
	v35 =	vld.idx.msk [tilespmem:v22+s14+$0x0], $0xffff;
	v39 =	vpop (erf)  }
0x6a: {  	v5 =	vmul.f32 $1.442695020e+00, v26;
	(erf) = vpow2.f32 v6;
	v4 =	vadd.f32 v39, v4  }
0x6b: {  	v42 =	vand.u32 $0x7F, v38;
	v41 =	vor.u32 v2, v37;
	v40 =	vld.idx.msk [tilespmem:v27+s14+$0x0], $0xffff;
	v43 =	vpop (erf)  }
0x6c: {  	v3 =	vmul.f32 $1.442695020e+00, v3;
	(erf) = vpow2.f32 v5;
	v4 =	vadd.f32 v43, v4  }
0x6d: {  	v45 =	vor.u32 v2, v42;
	v44 =	vld.idx.msk [tilespmem:v31+s14+$0x0], $0xffff;
	v46 =	vpop (erf)  }
0x6e: {  	v7 =	vmul.f32 $1.442695020e+00, v35;
	(erf) = vpow2.f32 v3;
	v3 =	vadd.f32 v46, v4  }
0x6f: {  	v47 =	vld.idx.msk [tilespmem:v36+s14+$0x0], $0xffff;
	v48 =	vpop (erf)  }
0x70: {  	v6 =	vmul.f32 $1.442695020e+00, v40;
	(erf) = vpow2.f32 v7;
	v3 =	vadd.f32 v48, v3  }
0x71: {  	s20 =	sor.u32 s12, s7;
	v49 =	vld.idx.msk [tilespmem:v41+s14+$0x0], $0xffff;
	v50 =	vpop (erf)  }
0x72: {  	v55 =	vld [tilespmem:s20+$0x1C00];
	v5 =	vmul.f32 $1.442695020e+00, v44;
	(erf) = vpow2.f32 v6;
	v3 =	vadd.f32 v50, v3  }
0x73: {  	v51 =	vld.idx.msk [tilespmem:v45+s14+$0x0], $0xffff;
	v52 =	vpop (erf)  }
0x74: {  	v4 =	vmul.f32 $1.442695020e+00, v47;
	(erf) = vpow2.f32 v5;
	v3 =	vadd.f32 v52, v3  }
0x75: {  	v53 =	vpop (erf)  }
0x76: {  	v54 =	vmul.f32 $1.442695020e+00, v49;
	(erf) = vpow2.f32 v4;
	v3 =	vadd.f32 v53, v3  }
0x77: {  	v59 =	vand.u32 $0xFFFFFF80, v55;
	v56 =	vpop (erf)  }
0x78: {  	v6 =	vmul.f32 $1.442695020e+00, v51;
	(erf) = vpow2.f32 v54;
	v3 =	vadd.f32 v56, v3  }
0x79: {  	v2 =	vadd.s32 v2, v59;
	v57 =	vpop (erf)  }
0x7a: {  	v4 =	vand.u32 $0x7F, v55;
	(erf) = vpow2.f32 v6;
	v3 =	vadd.f32 v57, v3  }
0x7b: {  	v2 =	vor.u32 v4, v2;
	v58 =	vpop (erf)  }
0x7c: {  	v3 =	vadd.f32 v58, v3  }
0x7d: {  	v60 =	vpop (erf)  }
0x7e: {  	v3 =	vadd.f32 v60, v3  }
0x7f: {  	v61 =	vpop (erf)  }
0x80: {  	s6 =	sadd.s32 $0x1, s6;
	v2 =	vld.idx.msk [tilespmem:v2+s14+$0x0], $0xffff;
	v3 =	vadd.f32 v61, v3  }
0x81: {  	p0 =	sne.s32 s6, $0x8;
	v62 =	vpop (erf)  }
.Ltmp1:
0x82: {  	v3 =	vadd.f32 v62, v3;
	(pc) =	sbr.rel @p0 .LBB2_3-.Ltmp1, $4  }
0x83: {  	v63 =	vpop (erf)  }
0x84: {  	v3 =	vadd.f32 v63, v3  }
0x85: {  	[tilespmem:s20+$0x18E00] =	vst v2  }
0x86: {  	[tilespmem:s20+$0x17500] =	vst v3  }
0x87: {  	_ =	swait.ge [sflag:s23], $0x4000  }
0x88: {  	p0 =	seq.s32 s18, $0x9;
	[sflag:s23] =	ssyncset.done $0x0  }
0x89: {  	s2 =	smul.u32 @!p0 $0xA00, s18;
	[sflag:s23] =	ssyncadd.s32 $0xFFFFC000  }
0x8a: {  	_ =	swait.ge [sflag:s24], $0x4000  }
0x8b: {  	s7 =	simm.s32 @!p0 $0x80;
	s6 =	sshra.s32 @!p0 s2, $0x2;
	[sflag:s24] =	ssyncset.done $0x0  }
0x8c: {  	s8 =	simm.s32 @!p0 $0x3500;
	s2 =	sadd.s32 @!p0 $0x280, s6;
	[sflag:s24] =	ssyncadd.s32 $0xFFFFC000  }
0x8d: {  	[tilespmem:s8], [sflag:$0x1] =	stream.indirect.gather @!p0 [hbm4b:s1+s7], $0x80, s2, s7, $0xb8;
	[tilespmem:$0x1A700] =	vst v63  }
0x8e: {  	s7 =	sadd.s32 $0x80, s12  }
0x8f: {  	s20 =	sadd.s32 s5, s7  }
0x90: {  	s2 =	sshll.u32 s20, $0x4  }
0x91: {  	s8 =	simm.s32 $0x0;
	s2 =	sadd.s32 s3, s2  }
0x92: {  	[hbm4b:s2+s8] =	stream.linear.scatter [tilespmem:s15], [sflag:$0x7], $0x4000, $0x38;
	[tilespmem:$0x1A700] =	vst v63  }
.LBB2_7:
0x93: {  	s9 =	sshll.u32 s8, $0x4  }
0x94: {  	s2 =	simm.s32 $0x0;
	v2 =	vmov s9  }
0x95: {  	v3 =	vadd.s32 s2, v0;
	v2 =	vshll.u32 v2, $0x7  }
0x96: {  	s10 =	simm.s32 $0x1;
	v3 =	vand.u32 $0x7F, v3;
	v2 =	vor.u32 v1, v2  }
0x97: {  	s20 =	simm.s32 $0x2;
	v4 =	vadd.s32 s10, v0;
	v3 =	vor.u32 v2, v3  }
0x98: {  	v5 =	vadd.s32 s20, v0;
	v4 =	vand.u32 $0x7F, v4  }
0x99: {  	s10 =	simm.s32 $0x3;
	v5 =	vand.u32 $0x7F, v5;
	v4 =	vor.u32 v2, v4  }
0x9a: {  	v6 =	vadd.s32 s10, v0;
	v5 =	vor.u32 v2, v5  }
0x9b: {  	s20 =	simm.s32 $0x4;
	v6 =	vand.u32 $0x7F, v6  }
0x9c: {  	v7 =	vadd.s32 s20, v0;
	v6 =	vor.u32 v2, v6;
	v3 =	vld.idx.msk [tilespmem:v3+s15+$0x0], $0xffff  }
0x9d: {  	v7 =	vand.u32 $0x7F, v7  }
0x9e: {  	s10 =	simm.s32 $0x5;
	v7 =	vor.u32 v2, v7;
	v4 =	vld.idx.msk [tilespmem:v4+s15+$0x0], $0xffff  }
0x9f: {  	s20 =	simm.s32 $0x6;
	v8 =	vadd.s32 s10, v0;
	v5 =	vld.idx.msk [tilespmem:v5+s15+$0x0], $0xffff  }
0xa0: {  	v9 =	vadd.s32 s20, v0;
	v8 =	vand.u32 $0x7F, v8  }
0xa1: {  	v9 =	vand.u32 $0x7F, v9;
	v8 =	vor.u32 v2, v8;
	v6 =	vld.idx.msk [tilespmem:v6+s15+$0x0], $0xffff;
	v3 =	vmul.f32 $1.442695020e+00, v3  }
0xa2: {  	s10 =	simm.s32 $0x7;
	v9 =	vor.u32 v2, v9  }
0xa3: {  	s20 =	simm.s32 $0x8;
	v10 =	vadd.s32 s10, v0;
	v7 =	vld.idx.msk [tilespmem:v7+s15+$0x0], $0xffff;
	v4 =	vmul.f32 $1.442695020e+00, v4;
	(erf) = vpow2.f32 v3  }
0xa4: {  	v11 =	vadd.s32 s20, v0;
	v5 =	vmul.f32 $1.442695020e+00, v5;
	v3 =	vand.u32 $0x7F, v10  }
0xa5: {  	s10 =	simm.s32 $0x9;
	v10 =	vand.u32 $0x7F, v11;
	v3 =	vor.u32 v2, v3;
	(erf) = vpow2.f32 v4  }
0xa6: {  	s20 =	simm.s32 $0xA;
	v6 =	vmul.f32 $1.442695020e+00, v6;
	v11 =	vadd.s32 s10, v0;
	v4 =	vld.idx.msk [tilespmem:v8+s15+$0x0], $0xffff;
	v8 =	vor.u32 v2, v10  }
0xa7: {  	v10 =	vand.u32 $0x7F, v11;
	v11 =	vadd.s32 s20, v0;
	(erf) = vpow2.f32 v5;
	v5 =	vld.idx.msk [tilespmem:v9+s15+$0x0], $0xffff  }
0xa8: {  	v7 =	vmul.f32 $1.442695020e+00, v7;
	s10 =	simm.s32 $0xB;
	s20 =	simm.s32 $0xC;
	v9 =	vor.u32 v2, v10;
	v10 =	vand.u32 $0x7F, v11  }
0xa9: {  	v11 =	vadd.s32 s10, v0;
	v12 =	vadd.s32 s20, v0;
	(erf) = vpow2.f32 v6  }
0xaa: {  	s10 =	simm.s32 $0xD;
	v6 =	vimm.f32 $0.0e+00;
	v10 =	vor.u32 v2, v10;
	v11 =	vand.u32 $0x7F, v11;
	v3 =	vld.idx.msk [tilespmem:v3+s15+$0x0], $0xffff  }
0xab: {  	v60 =	vadd.s32 s10, v0;
	(erf) = vpow2.f32 v7;
	v4 =	vmul.f32 $1.442695020e+00, v4  }
0xac: {  	v7 =	vld.idx.msk [tilespmem:v8+s15+$0x0], $0xffff;
	v8 =	vor.u32 v2, v11;
	v11 =	vand.u32 $0x7F, v12;
	v5 =	vmul.f32 $1.442695020e+00, v5;
	v13 =	vpop (erf)  }
0xad: {  	s20 =	simm.s32 $0xE;
	v61 =	vld.idx.msk [tilespmem:v9+s15+$0x0], $0xffff;
	(erf) = vpow2.f32 v4;
	v4 =	vand.u32 $0x7F, v60;
	v6 =	vadd.f32 v13, v6  }
0xae: {  	v11 =	vor.u32 v2, v11;
	v9 =	vadd.s32 s20, v0;
	v62 =	vpop (erf)  }
0xaf: {  	s10 =	simm.s32 $0xF;
	(erf) = vpow2.f32 v5;
	v14 =	vmul.f32 $1.442695020e+00, v3;
	v12 =	vadd.f32 v62, v6  }
0xb0: {  	v5 =	vand.u32 $0x7F, v9;
	v9 =	vadd.s32 s10, v0;
	v3 =	vor.u32 v2, v4;
	v4 =	vpop (erf);
	v6 =	vld.idx.msk [tilespmem:v10+s15+$0x0], $0xffff  }
0xb1: {  	v15 =	vmul.f32 $1.442695020e+00, v7;
	(erf) = vpow2.f32 v14;
	v12 =	vadd.f32 v4, v12  }
0xb2: {  	s20 =	simm.s32 $0x10;
	v9 =	vand.u32 $0x7F, v9;
	v7 =	vor.u32 v2, v5;
	v63 =	vpop (erf);
	v10 =	vmul.f32 $1.442695020e+00, v61;
	v4 =	vld.idx.msk [tilespmem:v8+s15+$0x0], $0xffff  }
0xb3: {  	s2 =	simm.s32 $0x11;
	s10 =	simm.s32 $0x17;
	v5 =	vld.idx.msk [tilespmem:v11+s15+$0x0], $0xffff;
	v8 =	vadd.s32 s20, v0;
	s20 =	simm.s32 $0x1F;
	(erf) = vpow2.f32 v15;
	v11 =	vadd.f32 v63, v12  }
.LBB2_8:
0xb4: {  	p1 =	sne.s32 s20, $0x7F;
	v8 =	vand.u32 $0x7F, v8;
	v12 =	vadd.s32 s2, v0;
	v9 =	vor.u32 v2, v9;
	v13 =	vpop (erf)  }
0xb5: {  	s2 =	sadd.s32 $0xFFFFFFFB, s10;
	v6 =	vmul.f32 $1.442695020e+00, v6;
	v3 =	vld.idx.msk [tilespmem:v3+s15+$0x0], $0xffff;
	(erf) = vpow2.f32 v10;
	v10 =	vadd.f32 v13, v11  }
0xb6: {  	v8 =	vor.u32 v2, v8;
	v11 =	vand.u32 $0x7F, v12;
	v12 =	vadd.s32 s2, v0;
	v13 =	vpop (erf)  }
0xb7: {  	s2 =	sadd.s32 $0xFFFFFFFC, s10;
	v4 =	vmul.f32 $1.442695020e+00, v4;
	v7 =	vld.idx.msk [tilespmem:v7+s15+$0x0], $0xffff;
	(erf) = vpow2.f32 v6;
	v6 =	vadd.f32 v13, v10  }
0xb8: {  	v10 =	vor.u32 v2, v11;
	v11 =	vand.u32 $0x7F, v12;
	v12 =	vadd.s32 s2, v0;
	v13 =	vpop (erf)  }
0xb9: {  	s2 =	sadd.s32 $0xFFFFFFFD, s10;
	v5 =	vmul.f32 $1.442695020e+00, v5;
	v9 =	vld.idx.msk [tilespmem:v9+s15+$0x0], $0xffff;
	(erf) = vpow2.f32 v4;
	v4 =	vadd.f32 v13, v6  }
0xba: {  	v6 =	vor.u32 v2, v11;
	v11 =	vand.u32 $0x7F, v12;
	v12 =	vadd.s32 s2, v0;
	v13 =	vpop (erf)  }
0xbb: {  	s2 =	sadd.s32 $0xFFFFFFFE, s10;
	v3 =	vmul.f32 $1.442695020e+00, v3;
	v8 =	vld.idx.msk [tilespmem:v8+s15+$0x0], $0xffff;
	(erf) = vpow2.f32 v5;
	v4 =	vadd.f32 v13, v4  }
0xbc: {  	v5 =	vor.u32 v2, v11;
	v11 =	vand.u32 $0x7F, v12;
	v12 =	vadd.s32 s2, v0;
	v13 =	vpop (erf)  }
0xbd: {  	s2 =	sadd.s32 $0xFFFFFFFF, s10;
	v7 =	vmul.f32 $1.442695020e+00, v7;
	v10 =	vld.idx.msk [tilespmem:v10+s15+$0x0], $0xffff;
	v4 =	vadd.f32 v13, v4;
	(erf) = vpow2.f32 v3  }
0xbe: {  	v11 =	vor.u32 v2, v11;
	v3 =	vand.u32 $0x7F, v12;
	v12 =	vadd.s32 s2, v0;
	v13 =	vpop (erf)  }
.Ltmp2:
0xbf: {  	v9 =	vmul.f32 $1.442695020e+00, v9;
	v6 =	vld.idx.msk [tilespmem:v6+s15+$0x0], $0xffff;
	v13 =	vadd.f32 v13, v4;
	(erf) = vpow2.f32 v7;
	(pc) =	sbr.rel @p1 .LBB2_8-.Ltmp2, $4  }
0xc0: {  	v16 =	vadd.s32 s10, v0;
	s10 =	smov.u32 s20;
	v3 =	vor.u32 v2, v3;
	v7 =	vand.u32 $0x7F, v12;
	v14 =	vpop (erf)  }
0xc1: {  	s2 =	sadd.s32 $0xFFFFFFF9, s20;
	v15 =	vmul.f32 $1.442695020e+00, v8;
	v4 =	vld.idx.msk [tilespmem:v5+s15+$0x0], $0xffff;
	v13 =	vadd.f32 v14, v13;
	(erf) = vpow2.f32 v9  }
0xc2: {  	v8 =	vadd.s32 s2, v0;
	v7 =	vor.u32 v2, v7;
	v9 =	vand.u32 $0x7F, v16;
	v12 =	vpop (erf)  }
0xc3: {  	s20 =	sadd.s32 $0x8, s20;
	s2 =	sadd.s32 $0xFFFFFFFA, s10;
	v10 =	vmul.f32 $1.442695020e+00, v10;
	v5 =	vld.idx.msk [tilespmem:v11+s15+$0x0], $0xffff;
	(erf) = vpow2.f32 v15;
	v11 =	vadd.f32 v12, v13  }
0xc4: {  	_ =	sdelay $0x1  }
0xc5: {  	v8 =	vand.u32 $0x7F, v8;
	v12 =	vadd.s32 s2, v0;
	v9 =	vor.u32 v2, v9;
	v13 =	vpop (erf)  }
0xc6: {  	s20 =	sadd.s32 $0xFFFFFFFB, s10;
	v6 =	vmul.f32 $1.442695020e+00, v6;
	(erf) = vpow2.f32 v10;
	v59 =	vadd.f32 v13, v11  }
0xc7: {  	v3 =	vld.idx.msk [tilespmem:v3+s15+$0x0], $0xffff;
	v8 =	vor.u32 v2, v8;
	v60 =	vand.u32 $0x7F, v12;
	v61 =	vadd.s32 s20, v0;
	v62 =	vpop (erf)  }
0xc8: {  	s20 =	sadd.s32 $0xFFFFFFFC, s10;
	v4 =	vmul.f32 $1.442695020e+00, v4;
	(erf) = vpow2.f32 v6;
	v63 =	vadd.f32 v62, v59  }
0xc9: {  	v7 =	vld.idx.msk [tilespmem:v7+s15+$0x0], $0xffff;
	v16 =	vor.u32 v2, v60;
	v17 =	vand.u32 $0x7F, v61;
	v18 =	vadd.s32 s20, v0;
	v19 =	vpop (erf)  }
0xca: {  	s20 =	sadd.s32 $0xFFFFFFFD, s10;
	v5 =	vmul.f32 $1.442695020e+00, v5;
	(erf) = vpow2.f32 v4;
	v20 =	vadd.f32 v19, v63  }
0xcb: {  	v22 =	vor.u32 v2, v17;
	v23 =	vand.u32 $0x7F, v18;
	v24 =	vadd.s32 s20, v0;
	v21 =	vld.idx.msk [tilespmem:v9+s15+$0x0], $0xffff;
	v25 =	vpop (erf)  }
0xcc: {  	s20 =	sadd.s32 $0xFFFFFFFE, s10;
	v3 =	vmul.f32 $1.442695020e+00, v3;
	(erf) = vpow2.f32 v5;
	v4 =	vadd.f32 v25, v20  }
0xcd: {  	v27 =	vor.u32 v2, v23;
	v28 =	vand.u32 $0x7F, v24;
	v29 =	vadd.s32 s20, v0;
	v26 =	vld.idx.msk [tilespmem:v8+s15+$0x0], $0xffff;
	v30 =	vpop (erf)  }
0xce: {  	s20 =	sadd.s32 $0xFFFFFFFF, s10;
	v7 =	vmul.f32 $1.442695020e+00, v7;
	(erf) = vpow2.f32 v3;
	v4 =	vadd.f32 v30, v4  }
0xcf: {  	v31 =	vor.u32 v2, v28;
	v32 =	vand.u32 $0x7F, v29;
	v33 =	vadd.s32 s20, v0;
	v3 =	vld.idx.msk [tilespmem:v16+s15+$0x0], $0xffff;
	v34 =	vpop (erf)  }
0xd0: {  	v6 =	vmul.f32 $1.442695020e+00, v21;
	(erf) = vpow2.f32 v7;
	v4 =	vadd.f32 v34, v4  }
0xd1: {  	v38 =	vadd.s32 s10, v0;
	v36 =	vor.u32 v2, v32;
	v37 =	vand.u32 $0x7F, v33;
	v35 =	vld.idx.msk [tilespmem:v22+s15+$0x0], $0xffff;
	v39 =	vpop (erf)  }
0xd2: {  	v5 =	vmul.f32 $1.442695020e+00, v26;
	(erf) = vpow2.f32 v6;
	v4 =	vadd.f32 v39, v4  }
0xd3: {  	v42 =	vand.u32 $0x7F, v38;
	v41 =	vor.u32 v2, v37;
	v40 =	vld.idx.msk [tilespmem:v27+s15+$0x0], $0xffff;
	v43 =	vpop (erf)  }
0xd4: {  	v3 =	vmul.f32 $1.442695020e+00, v3;
	(erf) = vpow2.f32 v5;
	v4 =	vadd.f32 v43, v4  }
0xd5: {  	v45 =	vor.u32 v2, v42;
	v44 =	vld.idx.msk [tilespmem:v31+s15+$0x0], $0xffff;
	v46 =	vpop (erf)  }
0xd6: {  	v7 =	vmul.f32 $1.442695020e+00, v35;
	(erf) = vpow2.f32 v3;
	v3 =	vadd.f32 v46, v4  }
0xd7: {  	v47 =	vld.idx.msk [tilespmem:v36+s15+$0x0], $0xffff;
	v48 =	vpop (erf)  }
0xd8: {  	v6 =	vmul.f32 $1.442695020e+00, v40;
	(erf) = vpow2.f32 v7;
	v3 =	vadd.f32 v48, v3  }
0xd9: {  	s20 =	sor.u32 s7, s9;
	v49 =	vld.idx.msk [tilespmem:v41+s15+$0x0], $0xffff;
	v50 =	vpop (erf)  }
0xda: {  	v55 =	vld [tilespmem:s20+$0x1C00];
	v5 =	vmul.f32 $1.442695020e+00, v44;
	(erf) = vpow2.f32 v6;
	v3 =	vadd.f32 v50, v3  }
0xdb: {  	v51 =	vld.idx.msk [tilespmem:v45+s15+$0x0], $0xffff;
	v52 =	vpop (erf)  }
0xdc: {  	v4 =	vmul.f32 $1.442695020e+00, v47;
	(erf) = vpow2.f32 v5;
	v3 =	vadd.f32 v52, v3  }
0xdd: {  	v53 =	vpop (erf)  }
0xde: {  	v54 =	vmul.f32 $1.442695020e+00, v49;
	(erf) = vpow2.f32 v4;
	v3 =	vadd.f32 v53, v3  }
0xdf: {  	v59 =	vand.u32 $0xFFFFFF80, v55;
	v56 =	vpop (erf)  }
0xe0: {  	v6 =	vmul.f32 $1.442695020e+00, v51;
	(erf) = vpow2.f32 v54;
	v3 =	vadd.f32 v56, v3  }
0xe1: {  	v2 =	vadd.s32 v2, v59;
	v57 =	vpop (erf)  }
0xe2: {  	v4 =	vand.u32 $0x7F, v55;
	(erf) = vpow2.f32 v6;
	v3 =	vadd.f32 v57, v3  }
0xe3: {  	v2 =	vor.u32 v4, v2;
	v58 =	vpop (erf)  }
0xe4: {  	v3 =	vadd.f32 v58, v3  }
0xe5: {  	v60 =	vpop (erf)  }
0xe6: {  	v3 =	vadd.f32 v60, v3  }
0xe7: {  	v61 =	vpop (erf)  }
0xe8: {  	s8 =	sadd.s32 $0x1, s8;
	v2 =	vld.idx.msk [tilespmem:v2+s15+$0x0], $0xffff;
	v3 =	vadd.f32 v61, v3  }
0xe9: {  	p1 =	sne.s32 s8, $0x8;
	v62 =	vpop (erf)  }
.Ltmp3:
0xea: {  	v3 =	vadd.f32 v62, v3;
	(pc) =	sbr.rel @p1 .LBB2_7-.Ltmp3, $4  }
0xeb: {  	v63 =	vpop (erf)  }
0xec: {  	v3 =	vadd.f32 v63, v3  }
0xed: {  	[tilespmem:s20+$0x18E00] =	vst v2  }
0xee: {  	[tilespmem:s20+$0x17500] =	vst v3  }
0xef: {  	_ =	swait.ge [sflag:s25], $0x4000  }
0xf0: {  	[sflag:s25] =	ssyncset.done $0x0  }
0xf1: {  	[sflag:s25] =	ssyncadd.s32 $0xFFFFC000  }
0xf2: {  	_ =	swait.ge [sflag:s26], $0x4000  }
0xf3: {  	s2 =	sadd.s32 @!p0 $0x300, s6;
	[sflag:s26] =	ssyncset.done $0x0  }
0xf4: {  	s7 =	simm.s32 @!p0 $0x80;
	s8 =	simm.s32 @!p0 $0x7500;
	[sflag:s26] =	ssyncadd.s32 $0xFFFFC000  }
0xf5: {  	[tilespmem:s8], [sflag:$0x2] =	stream.indirect.gather @!p0 [hbm4b:s1+s7], $0x80, s2, s7, $0xb8;
	[tilespmem:$0x1A700] =	vst v63  }
0xf6: {  	s7 =	sadd.s32 $0x100, s12  }
0xf7: {  	s20 =	sadd.s32 s5, s7  }
0xf8: {  	s2 =	sshll.u32 s20, $0x4  }
0xf9: {  	s8 =	simm.s32 $0x0;
	s2 =	sadd.s32 s3, s2  }
0xfa: {  	[hbm4b:s2+s8] =	stream.linear.scatter [tilespmem:s17], [sflag:$0x8], $0x4000, $0x38;
	[tilespmem:$0x1A700] =	vst v63  }
.LBB2_11:
0xfb: {  	s9 =	sshll.u32 s8, $0x4  }
0xfc: {  	s2 =	simm.s32 $0x0;
	v2 =	vmov s9  }
0xfd: {  	v3 =	vadd.s32 s2, v0;
	v2 =	vshll.u32 v2, $0x7  }
0xfe: {  	s10 =	simm.s32 $0x1;
	v3 =	vand.u32 $0x7F, v3;
	v2 =	vor.u32 v1, v2  }
0xff: {  	s20 =	simm.s32 $0x2;
	v4 =	vadd.s32 s10, v0;
	v3 =	vor.u32 v2, v3  }
0x100: {  	v5 =	vadd.s32 s20, v0;
	v4 =	vand.u32 $0x7F, v4  }
0x101: {  	s10 =	simm.s32 $0x3;
	v5 =	vand.u32 $0x7F, v5;
	v4 =	vor.u32 v2, v4  }
0x102: {  	v6 =	vadd.s32 s10, v0;
	v5 =	vor.u32 v2, v5  }
0x103: {  	s20 =	simm.s32 $0x4;
	v6 =	vand.u32 $0x7F, v6  }
0x104: {  	v7 =	vadd.s32 s20, v0;
	v6 =	vor.u32 v2, v6;
	v3 =	vld.idx.msk [tilespmem:v3+s17+$0x0], $0xffff  }
0x105: {  	v7 =	vand.u32 $0x7F, v7  }
0x106: {  	s10 =	simm.s32 $0x5;
	v7 =	vor.u32 v2, v7;
	v4 =	vld.idx.msk [tilespmem:v4+s17+$0x0], $0xffff  }
0x107: {  	s20 =	simm.s32 $0x6;
	v8 =	vadd.s32 s10, v0;
	v5 =	vld.idx.msk [tilespmem:v5+s17+$0x0], $0xffff  }
0x108: {  	v9 =	vadd.s32 s20, v0;
	v8 =	vand.u32 $0x7F, v8  }
0x109: {  	v9 =	vand.u32 $0x7F, v9;
	v8 =	vor.u32 v2, v8;
	v6 =	vld.idx.msk [tilespmem:v6+s17+$0x0], $0xffff;
	v3 =	vmul.f32 $1.442695020e+00, v3  }
0x10a: {  	s10 =	simm.s32 $0x7;
	v9 =	vor.u32 v2, v9  }
0x10b: {  	s20 =	simm.s32 $0x8;
	v10 =	vadd.s32 s10, v0;
	v7 =	vld.idx.msk [tilespmem:v7+s17+$0x0], $0xffff;
	v4 =	vmul.f32 $1.442695020e+00, v4;
	(erf) = vpow2.f32 v3  }
0x10c: {  	v11 =	vadd.s32 s20, v0;
	v5 =	vmul.f32 $1.442695020e+00, v5;
	v3 =	vand.u32 $0x7F, v10  }
0x10d: {  	s10 =	simm.s32 $0x9;
	v10 =	vand.u32 $0x7F, v11;
	v3 =	vor.u32 v2, v3;
	(erf) = vpow2.f32 v4  }
0x10e: {  	s20 =	simm.s32 $0xA;
	v6 =	vmul.f32 $1.442695020e+00, v6;
	v11 =	vadd.s32 s10, v0;
	v4 =	vld.idx.msk [tilespmem:v8+s17+$0x0], $0xffff;
	v8 =	vor.u32 v2, v10  }
0x10f: {  	v10 =	vand.u32 $0x7F, v11;
	v11 =	vadd.s32 s20, v0;
	(erf) = vpow2.f32 v5;
	v5 =	vld.idx.msk [tilespmem:v9+s17+$0x0], $0xffff  }
0x110: {  	v7 =	vmul.f32 $1.442695020e+00, v7;
	s10 =	simm.s32 $0xB;
	s20 =	simm.s32 $0xC;
	v9 =	vor.u32 v2, v10;
	v10 =	vand.u32 $0x7F, v11  }
0x111: {  	v11 =	vadd.s32 s10, v0;
	v12 =	vadd.s32 s20, v0;
	(erf) = vpow2.f32 v6  }
0x112: {  	s10 =	simm.s32 $0xD;
	v6 =	vimm.f32 $0.0e+00;
	v10 =	vor.u32 v2, v10;
	v11 =	vand.u32 $0x7F, v11;
	v3 =	vld.idx.msk [tilespmem:v3+s17+$0x0], $0xffff  }
0x113: {  	v60 =	vadd.s32 s10, v0;
	(erf) = vpow2.f32 v7;
	v4 =	vmul.f32 $1.442695020e+00, v4  }
0x114: {  	v7 =	vld.idx.msk [tilespmem:v8+s17+$0x0], $0xffff;
	v8 =	vor.u32 v2, v11;
	v11 =	vand.u32 $0x7F, v12;
	v5 =	vmul.f32 $1.442695020e+00, v5;
	v13 =	vpop (erf)  }
0x115: {  	s20 =	simm.s32 $0xE;
	v61 =	vld.idx.msk [tilespmem:v9+s17+$0x0], $0xffff;
	(erf) = vpow2.f32 v4;
	v4 =	vand.u32 $0x7F, v60;
	v6 =	vadd.f32 v13, v6  }
0x116: {  	v11 =	vor.u32 v2, v11;
	v9 =	vadd.s32 s20, v0;
	v62 =	vpop (erf)  }
0x117: {  	s10 =	simm.s32 $0xF;
	(erf) = vpow2.f32 v5;
	v14 =	vmul.f32 $1.442695020e+00, v3;
	v12 =	vadd.f32 v62, v6  }
0x118: {  	v5 =	vand.u32 $0x7F, v9;
	v9 =	vadd.s32 s10, v0;
	v3 =	vor.u32 v2, v4;
	v4 =	vpop (erf);
	v6 =	vld.idx.msk [tilespmem:v10+s17+$0x0], $0xffff  }
0x119: {  	v15 =	vmul.f32 $1.442695020e+00, v7;
	(erf) = vpow2.f32 v14;
	v12 =	vadd.f32 v4, v12  }
0x11a: {  	s20 =	simm.s32 $0x10;
	v9 =	vand.u32 $0x7F, v9;
	v7 =	vor.u32 v2, v5;
	v63 =	vpop (erf);
	v10 =	vmul.f32 $1.442695020e+00, v61;
	v4 =	vld.idx.msk [tilespmem:v8+s17+$0x0], $0xffff  }
0x11b: {  	s2 =	simm.s32 $0x11;
	s10 =	simm.s32 $0x17;
	v5 =	vld.idx.msk [tilespmem:v11+s17+$0x0], $0xffff;
	v8 =	vadd.s32 s20, v0;
	s20 =	simm.s32 $0x1F;
	(erf) = vpow2.f32 v15;
	v11 =	vadd.f32 v63, v12  }
.LBB2_12:
0x11c: {  	p1 =	sne.s32 s20, $0x7F;
	v8 =	vand.u32 $0x7F, v8;
	v12 =	vadd.s32 s2, v0;
	v9 =	vor.u32 v2, v9;
	v13 =	vpop (erf)  }
0x11d: {  	s2 =	sadd.s32 $0xFFFFFFFB, s10;
	v6 =	vmul.f32 $1.442695020e+00, v6;
	v3 =	vld.idx.msk [tilespmem:v3+s17+$0x0], $0xffff;
	(erf) = vpow2.f32 v10;
	v10 =	vadd.f32 v13, v11  }
0x11e: {  	v8 =	vor.u32 v2, v8;
	v11 =	vand.u32 $0x7F, v12;
	v12 =	vadd.s32 s2, v0;
	v13 =	vpop (erf)  }
0x11f: {  	s2 =	sadd.s32 $0xFFFFFFFC, s10;
	v4 =	vmul.f32 $1.442695020e+00, v4;
	v7 =	vld.idx.msk [tilespmem:v7+s17+$0x0], $0xffff;
	(erf) = vpow2.f32 v6;
	v6 =	vadd.f32 v13, v10  }
0x120: {  	v10 =	vor.u32 v2, v11;
	v11 =	vand.u32 $0x7F, v12;
	v12 =	vadd.s32 s2, v0;
	v13 =	vpop (erf)  }
0x121: {  	s2 =	sadd.s32 $0xFFFFFFFD, s10;
	v5 =	vmul.f32 $1.442695020e+00, v5;
	v9 =	vld.idx.msk [tilespmem:v9+s17+$0x0], $0xffff;
	(erf) = vpow2.f32 v4;
	v4 =	vadd.f32 v13, v6  }
0x122: {  	v6 =	vor.u32 v2, v11;
	v11 =	vand.u32 $0x7F, v12;
	v12 =	vadd.s32 s2, v0;
	v13 =	vpop (erf)  }
0x123: {  	s2 =	sadd.s32 $0xFFFFFFFE, s10;
	v3 =	vmul.f32 $1.442695020e+00, v3;
	v8 =	vld.idx.msk [tilespmem:v8+s17+$0x0], $0xffff;
	(erf) = vpow2.f32 v5;
	v4 =	vadd.f32 v13, v4  }
0x124: {  	v5 =	vor.u32 v2, v11;
	v11 =	vand.u32 $0x7F, v12;
	v12 =	vadd.s32 s2, v0;
	v13 =	vpop (erf)  }
0x125: {  	s2 =	sadd.s32 $0xFFFFFFFF, s10;
	v7 =	vmul.f32 $1.442695020e+00, v7;
	v10 =	vld.idx.msk [tilespmem:v10+s17+$0x0], $0xffff;
	v4 =	vadd.f32 v13, v4;
	(erf) = vpow2.f32 v3  }
0x126: {  	v11 =	vor.u32 v2, v11;
	v3 =	vand.u32 $0x7F, v12;
	v12 =	vadd.s32 s2, v0;
	v13 =	vpop (erf)  }
.Ltmp4:
0x127: {  	v9 =	vmul.f32 $1.442695020e+00, v9;
	v6 =	vld.idx.msk [tilespmem:v6+s17+$0x0], $0xffff;
	v13 =	vadd.f32 v13, v4;
	(erf) = vpow2.f32 v7;
	(pc) =	sbr.rel @p1 .LBB2_12-.Ltmp4, $4  }
0x128: {  	v16 =	vadd.s32 s10, v0;
	s10 =	smov.u32 s20;
	v3 =	vor.u32 v2, v3;
	v7 =	vand.u32 $0x7F, v12;
	v14 =	vpop (erf)  }
0x129: {  	s2 =	sadd.s32 $0xFFFFFFF9, s20;
	v15 =	vmul.f32 $1.442695020e+00, v8;
	v4 =	vld.idx.msk [tilespmem:v5+s17+$0x0], $0xffff;
	v13 =	vadd.f32 v14, v13;
	(erf) = vpow2.f32 v9  }
0x12a: {  	v8 =	vadd.s32 s2, v0;
	v7 =	vor.u32 v2, v7;
	v9 =	vand.u32 $0x7F, v16;
	v12 =	vpop (erf)  }
0x12b: {  	s20 =	sadd.s32 $0x8, s20;
	s2 =	sadd.s32 $0xFFFFFFFA, s10;
	v10 =	vmul.f32 $1.442695020e+00, v10;
	v5 =	vld.idx.msk [tilespmem:v11+s17+$0x0], $0xffff;
	(erf) = vpow2.f32 v15;
	v11 =	vadd.f32 v12, v13  }
0x12c: {  	_ =	sdelay $0x1  }
0x12d: {  	v8 =	vand.u32 $0x7F, v8;
	v12 =	vadd.s32 s2, v0;
	v9 =	vor.u32 v2, v9;
	v13 =	vpop (erf)  }
0x12e: {  	s20 =	sadd.s32 $0xFFFFFFFB, s10;
	v6 =	vmul.f32 $1.442695020e+00, v6;
	(erf) = vpow2.f32 v10;
	v59 =	vadd.f32 v13, v11  }
0x12f: {  	v3 =	vld.idx.msk [tilespmem:v3+s17+$0x0], $0xffff;
	v8 =	vor.u32 v2, v8;
	v60 =	vand.u32 $0x7F, v12;
	v61 =	vadd.s32 s20, v0;
	v62 =	vpop (erf)  }
0x130: {  	s20 =	sadd.s32 $0xFFFFFFFC, s10;
	v4 =	vmul.f32 $1.442695020e+00, v4;
	(erf) = vpow2.f32 v6;
	v63 =	vadd.f32 v62, v59  }
0x131: {  	v7 =	vld.idx.msk [tilespmem:v7+s17+$0x0], $0xffff;
	v16 =	vor.u32 v2, v60;
	v17 =	vand.u32 $0x7F, v61;
	v18 =	vadd.s32 s20, v0;
	v19 =	vpop (erf)  }
0x132: {  	s20 =	sadd.s32 $0xFFFFFFFD, s10;
	v5 =	vmul.f32 $1.442695020e+00, v5;
	(erf) = vpow2.f32 v4;
	v20 =	vadd.f32 v19, v63  }
0x133: {  	v22 =	vor.u32 v2, v17;
	v23 =	vand.u32 $0x7F, v18;
	v24 =	vadd.s32 s20, v0;
	v21 =	vld.idx.msk [tilespmem:v9+s17+$0x0], $0xffff;
	v25 =	vpop (erf)  }
0x134: {  	s20 =	sadd.s32 $0xFFFFFFFE, s10;
	v3 =	vmul.f32 $1.442695020e+00, v3;
	(erf) = vpow2.f32 v5;
	v4 =	vadd.f32 v25, v20  }
0x135: {  	v27 =	vor.u32 v2, v23;
	v28 =	vand.u32 $0x7F, v24;
	v29 =	vadd.s32 s20, v0;
	v26 =	vld.idx.msk [tilespmem:v8+s17+$0x0], $0xffff;
	v30 =	vpop (erf)  }
0x136: {  	s20 =	sadd.s32 $0xFFFFFFFF, s10;
	v7 =	vmul.f32 $1.442695020e+00, v7;
	(erf) = vpow2.f32 v3;
	v4 =	vadd.f32 v30, v4  }
0x137: {  	v31 =	vor.u32 v2, v28;
	v32 =	vand.u32 $0x7F, v29;
	v33 =	vadd.s32 s20, v0;
	v3 =	vld.idx.msk [tilespmem:v16+s17+$0x0], $0xffff;
	v34 =	vpop (erf)  }
0x138: {  	v6 =	vmul.f32 $1.442695020e+00, v21;
	(erf) = vpow2.f32 v7;
	v4 =	vadd.f32 v34, v4  }
0x139: {  	v38 =	vadd.s32 s10, v0;
	v36 =	vor.u32 v2, v32;
	v37 =	vand.u32 $0x7F, v33;
	v35 =	vld.idx.msk [tilespmem:v22+s17+$0x0], $0xffff;
	v39 =	vpop (erf)  }
0x13a: {  	v5 =	vmul.f32 $1.442695020e+00, v26;
	(erf) = vpow2.f32 v6;
	v4 =	vadd.f32 v39, v4  }
0x13b: {  	v42 =	vand.u32 $0x7F, v38;
	v41 =	vor.u32 v2, v37;
	v40 =	vld.idx.msk [tilespmem:v27+s17+$0x0], $0xffff;
	v43 =	vpop (erf)  }
0x13c: {  	v3 =	vmul.f32 $1.442695020e+00, v3;
	(erf) = vpow2.f32 v5;
	v4 =	vadd.f32 v43, v4  }
0x13d: {  	v45 =	vor.u32 v2, v42;
	v44 =	vld.idx.msk [tilespmem:v31+s17+$0x0], $0xffff;
	v46 =	vpop (erf)  }
0x13e: {  	v7 =	vmul.f32 $1.442695020e+00, v35;
	(erf) = vpow2.f32 v3;
	v3 =	vadd.f32 v46, v4  }
0x13f: {  	v47 =	vld.idx.msk [tilespmem:v36+s17+$0x0], $0xffff;
	v48 =	vpop (erf)  }
0x140: {  	v6 =	vmul.f32 $1.442695020e+00, v40;
	(erf) = vpow2.f32 v7;
	v3 =	vadd.f32 v48, v3  }
0x141: {  	s20 =	sor.u32 s7, s9;
	v49 =	vld.idx.msk [tilespmem:v41+s17+$0x0], $0xffff;
	v50 =	vpop (erf)  }
0x142: {  	v55 =	vld [tilespmem:s20+$0x1C00];
	v5 =	vmul.f32 $1.442695020e+00, v44;
	(erf) = vpow2.f32 v6;
	v3 =	vadd.f32 v50, v3  }
0x143: {  	v51 =	vld.idx.msk [tilespmem:v45+s17+$0x0], $0xffff;
	v52 =	vpop (erf)  }
0x144: {  	v4 =	vmul.f32 $1.442695020e+00, v47;
	(erf) = vpow2.f32 v5;
	v3 =	vadd.f32 v52, v3  }
0x145: {  	v53 =	vpop (erf)  }
0x146: {  	v54 =	vmul.f32 $1.442695020e+00, v49;
	(erf) = vpow2.f32 v4;
	v3 =	vadd.f32 v53, v3  }
0x147: {  	v59 =	vand.u32 $0xFFFFFF80, v55;
	v56 =	vpop (erf)  }
0x148: {  	v6 =	vmul.f32 $1.442695020e+00, v51;
	(erf) = vpow2.f32 v54;
	v3 =	vadd.f32 v56, v3  }
0x149: {  	v2 =	vadd.s32 v2, v59;
	v57 =	vpop (erf)  }
0x14a: {  	v4 =	vand.u32 $0x7F, v55;
	(erf) = vpow2.f32 v6;
	v3 =	vadd.f32 v57, v3  }
0x14b: {  	v2 =	vor.u32 v4, v2;
	v58 =	vpop (erf)  }
0x14c: {  	v3 =	vadd.f32 v58, v3  }
0x14d: {  	v60 =	vpop (erf)  }
0x14e: {  	v3 =	vadd.f32 v60, v3  }
0x14f: {  	v61 =	vpop (erf)  }
0x150: {  	s8 =	sadd.s32 $0x1, s8;
	v2 =	vld.idx.msk [tilespmem:v2+s17+$0x0], $0xffff;
	v3 =	vadd.f32 v61, v3  }
0x151: {  	p1 =	sne.s32 s8, $0x8;
	v62 =	vpop (erf)  }
.Ltmp5:
0x152: {  	v3 =	vadd.f32 v62, v3;
	(pc) =	sbr.rel @p1 .LBB2_11-.Ltmp5, $4  }
0x153: {  	v63 =	vpop (erf)  }
0x154: {  	v3 =	vadd.f32 v63, v3  }
0x155: {  	[tilespmem:s20+$0x18E00] =	vst v2  }
0x156: {  	[tilespmem:s20+$0x17500] =	vst v3  }
0x157: {  	_ =	swait.ge [sflag:s28], $0x4000  }
0x158: {  	[sflag:s28] =	ssyncset.done $0x0  }
0x159: {  	[sflag:s28] =	ssyncadd.s32 $0xFFFFC000  }
0x15a: {  	_ =	swait.ge [sflag:s29], $0x4000  }
0x15b: {  	s2 =	sadd.s32 @!p0 $0x380, s6;
	[sflag:s29] =	ssyncset.done $0x0  }
0x15c: {  	s7 =	simm.s32 @!p0 $0x80;
	s8 =	simm.s32 @!p0 $0xB500;
	[sflag:s29] =	ssyncadd.s32 $0xFFFFC000  }
0x15d: {  	[tilespmem:s8], [sflag:$0x3] =	stream.indirect.gather @!p0 [hbm4b:s1+s7], $0x80, s2, s7, $0xb8;
	[tilespmem:$0x1A700] =	vst v63  }
0x15e: {  	s7 =	sadd.s32 $0x180, s12  }
0x15f: {  	s20 =	sadd.s32 s5, s7  }
0x160: {  	s2 =	sshll.u32 s20, $0x4  }
0x161: {  	s8 =	simm.s32 $0x0;
	s2 =	sadd.s32 s3, s2  }
0x162: {  	[hbm4b:s2+s8] =	stream.linear.scatter [tilespmem:s19], [sflag:$0x9], $0x4000, $0x38;
	[tilespmem:$0x1A700] =	vst v63  }
.LBB2_15:
0x163: {  	s9 =	sshll.u32 s8, $0x4  }
0x164: {  	s2 =	simm.s32 $0x0;
	v2 =	vmov s9  }
0x165: {  	v3 =	vadd.s32 s2, v0;
	v2 =	vshll.u32 v2, $0x7  }
0x166: {  	s20 =	simm.s32 $0x1;
	v3 =	vand.u32 $0x7F, v3;
	v2 =	vor.u32 v1, v2  }
0x167: {  	s10 =	simm.s32 $0x2;
	v4 =	vadd.s32 s20, v0;
	v3 =	vor.u32 v2, v3  }
0x168: {  	s12 =	simm.s32 $0x3;
	v5 =	vadd.s32 s10, v0;
	v4 =	vand.u32 $0x7F, v4  }
0x169: {  	v6 =	vadd.s32 s12, v0;
	s20 =	simm.s32 $0x4;
	v5 =	vand.u32 $0x7F, v5;
	v4 =	vor.u32 v2, v4  }
0x16a: {  	v6 =	vand.u32 $0x7F, v6;
	v7 =	vadd.s32 s20, v0;
	v5 =	vor.u32 v2, v5  }
0x16b: {  	v7 =	vand.u32 $0x7F, v7;
	v6 =	vor.u32 v2, v6  }
0x16c: {  	v7 =	vor.u32 v2, v7;
	v3 =	vld.idx.msk [tilespmem:v3+s19+$0x0], $0xffff;
	_ =	sdelay $0x1  }
0x16d: {  	s10 =	simm.s32 $0x5;
	v4 =	vld.idx.msk [tilespmem:v4+s19+$0x0], $0xffff  }
0x16e: {  	s12 =	simm.s32 $0x6;
	v8 =	vadd.s32 s10, v0;
	v5 =	vld.idx.msk [tilespmem:v5+s19+$0x0], $0xffff  }
0x16f: {  	v9 =	vadd.s32 s12, v0;
	v8 =	vand.u32 $0x7F, v8;
	v6 =	vld.idx.msk [tilespmem:v6+s19+$0x0], $0xffff  }
0x170: {  	v9 =	vand.u32 $0x7F, v9;
	v8 =	vor.u32 v2, v8;
	v7 =	vld.idx.msk [tilespmem:v7+s19+$0x0], $0xffff;
	v3 =	vmul.f32 $1.442695020e+00, v3  }
0x171: {  	s10 =	simm.s32 $0x7;
	v9 =	vor.u32 v2, v9  }
0x172: {  	s20 =	simm.s32 $0x8;
	v10 =	vadd.s32 s10, v0;
	v4 =	vmul.f32 $1.442695020e+00, v4;
	(erf) = vpow2.f32 v3  }
0x173: {  	v11 =	vadd.s32 s20, v0;
	v5 =	vmul.f32 $1.442695020e+00, v5;
	v3 =	vand.u32 $0x7F, v10  }
0x174: {  	s12 =	simm.s32 $0x9;
	v6 =	vmul.f32 $1.442695020e+00, v6;
	v3 =	vor.u32 v2, v3;
	(erf) = vpow2.f32 v4  }
0x175: {  	v7 =	vmul.f32 $1.442695020e+00, v7;
	v10 =	vand.u32 $0x7F, v11;
	v11 =	vadd.s32 s12, v0;
	v4 =	vld.idx.msk [tilespmem:v8+s19+$0x0], $0xffff  }
0x176: {  	s20 =	simm.s32 $0xA;
	s12 =	simm.s32 $0xC;
	v8 =	vor.u32 v2, v10;
	v10 =	vand.u32 $0x7F, v11;
	(erf) = vpow2.f32 v5;
	v5 =	vld.idx.msk [tilespmem:v9+s19+$0x0], $0xffff  }
0x177: {  	s10 =	simm.s32 $0xB;
	v11 =	vadd.s32 s20, v0;
	v12 =	vadd.s32 s12, v0;
	v9 =	vor.u32 v2, v10  }
0x178: {  	s20 =	simm.s32 $0xD;
	v10 =	vand.u32 $0x7F, v11;
	v11 =	vadd.s32 s10, v0;
	(erf) = vpow2.f32 v6  }
0x179: {  	v60 =	vadd.s32 s20, v0;
	v6 =	vimm.f32 $0.0e+00;
	v10 =	vor.u32 v2, v10;
	v3 =	vld.idx.msk [tilespmem:v3+s19+$0x0], $0xffff  }
0x17a: {  	v11 =	vand.u32 $0x7F, v11;
	(erf) = vpow2.f32 v7;
	v4 =	vmul.f32 $1.442695020e+00, v4  }
0x17b: {  	v7 =	vld.idx.msk [tilespmem:v8+s19+$0x0], $0xffff;
	v8 =	vor.u32 v2, v11;
	v11 =	vand.u32 $0x7F, v12;
	v5 =	vmul.f32 $1.442695020e+00, v5;
	v13 =	vpop (erf)  }
0x17c: {  	s10 =	simm.s32 $0xE;
	v61 =	vld.idx.msk [tilespmem:v9+s19+$0x0], $0xffff;
	(erf) = vpow2.f32 v4;
	v4 =	vand.u32 $0x7F, v60;
	v6 =	vadd.f32 v13, v6  }
0x17d: {  	v11 =	vor.u32 v2, v11;
	v9 =	vadd.s32 s10, v0;
	v62 =	vpop (erf)  }
0x17e: {  	s12 =	simm.s32 $0xF;
	(erf) = vpow2.f32 v5;
	v14 =	vmul.f32 $1.442695020e+00, v3;
	v12 =	vadd.f32 v62, v6  }
0x17f: {  	v5 =	vand.u32 $0x7F, v9;
	v9 =	vadd.s32 s12, v0;
	v3 =	vor.u32 v2, v4;
	v4 =	vpop (erf);
	v6 =	vld.idx.msk [tilespmem:v10+s19+$0x0], $0xffff  }
0x180: {  	v15 =	vmul.f32 $1.442695020e+00, v7;
	(erf) = vpow2.f32 v14;
	v12 =	vadd.f32 v4, v12  }
0x181: {  	s20 =	simm.s32 $0x10;
	v9 =	vand.u32 $0x7F, v9;
	v7 =	vor.u32 v2, v5;
	v63 =	vpop (erf);
	v10 =	vmul.f32 $1.442695020e+00, v61;
	v4 =	vld.idx.msk [tilespmem:v8+s19+$0x0], $0xffff  }
0x182: {  	s2 =	simm.s32 $0x11;
	s10 =	simm.s32 $0x17;
	s12 =	simm.s32 $0x1F;
	v5 =	vld.idx.msk [tilespmem:v11+s19+$0x0], $0xffff;
	v8 =	vadd.s32 s20, v0;
	(erf) = vpow2.f32 v15;
	v11 =	vadd.f32 v63, v12  }
.LBB2_16:
0x183: {  	p1 =	sne.s32 s12, $0x7F;
	v8 =	vand.u32 $0x7F, v8;
	v12 =	vadd.s32 s2, v0;
	v9 =	vor.u32 v2, v9;
	v13 =	vpop (erf)  }
0x184: {  	s2 =	sadd.s32 $0xFFFFFFFB, s10;
	v6 =	vmul.f32 $1.442695020e+00, v6;
	v3 =	vld.idx.msk [tilespmem:v3+s19+$0x0], $0xffff;
	(erf) = vpow2.f32 v10;
	v10 =	vadd.f32 v13, v11  }
0x185: {  	v8 =	vor.u32 v2, v8;
	v11 =	vand.u32 $0x7F, v12;
	v12 =	vadd.s32 s2, v0;
	v13 =	vpop (erf)  }
0x186: {  	s2 =	sadd.s32 $0xFFFFFFFC, s10;
	v4 =	vmul.f32 $1.442695020e+00, v4;
	v7 =	vld.idx.msk [tilespmem:v7+s19+$0x0], $0xffff;
	(erf) = vpow2.f32 v6;
	v6 =	vadd.f32 v13, v10  }
0x187: {  	v10 =	vor.u32 v2, v11;
	v11 =	vand.u32 $0x7F, v12;
	v12 =	vadd.s32 s2, v0;
	v13 =	vpop (erf)  }
0x188: {  	s2 =	sadd.s32 $0xFFFFFFFD, s10;
	v5 =	vmul.f32 $1.442695020e+00, v5;
	v9 =	vld.idx.msk [tilespmem:v9+s19+$0x0], $0xffff;
	(erf) = vpow2.f32 v4;
	v4 =	vadd.f32 v13, v6  }
0x189: {  	v6 =	vor.u32 v2, v11;
	v11 =	vand.u32 $0x7F, v12;
	v12 =	vadd.s32 s2, v0;
	v13 =	vpop (erf)  }
0x18a: {  	s2 =	sadd.s32 $0xFFFFFFFE, s10;
	v3 =	vmul.f32 $1.442695020e+00, v3;
	v8 =	vld.idx.msk [tilespmem:v8+s19+$0x0], $0xffff;
	(erf) = vpow2.f32 v5;
	v4 =	vadd.f32 v13, v4  }
0x18b: {  	v5 =	vor.u32 v2, v11;
	v11 =	vand.u32 $0x7F, v12;
	v12 =	vadd.s32 s2, v0;
	v13 =	vpop (erf)  }
0x18c: {  	s2 =	sadd.s32 $0xFFFFFFFF, s10;
	v7 =	vmul.f32 $1.442695020e+00, v7;
	v10 =	vld.idx.msk [tilespmem:v10+s19+$0x0], $0xffff;
	v4 =	vadd.f32 v13, v4;
	(erf) = vpow2.f32 v3  }
0x18d: {  	v11 =	vor.u32 v2, v11;
	v3 =	vand.u32 $0x7F, v12;
	v12 =	vadd.s32 s2, v0;
	v13 =	vpop (erf)  }
.Ltmp6:
0x18e: {  	v9 =	vmul.f32 $1.442695020e+00, v9;
	v6 =	vld.idx.msk [tilespmem:v6+s19+$0x0], $0xffff;
	v13 =	vadd.f32 v13, v4;
	(erf) = vpow2.f32 v7;
	(pc) =	sbr.rel @p1 .LBB2_16-.Ltmp6, $4  }
0x18f: {  	v16 =	vadd.s32 s10, v0;
	s10 =	smov.u32 s12;
	v3 =	vor.u32 v2, v3;
	v7 =	vand.u32 $0x7F, v12;
	v14 =	vpop (erf)  }
0x190: {  	s2 =	sadd.s32 $0xFFFFFFF9, s12;
	v15 =	vmul.f32 $1.442695020e+00, v8;
	v4 =	vld.idx.msk [tilespmem:v5+s19+$0x0], $0xffff;
	v13 =	vadd.f32 v14, v13;
	(erf) = vpow2.f32 v9  }
0x191: {  	v8 =	vadd.s32 s2, v0;
	v7 =	vor.u32 v2, v7;
	v9 =	vand.u32 $0x7F, v16;
	v12 =	vpop (erf)  }
0x192: {  	s12 =	sadd.s32 $0x8, s12;
	s2 =	sadd.s32 $0xFFFFFFFA, s10;
	v10 =	vmul.f32 $1.442695020e+00, v10;
	v5 =	vld.idx.msk [tilespmem:v11+s19+$0x0], $0xffff;
	(erf) = vpow2.f32 v15;
	v11 =	vadd.f32 v12, v13  }
0x193: {  	_ =	sdelay $0x1  }
0x194: {  	v8 =	vand.u32 $0x7F, v8;
	v12 =	vadd.s32 s2, v0;
	v9 =	vor.u32 v2, v9;
	v13 =	vpop (erf)  }
0x195: {  	s12 =	sadd.s32 $0xFFFFFFFB, s10;
	v6 =	vmul.f32 $1.442695020e+00, v6;
	(erf) = vpow2.f32 v10;
	v59 =	vadd.f32 v13, v11  }
0x196: {  	v3 =	vld.idx.msk [tilespmem:v3+s19+$0x0], $0xffff;
	v8 =	vor.u32 v2, v8;
	v60 =	vand.u32 $0x7F, v12;
	v61 =	vadd.s32 s12, v0;
	v62 =	vpop (erf)  }
0x197: {  	s20 =	sadd.s32 $0xFFFFFFFC, s10;
	v4 =	vmul.f32 $1.442695020e+00, v4;
	(erf) = vpow2.f32 v6;
	v63 =	vadd.f32 v62, v59  }
0x198: {  	v7 =	vld.idx.msk [tilespmem:v7+s19+$0x0], $0xffff;
	v18 =	vadd.s32 s20, v0;
	v16 =	vor.u32 v2, v60;
	v17 =	vand.u32 $0x7F, v61;
	v19 =	vpop (erf)  }
0x199: {  	s12 =	sadd.s32 $0xFFFFFFFD, s10;
	v5 =	vmul.f32 $1.442695020e+00, v5;
	(erf) = vpow2.f32 v4;
	v20 =	vadd.f32 v19, v63  }
0x19a: {  	v23 =	vand.u32 $0x7F, v18;
	v24 =	vadd.s32 s12, v0;
	v22 =	vor.u32 v2, v17;
	v21 =	vld.idx.msk [tilespmem:v9+s19+$0x0], $0xffff;
	v25 =	vpop (erf)  }
0x19b: {  	s20 =	sadd.s32 $0xFFFFFFFE, s10;
	v3 =	vmul.f32 $1.442695020e+00, v3;
	(erf) = vpow2.f32 v5;
	v4 =	vadd.f32 v25, v20  }
0x19c: {  	v29 =	vadd.s32 s20, v0;
	v27 =	vor.u32 v2, v23;
	v28 =	vand.u32 $0x7F, v24;
	v26 =	vld.idx.msk [tilespmem:v8+s19+$0x0], $0xffff;
	v30 =	vpop (erf)  }
0x19d: {  	s12 =	sadd.s32 $0xFFFFFFFF, s10;
	v7 =	vmul.f32 $1.442695020e+00, v7;
	(erf) = vpow2.f32 v3;
	v4 =	vadd.f32 v30, v4  }
0x19e: {  	v32 =	vand.u32 $0x7F, v29;
	v33 =	vadd.s32 s12, v0;
	v31 =	vor.u32 v2, v28;
	v3 =	vld.idx.msk [tilespmem:v16+s19+$0x0], $0xffff;
	v34 =	vpop (erf)  }
0x19f: {  	v6 =	vmul.f32 $1.442695020e+00, v21;
	(erf) = vpow2.f32 v7;
	v4 =	vadd.f32 v34, v4  }
0x1a0: {  	v38 =	vadd.s32 s10, v0;
	v36 =	vor.u32 v2, v32;
	v37 =	vand.u32 $0x7F, v33;
	v35 =	vld.idx.msk [tilespmem:v22+s19+$0x0], $0xffff;
	v39 =	vpop (erf)  }
0x1a1: {  	v5 =	vmul.f32 $1.442695020e+00, v26;
	(erf) = vpow2.f32 v6;
	v4 =	vadd.f32 v39, v4  }
0x1a2: {  	v42 =	vand.u32 $0x7F, v38;
	v41 =	vor.u32 v2, v37;
	v40 =	vld.idx.msk [tilespmem:v27+s19+$0x0], $0xffff;
	v43 =	vpop (erf)  }
0x1a3: {  	v3 =	vmul.f32 $1.442695020e+00, v3;
	(erf) = vpow2.f32 v5;
	v4 =	vadd.f32 v43, v4  }
0x1a4: {  	v45 =	vor.u32 v2, v42;
	v44 =	vld.idx.msk [tilespmem:v31+s19+$0x0], $0xffff;
	v46 =	vpop (erf)  }
0x1a5: {  	v7 =	vmul.f32 $1.442695020e+00, v35;
	(erf) = vpow2.f32 v3;
	v3 =	vadd.f32 v46, v4  }
0x1a6: {  	v47 =	vld.idx.msk [tilespmem:v36+s19+$0x0], $0xffff;
	v48 =	vpop (erf)  }
0x1a7: {  	v6 =	vmul.f32 $1.442695020e+00, v40;
	(erf) = vpow2.f32 v7;
	v3 =	vadd.f32 v48, v3  }
0x1a8: {  	s20 =	sor.u32 s7, s9;
	v49 =	vld.idx.msk [tilespmem:v41+s19+$0x0], $0xffff;
	v50 =	vpop (erf)  }
0x1a9: {  	v55 =	vld [tilespmem:s20+$0x1C00];
	v5 =	vmul.f32 $1.442695020e+00, v44;
	(erf) = vpow2.f32 v6;
	v3 =	vadd.f32 v50, v3  }
0x1aa: {  	v51 =	vld.idx.msk [tilespmem:v45+s19+$0x0], $0xffff;
	v52 =	vpop (erf)  }
0x1ab: {  	v4 =	vmul.f32 $1.442695020e+00, v47;
	(erf) = vpow2.f32 v5;
	v3 =	vadd.f32 v52, v3  }
0x1ac: {  	v53 =	vpop (erf)  }
0x1ad: {  	v54 =	vmul.f32 $1.442695020e+00, v49;
	(erf) = vpow2.f32 v4;
	v3 =	vadd.f32 v53, v3  }
0x1ae: {  	v59 =	vand.u32 $0xFFFFFF80, v55;
	v56 =	vpop (erf)  }
0x1af: {  	v6 =	vmul.f32 $1.442695020e+00, v51;
	(erf) = vpow2.f32 v54;
	v3 =	vadd.f32 v56, v3  }
0x1b0: {  	v2 =	vadd.s32 v2, v59;
	v57 =	vpop (erf)  }
0x1b1: {  	v4 =	vand.u32 $0x7F, v55;
	(erf) = vpow2.f32 v6;
	v3 =	vadd.f32 v57, v3  }
0x1b2: {  	v2 =	vor.u32 v4, v2;
	v58 =	vpop (erf)  }
0x1b3: {  	v3 =	vadd.f32 v58, v3  }
0x1b4: {  	v60 =	vpop (erf)  }
0x1b5: {  	v3 =	vadd.f32 v60, v3  }
0x1b6: {  	v61 =	vpop (erf)  }
0x1b7: {  	s8 =	sadd.s32 $0x1, s8;
	v2 =	vld.idx.msk [tilespmem:v2+s19+$0x0], $0xffff;
	v3 =	vadd.f32 v61, v3  }
0x1b8: {  	p1 =	sne.s32 s8, $0x8;
	v62 =	vpop (erf)  }
.Ltmp7:
0x1b9: {  	v3 =	vadd.f32 v62, v3;
	(pc) =	sbr.rel @p1 .LBB2_15-.Ltmp7, $4  }
0x1ba: {  	v63 =	vpop (erf)  }
0x1bb: {  	v3 =	vadd.f32 v63, v3  }
0x1bc: {  	[tilespmem:s20+$0x18E00] =	vst v2  }
0x1bd: {  	[tilespmem:s20+$0x17500] =	vst v3  }
0x1be: {  	_ =	swait.ge [sflag:s30], $0x4000  }
0x1bf: {  	[sflag:s30] =	ssyncset.done $0x0  }
0x1c0: {  	[sflag:s30] =	ssyncadd.s32 $0xFFFFC000  }
0x1c1: {  	_ =	swait.ge [sflag:s31], $0x4000  }
0x1c2: {  	s2 =	sadd.s32 @!p0 $0x400, s6;
	s6 =	simm.s32 @!p0 $0x80;
	[sflag:s31] =	ssyncset.done $0x0  }
0x1c3: {  	s7 =	simm.s32 @!p0 $0xF500;
	s20 =	sadd.s32 s5, s0;
	[sflag:s31] =	ssyncadd.s32 $0xFFFFC000  }
0x1c4: {  	[tilespmem:s7], [sflag:$0x4] =	stream.indirect.gather @!p0 [hbm4b:s1+s6], $0x80, s2, s6, $0xb8;
	[tilespmem:$0x1A700] =	vst v63  }
0x1c5: {  	s2 =	sshll.u32 s20, $0x4  }
0x1c6: {  	s6 =	simm.s32 $0x0;
	s2 =	sadd.s32 s3, s2  }
0x1c7: {  	[hbm4b:s2+s6] =	stream.linear.scatter [tilespmem:s22], [sflag:$0xA], $0x4000, $0x38;
	[tilespmem:$0x1A700] =	vst v63  }
.LBB2_19:
0x1c8: {  	s7 =	sshll.u32 s6, $0x4  }
0x1c9: {  	s2 =	simm.s32 $0x0;
	v2 =	vmov s7  }
0x1ca: {  	v3 =	vadd.s32 s2, v0;
	v2 =	vshll.u32 v2, $0x7  }
0x1cb: {  	s20 =	simm.s32 $0x1;
	v3 =	vand.u32 $0x7F, v3;
	v2 =	vor.u32 v1, v2  }
0x1cc: {  	v4 =	vadd.s32 s20, v0;
	v3 =	vor.u32 v2, v3  }
0x1cd: {  	s8 =	simm.s32 $0x2;
	v4 =	vand.u32 $0x7F, v4  }
0x1ce: {  	s9 =	simm.s32 $0x3;
	v5 =	vadd.s32 s8, v0;
	v4 =	vor.u32 v2, v4  }
0x1cf: {  	v6 =	vadd.s32 s9, v0;
	v5 =	vand.u32 $0x7F, v5  }
0x1d0: {  	v6 =	vand.u32 $0x7F, v6;
	v5 =	vor.u32 v2, v5  }
0x1d1: {  	s10 =	simm.s32 $0x4;
	v6 =	vor.u32 v2, v6;
	v3 =	vld.idx.msk [tilespmem:v3+s22+$0x0], $0xffff  }
0x1d2: {  	v7 =	vadd.s32 s10, v0  }
0x1d3: {  	s12 =	simm.s32 $0x5;
	v7 =	vand.u32 $0x7F, v7;
	v4 =	vld.idx.msk [tilespmem:v4+s22+$0x0], $0xffff  }
0x1d4: {  	v8 =	vadd.s32 s12, v0;
	s20 =	simm.s32 $0x6;
	v7 =	vor.u32 v2, v7  }
0x1d5: {  	v8 =	vand.u32 $0x7F, v8;
	v9 =	vadd.s32 s20, v0;
	v5 =	vld.idx.msk [tilespmem:v5+s22+$0x0], $0xffff  }
0x1d6: {  	v9 =	vand.u32 $0x7F, v9;
	v8 =	vor.u32 v2, v8;
	v6 =	vld.idx.msk [tilespmem:v6+s22+$0x0], $0xffff;
	v3 =	vmul.f32 $1.442695020e+00, v3  }
0x1d7: {  	s8 =	simm.s32 $0x7;
	v9 =	vor.u32 v2, v9  }
0x1d8: {  	s9 =	simm.s32 $0x8;
	v10 =	vadd.s32 s8, v0;
	s8 =	simm.s32 $0xC;
	v4 =	vmul.f32 $1.442695020e+00, v4;
	(erf) = vpow2.f32 v3  }
0x1d9: {  	v11 =	vadd.s32 s9, v0;
	v12 =	vadd.s32 s8, v0;
	v7 =	vld.idx.msk [tilespmem:v7+s22+$0x0], $0xffff;
	v3 =	vand.u32 $0x7F, v10  }
0x1da: {  	s10 =	simm.s32 $0x9;
	v5 =	vmul.f32 $1.442695020e+00, v5;
	v3 =	vor.u32 v2, v3;
	(erf) = vpow2.f32 v4  }
0x1db: {  	v6 =	vmul.f32 $1.442695020e+00, v6;
	v10 =	vand.u32 $0x7F, v11;
	v11 =	vadd.s32 s10, v0;
	v4 =	vld.idx.msk [tilespmem:v8+s22+$0x0], $0xffff  }
0x1dc: {  	s12 =	simm.s32 $0xA;
	s9 =	simm.s32 $0xD;
	v8 =	vor.u32 v2, v10;
	v10 =	vand.u32 $0x7F, v11;
	(erf) = vpow2.f32 v5;
	v5 =	vld.idx.msk [tilespmem:v9+s22+$0x0], $0xffff  }
0x1dd: {  	v60 =	vadd.s32 s9, v0;
	v11 =	vadd.s32 s12, v0;
	v9 =	vor.u32 v2, v10  }
0x1de: {  	s20 =	simm.s32 $0xB;
	v7 =	vmul.f32 $1.442695020e+00, v7;
	v10 =	vand.u32 $0x7F, v11;
	(erf) = vpow2.f32 v6  }
0x1df: {  	v11 =	vadd.s32 s20, v0;
	v6 =	vimm.f32 $0.0e+00;
	v10 =	vor.u32 v2, v10;
	v3 =	vld.idx.msk [tilespmem:v3+s22+$0x0], $0xffff  }
0x1e0: {  	v11 =	vand.u32 $0x7F, v11;
	(erf) = vpow2.f32 v7;
	v4 =	vmul.f32 $1.442695020e+00, v4  }
0x1e1: {  	v7 =	vld.idx.msk [tilespmem:v8+s22+$0x0], $0xffff;
	v8 =	vor.u32 v2, v11;
	v11 =	vand.u32 $0x7F, v12;
	v5 =	vmul.f32 $1.442695020e+00, v5;
	v13 =	vpop (erf)  }
0x1e2: {  	s10 =	simm.s32 $0xE;
	v61 =	vld.idx.msk [tilespmem:v9+s22+$0x0], $0xffff;
	(erf) = vpow2.f32 v4;
	v4 =	vand.u32 $0x7F, v60;
	v6 =	vadd.f32 v13, v6  }
0x1e3: {  	v11 =	vor.u32 v2, v11;
	v9 =	vadd.s32 s10, v0;
	v62 =	vpop (erf)  }
0x1e4: {  	s12 =	simm.s32 $0xF;
	(erf) = vpow2.f32 v5;
	v14 =	vmul.f32 $1.442695020e+00, v3;
	v12 =	vadd.f32 v62, v6  }
0x1e5: {  	v5 =	vand.u32 $0x7F, v9;
	v9 =	vadd.s32 s12, v0;
	v3 =	vor.u32 v2, v4;
	v4 =	vpop (erf);
	v6 =	vld.idx.msk [tilespmem:v10+s22+$0x0], $0xffff  }
0x1e6: {  	v15 =	vmul.f32 $1.442695020e+00, v7;
	(erf) = vpow2.f32 v14;
	v12 =	vadd.f32 v4, v12  }
0x1e7: {  	s20 =	simm.s32 $0x10;
	v9 =	vand.u32 $0x7F, v9;
	v7 =	vor.u32 v2, v5;
	v63 =	vpop (erf);
	v10 =	vmul.f32 $1.442695020e+00, v61;
	v4 =	vld.idx.msk [tilespmem:v8+s22+$0x0], $0xffff  }
0x1e8: {  	s2 =	simm.s32 $0x11;
	s8 =	simm.s32 $0x17;
	s9 =	simm.s32 $0x1F;
	v5 =	vld.idx.msk [tilespmem:v11+s22+$0x0], $0xffff;
	v8 =	vadd.s32 s20, v0;
	(erf) = vpow2.f32 v15;
	v11 =	vadd.f32 v63, v12  }
.LBB2_20:
0x1e9: {  	p0 =	sne.s32 s9, $0x7F;
	v8 =	vand.u32 $0x7F, v8;
	v12 =	vadd.s32 s2, v0;
	v9 =	vor.u32 v2, v9;
	v13 =	vpop (erf)  }
0x1ea: {  	s2 =	sadd.s32 $0xFFFFFFFB, s8;
	v6 =	vmul.f32 $1.442695020e+00, v6;
	v3 =	vld.idx.msk [tilespmem:v3+s22+$0x0], $0xffff;
	(erf) = vpow2.f32 v10;
	v10 =	vadd.f32 v13, v11  }
0x1eb: {  	v8 =	vor.u32 v2, v8;
	v11 =	vand.u32 $0x7F, v12;
	v12 =	vadd.s32 s2, v0;
	v13 =	vpop (erf)  }
0x1ec: {  	s2 =	sadd.s32 $0xFFFFFFFC, s8;
	v4 =	vmul.f32 $1.442695020e+00, v4;
	v7 =	vld.idx.msk [tilespmem:v7+s22+$0x0], $0xffff;
	(erf) = vpow2.f32 v6;
	v6 =	vadd.f32 v13, v10  }
0x1ed: {  	v10 =	vor.u32 v2, v11;
	v11 =	vand.u32 $0x7F, v12;
	v12 =	vadd.s32 s2, v0;
	v13 =	vpop (erf)  }
0x1ee: {  	s2 =	sadd.s32 $0xFFFFFFFD, s8;
	v5 =	vmul.f32 $1.442695020e+00, v5;
	v9 =	vld.idx.msk [tilespmem:v9+s22+$0x0], $0xffff;
	(erf) = vpow2.f32 v4;
	v4 =	vadd.f32 v13, v6  }
0x1ef: {  	v6 =	vor.u32 v2, v11;
	v11 =	vand.u32 $0x7F, v12;
	v12 =	vadd.s32 s2, v0;
	v13 =	vpop (erf)  }
0x1f0: {  	s2 =	sadd.s32 $0xFFFFFFFE, s8;
	v3 =	vmul.f32 $1.442695020e+00, v3;
	v8 =	vld.idx.msk [tilespmem:v8+s22+$0x0], $0xffff;
	(erf) = vpow2.f32 v5;
	v4 =	vadd.f32 v13, v4  }
0x1f1: {  	v5 =	vor.u32 v2, v11;
	v11 =	vand.u32 $0x7F, v12;
	v12 =	vadd.s32 s2, v0;
	v13 =	vpop (erf)  }
0x1f2: {  	s2 =	sadd.s32 $0xFFFFFFFF, s8;
	v7 =	vmul.f32 $1.442695020e+00, v7;
	v10 =	vld.idx.msk [tilespmem:v10+s22+$0x0], $0xffff;
	v4 =	vadd.f32 v13, v4;
	(erf) = vpow2.f32 v3  }
0x1f3: {  	v11 =	vor.u32 v2, v11;
	v3 =	vand.u32 $0x7F, v12;
	v12 =	vadd.s32 s2, v0;
	v13 =	vpop (erf)  }
.Ltmp8:
0x1f4: {  	v9 =	vmul.f32 $1.442695020e+00, v9;
	v6 =	vld.idx.msk [tilespmem:v6+s22+$0x0], $0xffff;
	v13 =	vadd.f32 v13, v4;
	(erf) = vpow2.f32 v7;
	(pc) =	sbr.rel @p0 .LBB2_20-.Ltmp8, $4  }
0x1f5: {  	v16 =	vadd.s32 s8, v0;
	s8 =	smov.u32 s9;
	v3 =	vor.u32 v2, v3;
	v7 =	vand.u32 $0x7F, v12;
	v14 =	vpop (erf)  }
0x1f6: {  	s2 =	sadd.s32 $0xFFFFFFF9, s9;
	v15 =	vmul.f32 $1.442695020e+00, v8;
	v4 =	vld.idx.msk [tilespmem:v5+s22+$0x0], $0xffff;
	v13 =	vadd.f32 v14, v13;
	(erf) = vpow2.f32 v9  }
0x1f7: {  	v8 =	vadd.s32 s2, v0;
	v7 =	vor.u32 v2, v7;
	v9 =	vand.u32 $0x7F, v16;
	v12 =	vpop (erf)  }
0x1f8: {  	s9 =	sadd.s32 $0x8, s9;
	s2 =	sadd.s32 $0xFFFFFFFA, s8;
	v10 =	vmul.f32 $1.442695020e+00, v10;
	v5 =	vld.idx.msk [tilespmem:v11+s22+$0x0], $0xffff;
	(erf) = vpow2.f32 v15;
	v11 =	vadd.f32 v12, v13  }
0x1f9: {  	_ =	sdelay $0x1  }
0x1fa: {  	v8 =	vand.u32 $0x7F, v8;
	v12 =	vadd.s32 s2, v0;
	v9 =	vor.u32 v2, v9;
	v13 =	vpop (erf)  }
0x1fb: {  	s12 =	sadd.s32 $0xFFFFFFFB, s8;
	v6 =	vmul.f32 $1.442695020e+00, v6;
	(erf) = vpow2.f32 v10;
	v59 =	vadd.f32 v13, v11  }
0x1fc: {  	v3 =	vld.idx.msk [tilespmem:v3+s22+$0x0], $0xffff;
	v8 =	vor.u32 v2, v8;
	v60 =	vand.u32 $0x7F, v12;
	v61 =	vadd.s32 s12, v0;
	v62 =	vpop (erf)  }
0x1fd: {  	s20 =	sadd.s32 $0xFFFFFFFC, s8;
	v4 =	vmul.f32 $1.442695020e+00, v4;
	(erf) = vpow2.f32 v6;
	v63 =	vadd.f32 v62, v59  }
0x1fe: {  	v7 =	vld.idx.msk [tilespmem:v7+s22+$0x0], $0xffff;
	v18 =	vadd.s32 s20, v0;
	v16 =	vor.u32 v2, v60;
	v17 =	vand.u32 $0x7F, v61;
	v19 =	vpop (erf)  }
0x1ff: {  	s9 =	sadd.s32 $0xFFFFFFFD, s8;
	v5 =	vmul.f32 $1.442695020e+00, v5;
	(erf) = vpow2.f32 v4;
	v20 =	vadd.f32 v19, v63  }
0x200: {  	v24 =	vadd.s32 s9, v0;
	v23 =	vand.u32 $0x7F, v18;
	v22 =	vor.u32 v2, v17;
	v21 =	vld.idx.msk [tilespmem:v9+s22+$0x0], $0xffff;
	v25 =	vpop (erf)  }
0x201: {  	s10 =	sadd.s32 $0xFFFFFFFE, s8;
	v3 =	vmul.f32 $1.442695020e+00, v3;
	(erf) = vpow2.f32 v5;
	v4 =	vadd.f32 v25, v20  }
0x202: {  	v29 =	vadd.s32 s10, v0;
	v28 =	vand.u32 $0x7F, v24;
	v27 =	vor.u32 v2, v23;
	v26 =	vld.idx.msk [tilespmem:v8+s22+$0x0], $0xffff;
	v30 =	vpop (erf)  }
0x203: {  	s12 =	sadd.s32 $0xFFFFFFFF, s8;
	v7 =	vmul.f32 $1.442695020e+00, v7;
	(erf) = vpow2.f32 v3;
	v4 =	vadd.f32 v30, v4  }
0x204: {  	v32 =	vand.u32 $0x7F, v29;
	v33 =	vadd.s32 s12, v0;
	v31 =	vor.u32 v2, v28;
	v3 =	vld.idx.msk [tilespmem:v16+s22+$0x0], $0xffff;
	v34 =	vpop (erf)  }
0x205: {  	v6 =	vmul.f32 $1.442695020e+00, v21;
	(erf) = vpow2.f32 v7;
	v4 =	vadd.f32 v34, v4  }
0x206: {  	v38 =	vadd.s32 s8, v0;
	v36 =	vor.u32 v2, v32;
	v37 =	vand.u32 $0x7F, v33;
	v35 =	vld.idx.msk [tilespmem:v22+s22+$0x0], $0xffff;
	v39 =	vpop (erf)  }
0x207: {  	v5 =	vmul.f32 $1.442695020e+00, v26;
	(erf) = vpow2.f32 v6;
	v4 =	vadd.f32 v39, v4  }
0x208: {  	v42 =	vand.u32 $0x7F, v38;
	v41 =	vor.u32 v2, v37;
	v40 =	vld.idx.msk [tilespmem:v27+s22+$0x0], $0xffff;
	v43 =	vpop (erf)  }
0x209: {  	v3 =	vmul.f32 $1.442695020e+00, v3;
	(erf) = vpow2.f32 v5;
	v4 =	vadd.f32 v43, v4  }
0x20a: {  	v45 =	vor.u32 v2, v42;
	v44 =	vld.idx.msk [tilespmem:v31+s22+$0x0], $0xffff;
	v46 =	vpop (erf)  }
0x20b: {  	v7 =	vmul.f32 $1.442695020e+00, v35;
	(erf) = vpow2.f32 v3;
	v3 =	vadd.f32 v46, v4  }
0x20c: {  	v47 =	vld.idx.msk [tilespmem:v36+s22+$0x0], $0xffff;
	v48 =	vpop (erf)  }
0x20d: {  	v6 =	vmul.f32 $1.442695020e+00, v40;
	(erf) = vpow2.f32 v7;
	v3 =	vadd.f32 v48, v3  }
0x20e: {  	s20 =	sor.u32 s0, s7;
	v49 =	vld.idx.msk [tilespmem:v41+s22+$0x0], $0xffff;
	v50 =	vpop (erf)  }
0x20f: {  	v55 =	vld [tilespmem:s20+$0x1C00];
	v5 =	vmul.f32 $1.442695020e+00, v44;
	(erf) = vpow2.f32 v6;
	v3 =	vadd.f32 v50, v3  }
0x210: {  	v51 =	vld.idx.msk [tilespmem:v45+s22+$0x0], $0xffff;
	v52 =	vpop (erf)  }
0x211: {  	v4 =	vmul.f32 $1.442695020e+00, v47;
	(erf) = vpow2.f32 v5;
	v3 =	vadd.f32 v52, v3  }
0x212: {  	v53 =	vpop (erf)  }
0x213: {  	v54 =	vmul.f32 $1.442695020e+00, v49;
	(erf) = vpow2.f32 v4;
	v3 =	vadd.f32 v53, v3  }
0x214: {  	v59 =	vand.u32 $0xFFFFFF80, v55;
	v56 =	vpop (erf)  }
0x215: {  	v6 =	vmul.f32 $1.442695020e+00, v51;
	(erf) = vpow2.f32 v54;
	v3 =	vadd.f32 v56, v3  }
0x216: {  	v2 =	vadd.s32 v2, v59;
	v57 =	vpop (erf)  }
0x217: {  	v4 =	vand.u32 $0x7F, v55;
	(erf) = vpow2.f32 v6;
	v3 =	vadd.f32 v57, v3  }
0x218: {  	v2 =	vor.u32 v4, v2;
	v58 =	vpop (erf)  }
0x219: {  	v3 =	vadd.f32 v58, v3  }
0x21a: {  	v60 =	vpop (erf)  }
0x21b: {  	v3 =	vadd.f32 v60, v3  }
0x21c: {  	v61 =	vpop (erf)  }
0x21d: {  	s6 =	sadd.s32 $0x1, s6;
	v2 =	vld.idx.msk [tilespmem:v2+s22+$0x0], $0xffff;
	v3 =	vadd.f32 v61, v3  }
0x21e: {  	p0 =	sne.s32 s6, $0x8;
	v62 =	vpop (erf)  }
.Ltmp9:
0x21f: {  	v3 =	vadd.f32 v62, v3;
	(pc) =	sbr.rel @p0 .LBB2_19-.Ltmp9, $4  }
0x220: {  	v63 =	vpop (erf)  }
0x221: {  	v3 =	vadd.f32 v63, v3  }
0x222: {  	[tilespmem:s20+$0x18E00] =	vst v2  }
0x223: {  	[tilespmem:s20+$0x17500] =	vst v3  }
0x224: {  	s18 =	sadd.s32 $0x1, s18  }
0x225: {  	p0 =	sne.s32 s18, $0xA  }
.Ltmp10:
0x226: {  	_ = 	snop;
	(pc) =	sbr.rel @p0 .LBB2_2-.Ltmp10, $1  }
0x227: {  	_ =	sdelay $0x3  }
0x228: {  	s0 =	simm.s32 $0xA  }
0x229: {  	_ =	swait.ge [sflag:s0], $0x4000  }
0x22a: {  	[sflag:s0] =	ssyncset.done $0x0  }
0x22b: {  	s2 =	simm.s32 $0x17500;
	s10 =	rddreg [dreg:$0x6];
	[sflag:s0] =	ssyncadd.s32 $0xFFFFC000  }
0x22c: {  	[hbm4b:s10+s4] =	stream.linear.scatter [tilespmem:s2], [sflag:$0xC], $0x1900, $0x38;
	[tilespmem:$0x1A700] =	vst v63  }
0x22d: {  	_ =	swait.ge [sflag:s11], $0x1900  }
0x22e: {  	[sflag:s11] =	ssyncset.done $0x0  }
0x22f: {  	s18 =	simm.s32 $0x18E00;
	s12 =	rddreg [dreg:$0x7];
	[sflag:s11] =	ssyncadd.s32 $0xFFFFE700  }
0x230: {  	[hbm4b:s12+s4] =	stream.linear.scatter [tilespmem:s18], [sflag:$0xC], $0x1900, $0x38;
	[tilespmem:$0x1A700] =	vst v63  }
0x231: {  	_ =	swait.ge [sflag:s11], $0x1900  }
0x232: {  	s16 =	sadd.s32 $0x1, s16;
	s20 =	rddreg [dreg:$0x8]  }
0x233: {  	p0 =	sne.s32 s16, s20  }
.Ltmp11:
0x234: {  	_ = 	snop;
	(pc) =	sbr.rel @p0 .LBB2_1-.Ltmp11, $3  }
0x235: {  	_ =	sdelay $0x1  }
0x236: {  	[sflag:s11] =	ssyncset.done $0x0  }
0x237: {  	[sflag:s11] =	ssyncadd.s32 $0xFFFFE700  }
0x238: {  	_ =	sfence.sel $0x180000  }
0x239: {  	[bflag:$0x0] =	sbarrier.arrive $0xFFFF  }
0x23a: {  	_ =	strace $0x90000047  }
0x23b: {  	s0 =	stileid.u32;
	[bflag:$0x2] =	sbarrier.arrive $0xFFFF  }
0x23c: {  	p0 =	sne.s32 s0, $0x0;
	s0 =	rddreg [dreg:$0x3]  }
0x23d: {  	s0 =	sadd.s32 @!p0 $0x100000, s0  }
0x23e: {  	[sflag:s0] =	ssyncadd.tile.s32 @!p0 $0x1;
	_ =	shalt  }
.Lfunc_end2:
_tile_overlayer_lowered:
.L_overlay_start_2:
0x23f: {  	(tag) =	ssettag $0x2  }
0x240: {  	s0 =	rddreg [dreg:$0x0];
	s2 =	stileid.u32  }
0x241: {  	s1 =	rddreg [dreg:$0x1];
	p0 =	sne.s32 s2, $0x0  }
0x242: {  	s3 =	rddreg [dreg:$0x2];
	[bflag:$0x3] =	sbarrier.arrive $0xFFFF;
	s2 =	simm.s32 @!p0 $0x1C0C  }
0x243: {  	[timem:s3], [sflag:s2] =	dma.local @!p0 [hbm:s0], s1  }
0x244: {  	s0 =	simm.s32 @!p0 $0xC  }
0x245: {  	_ =	swait.ge @!p0 [sflag:s0], s1  }
0x246: {  	s1 =	ssub.s32 @!p0 $0x0, s1;
	[sflag:s0] =	ssyncset.done @!p0 $0x0  }
0x247: {  	[sflag:s0] =	ssyncadd.s32 @!p0 s1  }
0x248: {  	[bflag:$0x3] =	sbarrier.arrive $0xFFFF  }
0x249: {  	_ =	shalt  }

</sc_bundles>
